<compile_context>
chip_gen: v7x
topology: tpu7x:2x2x1
jax: 0.10.2.dev20260603
libtpu: 0.0.44.dev20260713+nightly
codegen_flags: <defaults>
</compile_context>

<pallas_src>
import functools

import jax
import jax.numpy as jnp
from jax import lax
from jax.experimental import pallas as pl
from jax.experimental.pallas import tpu as pltpu
from jax.experimental.pallas import tpu_sc as plsc

VOCAB = 100000
D = 1024
L = 8192
B = 4
N = B * L
NC, NS = 2, 16
NW = NC * NS
L_PER_W = L // NW
C = 16
NJ = L_PER_W // C
LANES = 16
VECS_PER_ROW = D // LANES


def _emb_kernel(x_hbm, tok_hbm, pos_hbm, out_hbm,
                idx_v, tok0, tok1, tok2, tok3, pos0, pos1,
                st0, st1, st2, st3, so0, so1, so2, so3, sp0, sp1):
    wid = lax.axis_index("s") * NC + lax.axis_index("c")
    l_base = wid * L_PER_W
    tok_v = (tok0, tok1, tok2, tok3)
    sem_tok = (st0, st1, st2, st3)
    sem_out = (so0, so1, so2, so3)
    pos_v = (pos0, pos1)
    sem_pos = (sp0, sp1)

    for b in range(B):
        pltpu.async_copy(x_hbm.at[pl.ds(b * L + l_base, L_PER_W)],
                         idx_v.at[b], sem_tok[b])
    for b in range(B):
        pltpu.make_async_copy(x_hbm.at[pl.ds(0, L_PER_W)],
                              idx_v.at[b], sem_tok[b]).wait()

    def gather_start(g, b):
        pltpu.async_copy(
            tok_hbm.at[idx_v.at[b, pl.ds(g * C, C)]], tok_v[b], sem_tok[b])

    def gather_wait(b):
        pltpu.make_async_copy(
            tok_hbm.at[idx_v.at[b, pl.ds(0, C)]], tok_v[b], sem_tok[b]).wait()

    def pos_start(g, p):
        pltpu.async_copy(
            pos_hbm.at[pl.ds(l_base + g * C, C), :], pos_v[p], sem_pos[p])

    def pos_wait(p):
        pltpu.make_async_copy(
            pos_hbm.at[pl.ds(0, C), :], pos_v[p], sem_pos[p]).wait()

    def out_start(g, b):
        flat0 = b * L + l_base + g * C
        pltpu.async_copy(tok_v[b], out_hbm.at[pl.ds(flat0, C), :], sem_out[b])

    def out_wait(b):
        pltpu.make_async_copy(
            tok_v[b], out_hbm.at[pl.ds(0, C), :], sem_out[b]).wait()

    pos_start(0, 0)
    for b in range(2):
        gather_start(0, b)

    def half(g, p):
        for b in range(B):
            bp = (b + 2) % B
            if b <= 1:
                pl.when(g >= 1)(lambda bp=bp: out_wait(bp))
                gather_start(g, bp)
            else:
                gp = g + 1

                def prefetch(gp=gp, bp=bp):
                    out_wait(bp)
                    gather_start(gp, bp)

                pl.when(gp < NJ)(prefetch)
            if b == 0:
                pl.when(g + 1 < NJ)(lambda: pos_start(g + 1, 1 - p))
                pos_wait(p)
            gather_wait(b)

            tb, pb = tok_v[b], pos_v[p]

            def add_body(t, _, tb=tb, pb=pb):
                r = lax.shift_right_logical(t, 6)
                col = lax.mul(lax.rem(t, VECS_PER_ROW), LANES)
                plsc.addupdate(tb.at[r, pl.ds(col, LANES)],
                               pb[r, pl.ds(col, LANES)])
                return 0

            lax.fori_loop(0, C * VECS_PER_ROW, add_body, 0, unroll=8)
            out_start(g, b)

    def outer(go, _):
        half(go * 2, 0)
        half(go * 2 + 1, 1)
        return 0

    lax.fori_loop(0, NJ // 2, outer, 0)

    for b in range(B):
        out_wait(b)


@functools.partial(jax.jit, static_argnames=())
def kernel(x, token_table, pos_table):
    xf = x.reshape(N).astype(jnp.int32)
    mesh = plsc.VectorSubcoreMesh(core_axis_name="c", subcore_axis_name="s")
    out = pl.kernel(
        _emb_kernel,
        mesh=mesh,
        out_type=jax.ShapeDtypeStruct((N, D), jnp.float32),
        scratch_types=[
            pltpu.VMEM((B, L_PER_W), jnp.int32),
            pltpu.VMEM((C, D), jnp.float32),
            pltpu.VMEM((C, D), jnp.float32),
            pltpu.VMEM((C, D), jnp.float32),
            pltpu.VMEM((C, D), jnp.float32),
            pltpu.VMEM((C, D), jnp.float32),
            pltpu.VMEM((C, D), jnp.float32),
            pltpu.SemaphoreType.DMA,
            pltpu.SemaphoreType.DMA,
            pltpu.SemaphoreType.DMA,
            pltpu.SemaphoreType.DMA,
            pltpu.SemaphoreType.DMA,
            pltpu.SemaphoreType.DMA,
            pltpu.SemaphoreType.DMA,
            pltpu.SemaphoreType.DMA,
            pltpu.SemaphoreType.DMA,
            pltpu.SemaphoreType.DMA,
        ],
    )(xf, token_table, pos_table)
    return out.reshape(B, L, D)

# --- scband reference (transcript-rebuilt; emitter-appended) ---
"""Pipeline reference for scband-embedding-76012331204739 (READ-ONLY COPY).

The authoritative reference and input builder live on the scoring server;
editing this copy changes nothing except your own understanding.
"""

import jax, jax.numpy as jnp
import numpy as np

VOCAB = 100000
D_MODEL = 1024
MAX_SEQ = 8192
B, L = 4, 8192

def setup_inputs(seed: int = 0) -> dict:
    key = jax.random.key(seed)
    k1, k2, k3 = jax.random.split(key, 3)
    x = jax.random.randint(k1, (B, L), 0, VOCAB, dtype=jnp.int64) if jax.config.jax_enable_x64 else jax.random.randint(k1, (B, L), 0, VOCAB, dtype=jnp.int32)
    token_table = jax.random.normal(k2, (VOCAB, D_MODEL), dtype=jnp.float32) * 0.02
    pos_table = jax.random.normal(k3, (MAX_SEQ, D_MODEL), dtype=jnp.float32) * 0.02
    return {"x": x, "token_table": token_table, "pos_table": pos_table}

def reference(x, token_table, pos_table):
    # token embedding gather
    tok_emb = jnp.take(token_table, x, axis=0)            # [B, L, D]
    # learned position embedding gather
    Lcur = x.shape[1]
    positions = jnp.arange(Lcur)
    pos_emb = jnp.take(pos_table, positions, axis=0)[None, :, :]  # [1, L, D]
    # dropout p=0.0 -> identity
    return tok_emb + pos_emb

if __name__ == "__main__":
    import jax
    _d = setup_inputs()
    print(jax.jit(kernel)(*tuple(_d.values())))

</pallas_src>

<mosaic_0001>
#map = affine_map<(d0, d1) -> (0)>
#map1 = affine_map<(d0, d1) -> (0, 0)>
module attributes {stable_mosaic.version = 14 : i64} {
  func.func @_emb_kernel(%arg0: i32, %arg1: i32, %arg2: memref<32768xi32, #tpu.memory_space<hbm>>, %arg3: memref<100000x1024xf32, #tpu.memory_space<hbm>>, %arg4: memref<8192x1024xf32, #tpu.memory_space<hbm>>, %arg5: memref<32768x1024xf32, #tpu.memory_space<hbm>>, %arg6: memref<4x256xi32, #tpu.memory_space<vmem>>, %arg7: memref<16x1024xf32, #tpu.memory_space<vmem>>, %arg8: memref<16x1024xf32, #tpu.memory_space<vmem>>, %arg9: memref<16x1024xf32, #tpu.memory_space<vmem>>, %arg10: memref<16x1024xf32, #tpu.memory_space<vmem>>, %arg11: memref<16x1024xf32, #tpu.memory_space<vmem>>, %arg12: memref<16x1024xf32, #tpu.memory_space<vmem>>, %arg13: memref<!tpu.dma_semaphore, #tpu.memory_space<semaphore_mem>>, %arg14: memref<!tpu.dma_semaphore, #tpu.memory_space<semaphore_mem>>, %arg15: memref<!tpu.dma_semaphore, #tpu.memory_space<semaphore_mem>>, %arg16: memref<!tpu.dma_semaphore, #tpu.memory_space<semaphore_mem>>, %arg17: memref<!tpu.dma_semaphore, #tpu.memory_space<semaphore_mem>>, %arg18: memref<!tpu.dma_semaphore, #tpu.memory_space<semaphore_mem>>, %arg19: memref<!tpu.dma_semaphore, #tpu.memory_space<semaphore_mem>>, %arg20: memref<!tpu.dma_semaphore, #tpu.memory_space<semaphore_mem>>, %arg21: memref<!tpu.dma_semaphore, #tpu.memory_space<semaphore_mem>>, %arg22: memref<!tpu.dma_semaphore, #tpu.memory_space<semaphore_mem>>) attributes {dimension_semantics = [#tpu.dimension_semantics<core_parallel>, #tpu.dimension_semantics<subcore_parallel>], iteration_bounds = array<i64: 2, 16>, scalar_prefetch = 0 : i64, scratch_operands = 17 : i64, tpu.core_type = #tpu.core_type<sc_vector_subcore>, window_params = [{transform_indices = #map}, {transform_indices = #map1}, {transform_indices = #map1}, {transform_indices = #map1}]} {
    %mul3A = arith.constant 2 : i32
    %mul3A_0 = arith.muli %arg1, %mul3A : i32
    %add3A = arith.addi %mul3A_0, %arg0 : i32
    %mul3A_1 = arith.constant 256 : i32
    %mul3A_2 = arith.muli %add3A, %mul3A_1 : i32
    %add3A_3 = arith.constant 0 : i32
    %add3A_4 = arith.addi %add3A_3, %mul3A_2 : i32
    %dma_start3A = arith.constant 0 : i32
    %dma_start3A_5 = arith.constant 0 : i32
    %dma_start3A_6 = tpu.memref_slice %arg6[%dma_start3A, %dma_start3A_5] : memref<4x256xi32, #tpu.memory_space<vmem>> -> memref<1x256xi32, #tpu.memory_space<vmem>>
    %dma_start3A_7 = tpu.memref_squeeze %dma_start3A_6 : memref<1x256xi32, #tpu.memory_space<vmem>> -> memref<256xi32, #tpu.memory_space<vmem>>
    %dma_start3A_8 = tpu.memref_slice %arg2[%add3A_4] : memref<32768xi32, #tpu.memory_space<hbm>> -> memref<256xi32, #tpu.memory_space<hbm>>
    %dma_start3A_9 = arith.constant 0 : i32
    %dma_start3A_10 = tpu.memref_slice %arg6[%dma_start3A, %dma_start3A_9] : memref<4x256xi32, #tpu.memory_space<vmem>> -> memref<1x256xi32, #tpu.memory_space<vmem>>
    %dma_start3A_11 = tpu.memref_squeeze %dma_start3A_10 : memref<1x256xi32, #tpu.memory_space<vmem>> -> memref<256xi32, #tpu.memory_space<vmem>>
    %dma_start3A_12 = tpu.memref_slice %arg2[%add3A_4] : memref<32768xi32, #tpu.memory_space<hbm>> -> memref<256xi32, #tpu.memory_space<hbm>>
    tpu.enqueue_dma source(%dma_start3A_12 : memref<256xi32, #tpu.memory_space<hbm>>) target(%dma_start3A_11 : memref<256xi32, #tpu.memory_space<vmem>>) target_semaphore(%arg13 : memref<!tpu.dma_semaphore, #tpu.memory_space<semaphore_mem>>)
    %add3A_13 = arith.constant 8192 : i32
    %add3A_14 = arith.addi %add3A_13, %mul3A_2 : i32
    %dma_start3A_15 = arith.constant 1 : i32
    %dma_start3A_16 = arith.constant 0 : i32
    %dma_start3A_17 = tpu.memref_slice %arg6[%dma_start3A_15, %dma_start3A_16] : memref<4x256xi32, #tpu.memory_space<vmem>> -> memref<1x256xi32, #tpu.memory_space<vmem>>
    %dma_start3A_18 = tpu.memref_squeeze %dma_start3A_17 : memref<1x256xi32, #tpu.memory_space<vmem>> -> memref<256xi32, #tpu.memory_space<vmem>>
    %dma_start3A_19 = tpu.memref_slice %arg2[%add3A_14] : memref<32768xi32, #tpu.memory_space<hbm>> -> memref<256xi32, #tpu.memory_space<hbm>>
    %dma_start3A_20 = arith.constant 0 : i32
    %dma_start3A_21 = tpu.memref_slice %arg6[%dma_start3A_15, %dma_start3A_20] : memref<4x256xi32, #tpu.memory_space<vmem>> -> memref<1x256xi32, #tpu.memory_space<vmem>>
    %dma_start3A_22 = tpu.memref_squeeze %dma_start3A_21 : memref<1x256xi32, #tpu.memory_space<vmem>> -> memref<256xi32, #tpu.memory_space<vmem>>
    %dma_start3A_23 = tpu.memref_slice %arg2[%add3A_14] : memref<32768xi32, #tpu.memory_space<hbm>> -> memref<256xi32, #tpu.memory_space<hbm>>
    tpu.enqueue_dma source(%dma_start3A_23 : memref<256xi32, #tpu.memory_space<hbm>>) target(%dma_start3A_22 : memref<256xi32, #tpu.memory_space<vmem>>) target_semaphore(%arg14 : memref<!tpu.dma_semaphore, #tpu.memory_space<semaphore_mem>>)
    %add3A_24 = arith.constant 16384 : i32
    %add3A_25 = arith.addi %add3A_24, %mul3A_2 : i32
    %dma_start3A_26 = arith.constant 2 : i32
    %dma_start3A_27 = arith.constant 0 : i32
    %dma_start3A_28 = tpu.memref_slice %arg6[%dma_start3A_26, %dma_start3A_27] : memref<4x256xi32, #tpu.memory_space<vmem>> -> memref<1x256xi32, #tpu.memory_space<vmem>>
    %dma_start3A_29 = tpu.memref_squeeze %dma_start3A_28 : memref<1x256xi32, #tpu.memory_space<vmem>> -> memref<256xi32, #tpu.memory_space<vmem>>
    %dma_start3A_30 = tpu.memref_slice %arg2[%add3A_25] : memref<32768xi32, #tpu.memory_space<hbm>> -> memref<256xi32, #tpu.memory_space<hbm>>
    %dma_start3A_31 = arith.constant 0 : i32
    %dma_start3A_32 = tpu.memref_slice %arg6[%dma_start3A_26, %dma_start3A_31] : memref<4x256xi32, #tpu.memory_space<vmem>> -> memref<1x256xi32, #tpu.memory_space<vmem>>
    %dma_start3A_33 = tpu.memref_squeeze %dma_start3A_32 : memref<1x256xi32, #tpu.memory_space<vmem>> -> memref<256xi32, #tpu.memory_space<vmem>>
    %dma_start3A_34 = tpu.memref_slice %arg2[%add3A_25] : memref<32768xi32, #tpu.memory_space<hbm>> -> memref<256xi32, #tpu.memory_space<hbm>>
    tpu.enqueue_dma source(%dma_start3A_34 : memref<256xi32, #tpu.memory_space<hbm>>) target(%dma_start3A_33 : memref<256xi32, #tpu.memory_space<vmem>>) target_semaphore(%arg15 : memref<!tpu.dma_semaphore, #tpu.memory_space<semaphore_mem>>)
    %add3A_35 = arith.constant 24576 : i32
    %add3A_36 = arith.addi %add3A_35, %mul3A_2 : i32
    %dma_start3A_37 = arith.constant 3 : i32
    %dma_start3A_38 = arith.constant 0 : i32
    %dma_start3A_39 = tpu.memref_slice %arg6[%dma_start3A_37, %dma_start3A_38] : memref<4x256xi32, #tpu.memory_space<vmem>> -> memref<1x256xi32, #tpu.memory_space<vmem>>
    %dma_start3A_40 = tpu.memref_squeeze %dma_start3A_39 : memref<1x256xi32, #tpu.memory_space<vmem>> -> memref<256xi32, #tpu.memory_space<vmem>>
    %dma_start3A_41 = tpu.memref_slice %arg2[%add3A_36] : memref<32768xi32, #tpu.memory_space<hbm>> -> memref<256xi32, #tpu.memory_space<hbm>>
    %dma_start3A_42 = arith.constant 0 : i32
    %dma_start3A_43 = tpu.memref_slice %arg6[%dma_start3A_37, %dma_start3A_42] : memref<4x256xi32, #tpu.memory_space<vmem>> -> memref<1x256xi32, #tpu.memory_space<vmem>>
    %dma_start3A_44 = tpu.memref_squeeze %dma_start3A_43 : memref<1x256xi32, #tpu.memory_space<vmem>> -> memref<256xi32, #tpu.memory_space<vmem>>
    %dma_start3A_45 = tpu.memref_slice %arg2[%add3A_36] : memref<32768xi32, #tpu.memory_space<hbm>> -> memref<256xi32, #tpu.memory_space<hbm>>
    tpu.enqueue_dma source(%dma_start3A_45 : memref<256xi32, #tpu.memory_space<hbm>>) target(%dma_start3A_44 : memref<256xi32, #tpu.memory_space<vmem>>) target_semaphore(%arg16 : memref<!tpu.dma_semaphore, #tpu.memory_space<semaphore_mem>>)
    %dma_wait3A = arith.constant 0 : i32
    %dma_wait3A_46 = arith.constant 0 : i32
    %dma_wait3A_47 = tpu.memref_slice %arg6[%dma_wait3A, %dma_wait3A_46] : memref<4x256xi32, #tpu.memory_space<vmem>> -> memref<1x256xi32, #tpu.memory_space<vmem>>
    %dma_wait3A_48 = tpu.memref_squeeze %dma_wait3A_47 : memref<1x256xi32, #tpu.memory_space<vmem>> -> memref<256xi32, #tpu.memory_space<vmem>>
    %dma_wait3A_49 = arith.constant 0 : i32
    %dma_wait3A_50 = tpu.memref_slice %arg2[%dma_wait3A_49] : memref<32768xi32, #tpu.memory_space<hbm>> -> memref<256xi32, #tpu.memory_space<hbm>>
    %dma_wait3A_51 = arith.constant 0 : i32
    %dma_wait3A_52 = tpu.memref_slice %arg6[%dma_wait3A, %dma_wait3A_51] : memref<4x256xi32, #tpu.memory_space<vmem>> -> memref<1x256xi32, #tpu.memory_space<vmem>>
    %dma_wait3A_53 = tpu.memref_squeeze %dma_wait3A_52 : memref<1x256xi32, #tpu.memory_space<vmem>> -> memref<256xi32, #tpu.memory_space<vmem>>
    %dma_wait3A_54 = arith.constant 0 : i32
    %dma_wait3A_55 = tpu.memref_slice %arg2[%dma_wait3A_54] : memref<32768xi32, #tpu.memory_space<hbm>> -> memref<256xi32, #tpu.memory_space<hbm>>
    tpu.wait_dma2 semaphore(%arg13 : memref<!tpu.dma_semaphore, #tpu.memory_space<semaphore_mem>>) src(%dma_wait3A_55 : memref<256xi32, #tpu.memory_space<hbm>>) dst(%dma_wait3A_53 : memref<256xi32, #tpu.memory_space<vmem>>)
    %dma_wait3A_56 = arith.constant 1 : i32
    %dma_wait3A_57 = arith.constant 0 : i32
    %dma_wait3A_58 = tpu.memref_slice %arg6[%dma_wait3A_56, %dma_wait3A_57] : memref<4x256xi32, #tpu.memory_space<vmem>> -> memref<1x256xi32, #tpu.memory_space<vmem>>
    %dma_wait3A_59 = tpu.memref_squeeze %dma_wait3A_58 : memref<1x256xi32, #tpu.memory_space<vmem>> -> memref<256xi32, #tpu.memory_space<vmem>>
    %dma_wait3A_60 = arith.constant 0 : i32
    %dma_wait3A_61 = tpu.memref_slice %arg2[%dma_wait3A_60] : memref<32768xi32, #tpu.memory_space<hbm>> -> memref<256xi32, #tpu.memory_space<hbm>>
    %dma_wait3A_62 = arith.constant 0 : i32
    %dma_wait3A_63 = tpu.memref_slice %arg6[%dma_wait3A_56, %dma_wait3A_62] : memref<4x256xi32, #tpu.memory_space<vmem>> -> memref<1x256xi32, #tpu.memory_space<vmem>>
    %dma_wait3A_64 = tpu.memref_squeeze %dma_wait3A_63 : memref<1x256xi32, #tpu.memory_space<vmem>> -> memref<256xi32, #tpu.memory_space<vmem>>
    %dma_wait3A_65 = arith.constant 0 : i32
    %dma_wait3A_66 = tpu.memref_slice %arg2[%dma_wait3A_65] : memref<32768xi32, #tpu.memory_space<hbm>> -> memref<256xi32, #tpu.memory_space<hbm>>
    tpu.wait_dma2 semaphore(%arg14 : memref<!tpu.dma_semaphore, #tpu.memory_space<semaphore_mem>>) src(%dma_wait3A_66 : memref<256xi32, #tpu.memory_space<hbm>>) dst(%dma_wait3A_64 : memref<256xi32, #tpu.memory_space<vmem>>)
    %dma_wait3A_67 = arith.constant 2 : i32
    %dma_wait3A_68 = arith.constant 0 : i32
    %dma_wait3A_69 = tpu.memref_slice %arg6[%dma_wait3A_67, %dma_wait3A_68] : memref<4x256xi32, #tpu.memory_space<vmem>> -> memref<1x256xi32, #tpu.memory_space<vmem>>
    %dma_wait3A_70 = tpu.memref_squeeze %dma_wait3A_69 : memref<1x256xi32, #tpu.memory_space<vmem>> -> memref<256xi32, #tpu.memory_space<vmem>>
    %dma_wait3A_71 = arith.constant 0 : i32
    %dma_wait3A_72 = tpu.memref_slice %arg2[%dma_wait3A_71] : memref<32768xi32, #tpu.memory_space<hbm>> -> memref<256xi32, #tpu.memory_space<hbm>>
    %dma_wait3A_73 = arith.constant 0 : i32
    %dma_wait3A_74 = tpu.memref_slice %arg6[%dma_wait3A_67, %dma_wait3A_73] : memref<4x256xi32, #tpu.memory_space<vmem>> -> memref<1x256xi32, #tpu.memory_space<vmem>>
    %dma_wait3A_75 = tpu.memref_squeeze %dma_wait3A_74 : memref<1x256xi32, #tpu.memory_space<vmem>> -> memref<256xi32, #tpu.memory_space<vmem>>
    %dma_wait3A_76 = arith.constant 0 : i32
    %dma_wait3A_77 = tpu.memref_slice %arg2[%dma_wait3A_76] : memref<32768xi32, #tpu.memory_space<hbm>> -> memref<256xi32, #tpu.memory_space<hbm>>
    tpu.wait_dma2 semaphore(%arg15 : memref<!tpu.dma_semaphore, #tpu.memory_space<semaphore_mem>>) src(%dma_wait3A_77 : memref<256xi32, #tpu.memory_space<hbm>>) dst(%dma_wait3A_75 : memref<256xi32, #tpu.memory_space<vmem>>)
    %dma_wait3A_78 = arith.constant 3 : i32
    %dma_wait3A_79 = arith.constant 0 : i32
    %dma_wait3A_80 = tpu.memref_slice %arg6[%dma_wait3A_78, %dma_wait3A_79] : memref<4x256xi32, #tpu.memory_space<vmem>> -> memref<1x256xi32, #tpu.memory_space<vmem>>
    %dma_wait3A_81 = tpu.memref_squeeze %dma_wait3A_80 : memref<1x256xi32, #tpu.memory_space<vmem>> -> memref<256xi32, #tpu.memory_space<vmem>>
    %dma_wait3A_82 = arith.constant 0 : i32
    %dma_wait3A_83 = tpu.memref_slice %arg2[%dma_wait3A_82] : memref<32768xi32, #tpu.memory_space<hbm>> -> memref<256xi32, #tpu.memory_space<hbm>>
    %dma_wait3A_84 = arith.constant 0 : i32
    %dma_wait3A_85 = tpu.memref_slice %arg6[%dma_wait3A_78, %dma_wait3A_84] : memref<4x256xi32, #tpu.memory_space<vmem>> -> memref<1x256xi32, #tpu.memory_space<vmem>>
    %dma_wait3A_86 = tpu.memref_squeeze %dma_wait3A_85 : memref<1x256xi32, #tpu.memory_space<vmem>> -> memref<256xi32, #tpu.memory_space<vmem>>
    %dma_wait3A_87 = arith.constant 0 : i32
    %dma_wait3A_88 = tpu.memref_slice %arg2[%dma_wait3A_87] : memref<32768xi32, #tpu.memory_space<hbm>> -> memref<256xi32, #tpu.memory_space<hbm>>
    tpu.wait_dma2 semaphore(%arg16 : memref<!tpu.dma_semaphore, #tpu.memory_space<semaphore_mem>>) src(%dma_wait3A_88 : memref<256xi32, #tpu.memory_space<hbm>>) dst(%dma_wait3A_86 : memref<256xi32, #tpu.memory_space<vmem>>)
    %add3A_89 = arith.constant 0 : i32
    %add3A_90 = arith.addi %mul3A_2, %add3A_89 : i32
    %dma_start3A_91 = arith.constant 0 : i32
    %dma_start3A_92 = tpu.memref_slice %arg4[%add3A_90, %dma_start3A_91] : memref<8192x1024xf32, #tpu.memory_space<hbm>> -> memref<16x1024xf32, #tpu.memory_space<hbm>>
    %dma_start3A_93 = arith.constant 0 : i32
    %dma_start3A_94 = tpu.memref_slice %arg4[%add3A_90, %dma_start3A_93] : memref<8192x1024xf32, #tpu.memory_space<hbm>> -> memref<16x1024xf32, #tpu.memory_space<hbm>>
    tpu.enqueue_dma source(%dma_start3A_94 : memref<16x1024xf32, #tpu.memory_space<hbm>>) target(%arg11 : memref<16x1024xf32, #tpu.memory_space<vmem>>) target_semaphore(%arg21 : memref<!tpu.dma_semaphore, #tpu.memory_space<semaphore_mem>>)
    %dma_start3A_95 = arith.constant 0 : i32
    %dma_start3A_96 = arith.constant 0 : i32
    %dma_start3A_97 = tpu.memref_slice %arg6[%dma_start3A_95, %dma_start3A_96] : memref<4x256xi32, #tpu.memory_space<vmem>> -> memref<1x16xi32, #tpu.memory_space<vmem>>
    %dma_start3A_98 = tpu.memref_squeeze %dma_start3A_97 : memref<1x16xi32, #tpu.memory_space<vmem>> -> memref<16xi32, #tpu.memory_space<vmem>>
    %dma_start3A_99 = arith.constant 0 : i32
    %dma_start3A_100 = arith.constant 0 : i32
    %dma_start3A_101 = tpu.memref_slice %arg3[%dma_start3A_99, %dma_start3A_100] : memref<100000x1024xf32, #tpu.memory_space<hbm>> -> memref<100000x1024xf32, #tpu.memory_space<hbm>>
    tpu.enqueue_indirect_dma source(%dma_start3A_101 : memref<100000x1024xf32, #tpu.memory_space<hbm>>) target(%arg7 : memref<16x1024xf32, #tpu.memory_space<vmem>>) offsets(%dma_start3A_98 : memref<16xi32, #tpu.memory_space<vmem>>) semaphore(%arg13 : memref<!tpu.dma_semaphore, #tpu.memory_space<semaphore_mem>>)
    %dma_start3A_102 = arith.constant 1 : i32
    %dma_start3A_103 = arith.constant 0 : i32
    %dma_start3A_104 = tpu.memref_slice %arg6[%dma_start3A_102, %dma_start3A_103] : memref<4x256xi32, #tpu.memory_space<vmem>> -> memref<1x16xi32, #tpu.memory_space<vmem>>
    %dma_start3A_105 = tpu.memref_squeeze %dma_start3A_104 : memref<1x16xi32, #tpu.memory_space<vmem>> -> memref<16xi32, #tpu.memory_space<vmem>>
    %dma_start3A_106 = arith.constant 0 : i32
    %dma_start3A_107 = arith.constant 0 : i32
    %dma_start3A_108 = tpu.memref_slice %arg3[%dma_start3A_106, %dma_start3A_107] : memref<100000x1024xf32, #tpu.memory_space<hbm>> -> memref<100000x1024xf32, #tpu.memory_space<hbm>>
    tpu.enqueue_indirect_dma source(%dma_start3A_108 : memref<100000x1024xf32, #tpu.memory_space<hbm>>) target(%arg8 : memref<16x1024xf32, #tpu.memory_space<vmem>>) offsets(%dma_start3A_105 : memref<16xi32, #tpu.memory_space<vmem>>) semaphore(%arg14 : memref<!tpu.dma_semaphore, #tpu.memory_space<semaphore_mem>>)
    %scan3A = arith.constant 0 : i32
    %scan3A_109 = arith.constant 0 : i32
    %scan3A_110 = arith.constant 8 : i32
    %scan3A_111 = arith.addi %scan3A_109, %scan3A_110 : i32
    %scan3A_112 = arith.constant 1 : i32
    %scan3A_113 = scf.for %scan3A_139 = %scan3A_109 to %scan3A_111 step %scan3A_112 iter_args(%scan3A_140 = %scan3A) -> (i32)  : i32 {
      %mul3A_141 = arith.constant 2 : i32
      %mul3A_142 = arith.muli %scan3A_139, %mul3A_141 : i32
      %ge3A = arith.constant 1 : i32
      %ge3A_143 = arith.cmpi sge, %mul3A_142, %ge3A : i32
      %convert_element_type3A = arith.extui %ge3A_143 : i1 to i32
      %cond3A = arith.constant 0 : i32
      %cond3A_144 = arith.cmpi ne, %convert_element_type3A, %cond3A : i32
      scf.if %cond3A_144 {
        %dma_wait3A_434 = arith.constant 0 : i32
        %dma_wait3A_435 = arith.constant 0 : i32
        %dma_wait3A_436 = tpu.memref_slice %arg5[%dma_wait3A_434, %dma_wait3A_435] : memref<32768x1024xf32, #tpu.memory_space<hbm>> -> memref<16x1024xf32, #tpu.memory_space<hbm>>
        %dma_wait3A_437 = arith.constant 0 : i32
        %dma_wait3A_438 = arith.constant 0 : i32
        %dma_wait3A_439 = tpu.memref_slice %arg5[%dma_wait3A_437, %dma_wait3A_438] : memref<32768x1024xf32, #tpu.memory_space<hbm>> -> memref<16x1024xf32, #tpu.memory_space<hbm>>
        tpu.wait_dma2 semaphore(%arg19 : memref<!tpu.dma_semaphore, #tpu.memory_space<semaphore_mem>>) src(%arg9 : memref<16x1024xf32, #tpu.memory_space<vmem>>) dst(%dma_wait3A_439 : memref<16x1024xf32, #tpu.memory_space<hbm>>)
      } else {
      }
      %mul3A_145 = arith.constant 16 : i32
      %mul3A_146 = arith.muli %mul3A_142, %mul3A_145 : i32
      %dma_start3A_147 = arith.constant 2 : i32
      %dma_start3A_148 = tpu.memref_slice %arg6[%dma_start3A_147, %mul3A_146] : memref<4x256xi32, #tpu.memory_space<vmem>> -> memref<1x16xi32, #tpu.memory_space<vmem>>
      %dma_start3A_149 = tpu.memref_squeeze %dma_start3A_148 : memref<1x16xi32, #tpu.memory_space<vmem>> -> memref<16xi32, #tpu.memory_space<vmem>>
      %dma_start3A_150 = arith.constant 0 : i32
      %dma_start3A_151 = arith.constant 0 : i32
      %dma_start3A_152 = tpu.memref_slice %arg3[%dma_start3A_150, %dma_start3A_151] : memref<100000x1024xf32, #tpu.memory_space<hbm>> -> memref<100000x1024xf32, #tpu.memory_space<hbm>>
      tpu.enqueue_indirect_dma source(%dma_start3A_152 : memref<100000x1024xf32, #tpu.memory_space<hbm>>) target(%arg9 : memref<16x1024xf32, #tpu.memory_space<vmem>>) offsets(%dma_start3A_149 : memref<16xi32, #tpu.memory_space<vmem>>) semaphore(%arg15 : memref<!tpu.dma_semaphore, #tpu.memory_space<semaphore_mem>>)
      %add3A_153 = arith.constant 1 : i32
      %add3A_154 = arith.addi %mul3A_142, %add3A_153 : i32
      %lt3A = arith.constant 16 : i32
      %lt3A_155 = arith.cmpi slt, %add3A_154, %lt3A : i32
      %convert_element_type3A_156 = arith.extui %lt3A_155 : i1 to i32
      %cond3A_157 = arith.constant 0 : i32
      %cond3A_158 = arith.cmpi ne, %convert_element_type3A_156, %cond3A_157 : i32
      scf.if %cond3A_158 {
        %add3A_434 = arith.constant 1 : i32
        %add3A_435 = arith.addi %mul3A_142, %add3A_434 : i32
        %mul3A_436 = arith.constant 16 : i32
        %mul3A_437 = arith.muli %add3A_435, %mul3A_436 : i32
        %add3A_438 = arith.addi %mul3A_2, %mul3A_437 : i32
        %dma_start3A_439 = arith.constant 0 : i32
        %dma_start3A_440 = tpu.memref_slice %arg4[%add3A_438, %dma_start3A_439] : memref<8192x1024xf32, #tpu.memory_space<hbm>> -> memref<16x1024xf32, #tpu.memory_space<hbm>>
        %dma_start3A_441 = arith.constant 0 : i32
        %dma_start3A_442 = tpu.memref_slice %arg4[%add3A_438, %dma_start3A_441] : memref<8192x1024xf32, #tpu.memory_space<hbm>> -> memref<16x1024xf32, #tpu.memory_space<hbm>>
        tpu.enqueue_dma source(%dma_start3A_442 : memref<16x1024xf32, #tpu.memory_space<hbm>>) target(%arg12 : memref<16x1024xf32, #tpu.memory_space<vmem>>) target_semaphore(%arg22 : memref<!tpu.dma_semaphore, #tpu.memory_space<semaphore_mem>>)
      } else {
      }
      %dma_wait3A_159 = arith.constant 0 : i32
      %dma_wait3A_160 = arith.constant 0 : i32
      %dma_wait3A_161 = tpu.memref_slice %arg4[%dma_wait3A_159, %dma_wait3A_160] : memref<8192x1024xf32, #tpu.memory_space<hbm>> -> memref<16x1024xf32, #tpu.memory_space<hbm>>
      %dma_wait3A_162 = arith.constant 0 : i32
      %dma_wait3A_163 = arith.constant 0 : i32
      %dma_wait3A_164 = tpu.memref_slice %arg4[%dma_wait3A_162, %dma_wait3A_163] : memref<8192x1024xf32, #tpu.memory_space<hbm>> -> memref<16x1024xf32, #tpu.memory_space<hbm>>
      tpu.wait_dma2 semaphore(%arg21 : memref<!tpu.dma_semaphore, #tpu.memory_space<semaphore_mem>>) src(%dma_wait3A_164 : memref<16x1024xf32, #tpu.memory_space<hbm>>) dst(%arg11 : memref<16x1024xf32, #tpu.memory_space<vmem>>)
      %dma_wait3A_165 = arith.constant 0 : i32
      %dma_wait3A_166 = arith.constant 0 : i32
      %dma_wait3A_167 = tpu.memref_slice %arg6[%dma_wait3A_165, %dma_wait3A_166] : memref<4x256xi32, #tpu.memory_space<vmem>> -> memref<1x16xi32, #tpu.memory_space<vmem>>
      %dma_wait3A_168 = tpu.memref_squeeze %dma_wait3A_167 : memref<1x16xi32, #tpu.memory_space<vmem>> -> memref<16xi32, #tpu.memory_space<vmem>>
      %dma_wait3A_169 = arith.constant 0 : i32
      %dma_wait3A_170 = arith.constant 0 : i32
      %dma_wait3A_171 = tpu.memref_slice %arg3[%dma_wait3A_169, %dma_wait3A_170] : memref<100000x1024xf32, #tpu.memory_space<hbm>> -> memref<100000x1024xf32, #tpu.memory_space<hbm>>
      tpu.wait_indirect_dma semaphore(%arg13 : memref<!tpu.dma_semaphore, #tpu.memory_space<semaphore_mem>>) src(%dma_wait3A_171 : memref<100000x1024xf32, #tpu.memory_space<hbm>>) dst(%arg7 : memref<16x1024xf32, #tpu.memory_space<vmem>>)
      %scan3A_172 = arith.constant 0 : i32
      %scan3A_173 = arith.constant 0 : i32
      %scan3A_174 = arith.constant 1024 : i32
      %scan3A_175 = arith.addi %scan3A_173, %scan3A_174 : i32
      %scan3A_176 = arith.constant 8 : i32
      %scan3A_177 = scf.for %scan3A_434 = %scan3A_173 to %scan3A_175 step %scan3A_176 iter_args(%scan3A_435 = %scan3A_172) -> (i32)  : i32 {
        %shift_right_logical3A = arith.constant 6 : i32
        %shift_right_logical3A_436 = arith.shrui %scan3A_434, %shift_right_logical3A : i32
        %rem3A = arith.constant 64 : i32
        %rem3A_437 = arith.remsi %scan3A_434, %rem3A : i32
        %mul3A_438 = arith.constant 16 : i32
        %mul3A_439 = arith.muli %rem3A_437, %mul3A_438 : i32
        %get3A = arith.index_cast %shift_right_logical3A_436 : i32 to index
        %get3A_440 = arith.index_cast %mul3A_439 : i32 to index
        %get3A_441 = tpu.vector_load %arg11[%get3A, %get3A_440] {strides = array<i32>} : memref<16x1024xf32, #tpu.memory_space<vmem>>, vector<1x16xf32>,
        %get3A_442 = vector.shape_cast %get3A_441 : vector<1x16xf32> to vector<16xf32>
        %swap3A = arith.index_cast %shift_right_logical3A_436 : i32 to index
        %swap3A_443 = arith.index_cast %mul3A_439 : i32 to index
        %swap3A_444 = tpu.vector_load %arg7[%swap3A, %swap3A_443] {strides = array<i32>} : memref<16x1024xf32, #tpu.memory_space<vmem>>, vector<1x16xf32>,
        %swap3A_445 = vector.shape_cast %swap3A_444 : vector<1x16xf32> to vector<16xf32>
        %swap3A_446 = vector.shape_cast %get3A_442 : vector<16xf32> to vector<1x16xf32>
        tpu.vector_store %arg7[%swap3A, %swap3A_443], %swap3A_446 {add = true, strides = array<i32>} : memref<16x1024xf32, #tpu.memory_space<vmem>>, vector<1x16xf32>,
        %scan3A_447 = arith.constant 0 : i32
        %scan3A_448 = arith.constant 1 : i32
        %scan3A_449 = arith.addi %scan3A_434, %scan3A_448 : i32
        %shift_right_logical3A_450 = arith.constant 6 : i32
        %shift_right_logical3A_451 = arith.shrui %scan3A_449, %shift_right_logical3A_450 : i32
        %rem3A_452 = arith.constant 64 : i32
        %rem3A_453 = arith.remsi %scan3A_449, %rem3A_452 : i32
        %mul3A_454 = arith.constant 16 : i32
        %mul3A_455 = arith.muli %rem3A_453, %mul3A_454 : i32
        %get3A_456 = arith.index_cast %shift_right_logical3A_451 : i32 to index
        %get3A_457 = arith.index_cast %mul3A_455 : i32 to index
        %get3A_458 = tpu.vector_load %arg11[%get3A_456, %get3A_457] {strides = array<i32>} : memref<16x1024xf32, #tpu.memory_space<vmem>>, vector<1x16xf32>,
        %get3A_459 = vector.shape_cast %get3A_458 : vector<1x16xf32> to vector<16xf32>
        %swap3A_460 = arith.index_cast %shift_right_logical3A_451 : i32 to index
        %swap3A_461 = arith.index_cast %mul3A_455 : i32 to index
        %swap3A_462 = tpu.vector_load %arg7[%swap3A_460, %swap3A_461] {strides = array<i32>} : memref<16x1024xf32, #tpu.memory_space<vmem>>, vector<1x16xf32>,
        %swap3A_463 = vector.shape_cast %swap3A_462 : vector<1x16xf32> to vector<16xf32>
        %swap3A_464 = vector.shape_cast %get3A_459 : vector<16xf32> to vector<1x16xf32>
        tpu.vector_store %arg7[%swap3A_460, %swap3A_461], %swap3A_464 {add = true, strides = array<i32>} : memref<16x1024xf32, #tpu.memory_space<vmem>>, vector<1x16xf32>,
        %scan3A_465 = arith.constant 0 : i32
        %scan3A_466 = arith.constant 2 : i32
        %scan3A_467 = arith.addi %scan3A_434, %scan3A_466 : i32
        %shift_right_logical3A_468 = arith.constant 6 : i32
        %shift_right_logical3A_469 = arith.shrui %scan3A_467, %shift_right_logical3A_468 : i32
        %rem3A_470 = arith.constant 64 : i32
        %rem3A_471 = arith.remsi %scan3A_467, %rem3A_470 : i32
        %mul3A_472 = arith.constant 16 : i32
        %mul3A_473 = arith.muli %rem3A_471, %mul3A_472 : i32
        %get3A_474 = arith.index_cast %shift_right_logical3A_469 : i32 to index
        %get3A_475 = arith.index_cast %mul3A_473 : i32 to index
        %get3A_476 = tpu.vector_load %arg11[%get3A_474, %get3A_475] {strides = array<i32>} : memref<16x1024xf32, #tpu.memory_space<vmem>>, vector<1x16xf32>,
        %get3A_477 = vector.shape_cast %get3A_476 : vector<1x16xf32> to vector<16xf32>
        %swap3A_478 = arith.index_cast %shift_right_logical3A_469 : i32 to index
        %swap3A_479 = arith.index_cast %mul3A_473 : i32 to index
        %swap3A_480 = tpu.vector_load %arg7[%swap3A_478, %swap3A_479] {strides = array<i32>} : memref<16x1024xf32, #tpu.memory_space<vmem>>, vector<1x16xf32>,
        %swap3A_481 = vector.shape_cast %swap3A_480 : vector<1x16xf32> to vector<16xf32>
        %swap3A_482 = vector.shape_cast %get3A_477 : vector<16xf32> to vector<1x16xf32>
        tpu.vector_store %arg7[%swap3A_478, %swap3A_479], %swap3A_482 {add = true, strides = array<i32>} : memref<16x1024xf32, #tpu.memory_space<vmem>>, vector<1x16xf32>,
        %scan3A_483 = arith.constant 0 : i32
        %scan3A_484 = arith.constant 3 : i32
        %scan3A_485 = arith.addi %scan3A_434, %scan3A_484 : i32
        %shift_right_logical3A_486 = arith.constant 6 : i32
        %shift_right_logical3A_487 = arith.shrui %scan3A_485, %shift_right_logical3A_486 : i32
        %rem3A_488 = arith.constant 64 : i32
        %rem3A_489 = arith.remsi %scan3A_485, %rem3A_488 : i32
        %mul3A_490 = arith.constant 16 : i32
        %mul3A_491 = arith.muli %rem3A_489, %mul3A_490 : i32
        %get3A_492 = arith.index_cast %shift_right_logical3A_487 : i32 to index
        %get3A_493 = arith.index_cast %mul3A_491 : i32 to index
        %get3A_494 = tpu.vector_load %arg11[%get3A_492, %get3A_493] {strides = array<i32>} : memref<16x1024xf32, #tpu.memory_space<vmem>>, vector<1x16xf32>,
        %get3A_495 = vector.shape_cast %get3A_494 : vector<1x16xf32> to vector<16xf32>
        %swap3A_496 = arith.index_cast %shift_right_logical3A_487 : i32 to index
        %swap3A_497 = arith.index_cast %mul3A_491 : i32 to index
        %swap3A_498 = tpu.vector_load %arg7[%swap3A_496, %swap3A_497] {strides = array<i32>} : memref<16x1024xf32, #tpu.memory_space<vmem>>, vector<1x16xf32>,
        %swap3A_499 = vector.shape_cast %swap3A_498 : vector<1x16xf32> to vector<16xf32>
        %swap3A_500 = vector.shape_cast %get3A_495 : vector<16xf32> to vector<1x16xf32>
        tpu.vector_store %arg7[%swap3A_496, %swap3A_497], %swap3A_500 {add = true, strides = array<i32>} : memref<16x1024xf32, #tpu.memory_space<vmem>>, vector<1x16xf32>,
        %scan3A_501 = arith.constant 0 : i32
        %scan3A_502 = arith.constant 4 : i32
        %scan3A_503 = arith.addi %scan3A_434, %scan3A_502 : i32
        %shift_right_logical3A_504 = arith.constant 6 : i32
        %shift_right_logical3A_505 = arith.shrui %scan3A_503, %shift_right_logical3A_504 : i32
        %rem3A_506 = arith.constant 64 : i32
        %rem3A_507 = arith.remsi %scan3A_503, %rem3A_506 : i32
        %mul3A_508 = arith.constant 16 : i32
        %mul3A_509 = arith.muli %rem3A_507, %mul3A_508 : i32
        %get3A_510 = arith.index_cast %shift_right_logical3A_505 : i32 to index
        %get3A_511 = arith.index_cast %mul3A_509 : i32 to index
        %get3A_512 = tpu.vector_load %arg11[%get3A_510, %get3A_511] {strides = array<i32>} : memref<16x1024xf32, #tpu.memory_space<vmem>>, vector<1x16xf32>,
        %get3A_513 = vector.shape_cast %get3A_512 : vector<1x16xf32> to vector<16xf32>
        %swap3A_514 = arith.index_cast %shift_right_logical3A_505 : i32 to index
        %swap3A_515 = arith.index_cast %mul3A_509 : i32 to index
        %swap3A_516 = tpu.vector_load %arg7[%swap3A_514, %swap3A_515] {strides = array<i32>} : memref<16x1024xf32, #tpu.memory_space<vmem>>, vector<1x16xf32>,
        %swap3A_517 = vector.shape_cast %swap3A_516 : vector<1x16xf32> to vector<16xf32>
        %swap3A_518 = vector.shape_cast %get3A_513 : vector<16xf32> to vector<1x16xf32>
        tpu.vector_store %arg7[%swap3A_514, %swap3A_515], %swap3A_518 {add = true, strides = array<i32>} : memref<16x1024xf32, #tpu.memory_space<vmem>>, vector<1x16xf32>,
        %scan3A_519 = arith.constant 0 : i32
        %scan3A_520 = arith.constant 5 : i32
        %scan3A_521 = arith.addi %scan3A_434, %scan3A_520 : i32
        %shift_right_logical3A_522 = arith.constant 6 : i32
        %shift_right_logical3A_523 = arith.shrui %scan3A_521, %shift_right_logical3A_522 : i32
        %rem3A_524 = arith.constant 64 : i32
        %rem3A_525 = arith.remsi %scan3A_521, %rem3A_524 : i32
        %mul3A_526 = arith.constant 16 : i32
        %mul3A_527 = arith.muli %rem3A_525, %mul3A_526 : i32
        %get3A_528 = arith.index_cast %shift_right_logical3A_523 : i32 to index
        %get3A_529 = arith.index_cast %mul3A_527 : i32 to index
        %get3A_530 = tpu.vector_load %arg11[%get3A_528, %get3A_529] {strides = array<i32>} : memref<16x1024xf32, #tpu.memory_space<vmem>>, vector<1x16xf32>,
        %get3A_531 = vector.shape_cast %get3A_530 : vector<1x16xf32> to vector<16xf32>
        %swap3A_532 = arith.index_cast %shift_right_logical3A_523 : i32 to index
        %swap3A_533 = arith.index_cast %mul3A_527 : i32 to index
        %swap3A_534 = tpu.vector_load %arg7[%swap3A_532, %swap3A_533] {strides = array<i32>} : memref<16x1024xf32, #tpu.memory_space<vmem>>, vector<1x16xf32>,
        %swap3A_535 = vector.shape_cast %swap3A_534 : vector<1x16xf32> to vector<16xf32>
        %swap3A_536 = vector.shape_cast %get3A_531 : vector<16xf32> to vector<1x16xf32>
        tpu.vector_store %arg7[%swap3A_532, %swap3A_533], %swap3A_536 {add = true, strides = array<i32>} : memref<16x1024xf32, #tpu.memory_space<vmem>>, vector<1x16xf32>,
        %scan3A_537 = arith.constant 0 : i32
        %scan3A_538 = arith.constant 6 : i32
        %scan3A_539 = arith.addi %scan3A_434, %scan3A_538 : i32
        %shift_right_logical3A_540 = arith.constant 6 : i32
        %shift_right_logical3A_541 = arith.shrui %scan3A_539, %shift_right_logical3A_540 : i32
        %rem3A_542 = arith.constant 64 : i32
        %rem3A_543 = arith.remsi %scan3A_539, %rem3A_542 : i32
        %mul3A_544 = arith.constant 16 : i32
        %mul3A_545 = arith.muli %rem3A_543, %mul3A_544 : i32
        %get3A_546 = arith.index_cast %shift_right_logical3A_541 : i32 to index
        %get3A_547 = arith.index_cast %mul3A_545 : i32 to index
        %get3A_548 = tpu.vector_load %arg11[%get3A_546, %get3A_547] {strides = array<i32>} : memref<16x1024xf32, #tpu.memory_space<vmem>>, vector<1x16xf32>,
        %get3A_549 = vector.shape_cast %get3A_548 : vector<1x16xf32> to vector<16xf32>
        %swap3A_550 = arith.index_cast %shift_right_logical3A_541 : i32 to index
        %swap3A_551 = arith.index_cast %mul3A_545 : i32 to index
        %swap3A_552 = tpu.vector_load %arg7[%swap3A_550, %swap3A_551] {strides = array<i32>} : memref<16x1024xf32, #tpu.memory_space<vmem>>, vector<1x16xf32>,
        %swap3A_553 = vector.shape_cast %swap3A_552 : vector<1x16xf32> to vector<16xf32>
        %swap3A_554 = vector.shape_cast %get3A_549 : vector<16xf32> to vector<1x16xf32>
        tpu.vector_store %arg7[%swap3A_550, %swap3A_551], %swap3A_554 {add = true, strides = array<i32>} : memref<16x1024xf32, #tpu.memory_space<vmem>>, vector<1x16xf32>,
        %scan3A_555 = arith.constant 0 : i32
        %scan3A_556 = arith.constant 7 : i32
        %scan3A_557 = arith.addi %scan3A_434, %scan3A_556 : i32
        %shift_right_logical3A_558 = arith.constant 6 : i32
        %shift_right_logical3A_559 = arith.shrui %scan3A_557, %shift_right_logical3A_558 : i32
        %rem3A_560 = arith.constant 64 : i32
        %rem3A_561 = arith.remsi %scan3A_557, %rem3A_560 : i32
        %mul3A_562 = arith.constant 16 : i32
        %mul3A_563 = arith.muli %rem3A_561, %mul3A_562 : i32
        %get3A_564 = arith.index_cast %shift_right_logical3A_559 : i32 to index
        %get3A_565 = arith.index_cast %mul3A_563 : i32 to index
        %get3A_566 = tpu.vector_load %arg11[%get3A_564, %get3A_565] {strides = array<i32>} : memref<16x1024xf32, #tpu.memory_space<vmem>>, vector<1x16xf32>,
        %get3A_567 = vector.shape_cast %get3A_566 : vector<1x16xf32> to vector<16xf32>
        %swap3A_568 = arith.index_cast %shift_right_logical3A_559 : i32 to index
        %swap3A_569 = arith.index_cast %mul3A_563 : i32 to index
        %swap3A_570 = tpu.vector_load %arg7[%swap3A_568, %swap3A_569] {strides = array<i32>} : memref<16x1024xf32, #tpu.memory_space<vmem>>, vector<1x16xf32>,
        %swap3A_571 = vector.shape_cast %swap3A_570 : vector<1x16xf32> to vector<16xf32>
        %swap3A_572 = vector.shape_cast %get3A_567 : vector<16xf32> to vector<1x16xf32>
        tpu.vector_store %arg7[%swap3A_568, %swap3A_569], %swap3A_572 {add = true, strides = array<i32>} : memref<16x1024xf32, #tpu.memory_space<vmem>>, vector<1x16xf32>,
        %scan3A_573 = arith.constant 0 : i32
        scf.yield %scan3A_573 : i32
      }
      %scan3A_178 = arith.constant 1024 : i32
      %add3A_179 = arith.constant 0 : i32
      %add3A_180 = arith.addi %add3A_179, %mul3A_2 : i32
      %mul3A_181 = arith.constant 16 : i32
      %mul3A_182 = arith.muli %mul3A_142, %mul3A_181 : i32
      %add3A_183 = arith.addi %add3A_180, %mul3A_182 : i32
      %dma_start3A_184 = arith.constant 0 : i32
      %dma_start3A_185 = tpu.memref_slice %arg5[%add3A_183, %dma_start3A_184] : memref<32768x1024xf32, #tpu.memory_space<hbm>> -> memref<16x1024xf32, #tpu.memory_space<hbm>>
      %dma_start3A_186 = arith.constant 0 : i32
      %dma_start3A_187 = tpu.memref_slice %arg5[%add3A_183, %dma_start3A_186] : memref<32768x1024xf32, #tpu.memory_space<hbm>> -> memref<16x1024xf32, #tpu.memory_space<hbm>>
      tpu.enqueue_dma source(%arg7 : memref<16x1024xf32, #tpu.memory_space<vmem>>) target(%dma_start3A_187 : memref<16x1024xf32, #tpu.memory_space<hbm>>) target_semaphore(%arg17 : memref<!tpu.dma_semaphore, #tpu.memory_space<semaphore_mem>>)
      %ge3A_188 = arith.constant 1 : i32
      %ge3A_189 = arith.cmpi sge, %mul3A_142, %ge3A_188 : i32
      %convert_element_type3A_190 = arith.extui %ge3A_189 : i1 to i32
      %cond3A_191 = arith.constant 0 : i32
      %cond3A_192 = arith.cmpi ne, %convert_element_type3A_190, %cond3A_191 : i32
      scf.if %cond3A_192 {
        %dma_wait3A_434 = arith.constant 0 : i32
        %dma_wait3A_435 = arith.constant 0 : i32
        %dma_wait3A_436 = tpu.memref_slice %arg5[%dma_wait3A_434, %dma_wait3A_435] : memref<32768x1024xf32, #tpu.memory_space<hbm>> -> memref<16x1024xf32, #tpu.memory_space<hbm>>
        %dma_wait3A_437 = arith.constant 0 : i32
        %dma_wait3A_438 = arith.constant 0 : i32
        %dma_wait3A_439 = tpu.memref_slice %arg5[%dma_wait3A_437, %dma_wait3A_438] : memref<32768x1024xf32, #tpu.memory_space<hbm>> -> memref<16x1024xf32, #tpu.memory_space<hbm>>
        tpu.wait_dma2 semaphore(%arg20 : memref<!tpu.dma_semaphore, #tpu.memory_space<semaphore_mem>>) src(%arg10 : memref<16x1024xf32, #tpu.memory_space<vmem>>) dst(%dma_wait3A_439 : memref<16x1024xf32, #tpu.memory_space<hbm>>)
      } else {
      }
      %mul3A_193 = arith.constant 16 : i32
      %mul3A_194 = arith.muli %mul3A_142, %mul3A_193 : i32
      %dma_start3A_195 = arith.constant 3 : i32
      %dma_start3A_196 = tpu.memref_slice %arg6[%dma_start3A_195, %mul3A_194] : memref<4x256xi32, #tpu.memory_space<vmem>> -> memref<1x16xi32, #tpu.memory_space<vmem>>
      %dma_start3A_197 = tpu.memref_squeeze %dma_start3A_196 : memref<1x16xi32, #tpu.memory_space<vmem>> -> memref<16xi32, #tpu.memory_space<vmem>>
      %dma_start3A_198 = arith.constant 0 : i32
      %dma_start3A_199 = arith.constant 0 : i32
      %dma_start3A_200 = tpu.memref_slice %arg3[%dma_start3A_198, %dma_start3A_199] : memref<100000x1024xf32, #tpu.memory_space<hbm>> -> memref<100000x1024xf32, #tpu.memory_space<hbm>>
      tpu.enqueue_indirect_dma source(%dma_start3A_200 : memref<100000x1024xf32, #tpu.memory_space<hbm>>) target(%arg10 : memref<16x1024xf32, #tpu.memory_space<vmem>>) offsets(%dma_start3A_197 : memref<16xi32, #tpu.memory_space<vmem>>) semaphore(%arg16 : memref<!tpu.dma_semaphore, #tpu.memory_space<semaphore_mem>>)
      %dma_wait3A_201 = arith.constant 1 : i32
      %dma_wait3A_202 = arith.constant 0 : i32
      %dma_wait3A_203 = tpu.memref_slice %arg6[%dma_wait3A_201, %dma_wait3A_202] : memref<4x256xi32, #tpu.memory_space<vmem>> -> memref<1x16xi32, #tpu.memory_space<vmem>>
      %dma_wait3A_204 = tpu.memref_squeeze %dma_wait3A_203 : memref<1x16xi32, #tpu.memory_space<vmem>> -> memref<16xi32, #tpu.memory_space<vmem>>
      %dma_wait3A_205 = arith.constant 0 : i32
      %dma_wait3A_206 = arith.constant 0 : i32
      %dma_wait3A_207 = tpu.memref_slice %arg3[%dma_wait3A_205, %dma_wait3A_206] : memref<100000x1024xf32, #tpu.memory_space<hbm>> -> memref<100000x1024xf32, #tpu.memory_space<hbm>>
      tpu.wait_indirect_dma semaphore(%arg14 : memref<!tpu.dma_semaphore, #tpu.memory_space<semaphore_mem>>) src(%dma_wait3A_207 : memref<100000x1024xf32, #tpu.memory_space<hbm>>) dst(%arg8 : memref<16x1024xf32, #tpu.memory_space<vmem>>)
      %scan3A_208 = arith.constant 0 : i32
      %scan3A_209 = arith.constant 0 : i32
      %scan3A_210 = arith.constant 1024 : i32
      %scan3A_211 = arith.addi %scan3A_209, %scan3A_210 : i32
      %scan3A_212 = arith.constant 8 : i32
      %scan3A_213 = scf.for %scan3A_434 = %scan3A_209 to %scan3A_211 step %scan3A_212 iter_args(%scan3A_435 = %scan3A_208) -> (i32)  : i32 {
        %shift_right_logical3A = arith.constant 6 : i32
        %shift_right_logical3A_436 = arith.shrui %scan3A_434, %shift_right_logical3A : i32
        %rem3A = arith.constant 64 : i32
        %rem3A_437 = arith.remsi %scan3A_434, %rem3A : i32
        %mul3A_438 = arith.constant 16 : i32
        %mul3A_439 = arith.muli %rem3A_437, %mul3A_438 : i32
        %get3A = arith.index_cast %shift_right_logical3A_436 : i32 to index
        %get3A_440 = arith.index_cast %mul3A_439 : i32 to index
        %get3A_441 = tpu.vector_load %arg11[%get3A, %get3A_440] {strides = array<i32>} : memref<16x1024xf32, #tpu.memory_space<vmem>>, vector<1x16xf32>,
        %get3A_442 = vector.shape_cast %get3A_441 : vector<1x16xf32> to vector<16xf32>
        %swap3A = arith.index_cast %shift_right_logical3A_436 : i32 to index
        %swap3A_443 = arith.index_cast %mul3A_439 : i32 to index
        %swap3A_444 = tpu.vector_load %arg8[%swap3A, %swap3A_443] {strides = array<i32>} : memref<16x1024xf32, #tpu.memory_space<vmem>>, vector<1x16xf32>,
        %swap3A_445 = vector.shape_cast %swap3A_444 : vector<1x16xf32> to vector<16xf32>
        %swap3A_446 = vector.shape_cast %get3A_442 : vector<16xf32> to vector<1x16xf32>
        tpu.vector_store %arg8[%swap3A, %swap3A_443], %swap3A_446 {add = true, strides = array<i32>} : memref<16x1024xf32, #tpu.memory_space<vmem>>, vector<1x16xf32>,
        %scan3A_447 = arith.constant 0 : i32
        %scan3A_448 = arith.constant 1 : i32
        %scan3A_449 = arith.addi %scan3A_434, %scan3A_448 : i32
        %shift_right_logical3A_450 = arith.constant 6 : i32
        %shift_right_logical3A_451 = arith.shrui %scan3A_449, %shift_right_logical3A_450 : i32
        %rem3A_452 = arith.constant 64 : i32
        %rem3A_453 = arith.remsi %scan3A_449, %rem3A_452 : i32
        %mul3A_454 = arith.constant 16 : i32
        %mul3A_455 = arith.muli %rem3A_453, %mul3A_454 : i32
        %get3A_456 = arith.index_cast %shift_right_logical3A_451 : i32 to index
        %get3A_457 = arith.index_cast %mul3A_455 : i32 to index
        %get3A_458 = tpu.vector_load %arg11[%get3A_456, %get3A_457] {strides = array<i32>} : memref<16x1024xf32, #tpu.memory_space<vmem>>, vector<1x16xf32>,
        %get3A_459 = vector.shape_cast %get3A_458 : vector<1x16xf32> to vector<16xf32>
        %swap3A_460 = arith.index_cast %shift_right_logical3A_451 : i32 to index
        %swap3A_461 = arith.index_cast %mul3A_455 : i32 to index
        %swap3A_462 = tpu.vector_load %arg8[%swap3A_460, %swap3A_461] {strides = array<i32>} : memref<16x1024xf32, #tpu.memory_space<vmem>>, vector<1x16xf32>,
        %swap3A_463 = vector.shape_cast %swap3A_462 : vector<1x16xf32> to vector<16xf32>
        %swap3A_464 = vector.shape_cast %get3A_459 : vector<16xf32> to vector<1x16xf32>
        tpu.vector_store %arg8[%swap3A_460, %swap3A_461], %swap3A_464 {add = true, strides = array<i32>} : memref<16x1024xf32, #tpu.memory_space<vmem>>, vector<1x16xf32>,
        %scan3A_465 = arith.constant 0 : i32
        %scan3A_466 = arith.constant 2 : i32
        %scan3A_467 = arith.addi %scan3A_434, %scan3A_466 : i32
        %shift_right_logical3A_468 = arith.constant 6 : i32
        %shift_right_logical3A_469 = arith.shrui %scan3A_467, %shift_right_logical3A_468 : i32
        %rem3A_470 = arith.constant 64 : i32
        %rem3A_471 = arith.remsi %scan3A_467, %rem3A_470 : i32
        %mul3A_472 = arith.constant 16 : i32
        %mul3A_473 = arith.muli %rem3A_471, %mul3A_472 : i32
        %get3A_474 = arith.index_cast %shift_right_logical3A_469 : i32 to index
        %get3A_475 = arith.index_cast %mul3A_473 : i32 to index
        %get3A_476 = tpu.vector_load %arg11[%get3A_474, %get3A_475] {strides = array<i32>} : memref<16x1024xf32, #tpu.memory_space<vmem>>, vector<1x16xf32>,
        %get3A_477 = vector.shape_cast %get3A_476 : vector<1x16xf32> to vector<16xf32>
        %swap3A_478 = arith.index_cast %shift_right_logical3A_469 : i32 to index
        %swap3A_479 = arith.index_cast %mul3A_473 : i32 to index
        %swap3A_480 = tpu.vector_load %arg8[%swap3A_478, %swap3A_479] {strides = array<i32>} : memref<16x1024xf32, #tpu.memory_space<vmem>>, vector<1x16xf32>,
        %swap3A_481 = vector.shape_cast %swap3A_480 : vector<1x16xf32> to vector<16xf32>
        %swap3A_482 = vector.shape_cast %get3A_477 : vector<16xf32> to vector<1x16xf32>
        tpu.vector_store %arg8[%swap3A_478, %swap3A_479], %swap3A_482 {add = true, strides = array<i32>} : memref<16x1024xf32, #tpu.memory_space<vmem>>, vector<1x16xf32>,
        %scan3A_483 = arith.constant 0 : i32
        %scan3A_484 = arith.constant 3 : i32
        %scan3A_485 = arith.addi %scan3A_434, %scan3A_484 : i32
        %shift_right_logical3A_486 = arith.constant 6 : i32
        %shift_right_logical3A_487 = arith.shrui %scan3A_485, %shift_right_logical3A_486 : i32
        %rem3A_488 = arith.constant 64 : i32
        %rem3A_489 = arith.remsi %scan3A_485, %rem3A_488 : i32
        %mul3A_490 = arith.constant 16 : i32
        %mul3A_491 = arith.muli %rem3A_489, %mul3A_490 : i32
        %get3A_492 = arith.index_cast %shift_right_logical3A_487 : i32 to index
        %get3A_493 = arith.index_cast %mul3A_491 : i32 to index
        %get3A_494 = tpu.vector_load %arg11[%get3A_492, %get3A_493] {strides = array<i32>} : memref<16x1024xf32, #tpu.memory_space<vmem>>, vector<1x16xf32>,
        %get3A_495 = vector.shape_cast %get3A_494 : vector<1x16xf32> to vector<16xf32>
        %swap3A_496 = arith.index_cast %shift_right_logical3A_487 : i32 to index
        %swap3A_497 = arith.index_cast %mul3A_491 : i32 to index
        %swap3A_498 = tpu.vector_load %arg8[%swap3A_496, %swap3A_497] {strides = array<i32>} : memref<16x1024xf32, #tpu.memory_space<vmem>>, vector<1x16xf32>,
        %swap3A_499 = vector.shape_cast %swap3A_498 : vector<1x16xf32> to vector<16xf32>
        %swap3A_500 = vector.shape_cast %get3A_495 : vector<16xf32> to vector<1x16xf32>
        tpu.vector_store %arg8[%swap3A_496, %swap3A_497], %swap3A_500 {add = true, strides = array<i32>} : memref<16x1024xf32, #tpu.memory_space<vmem>>, vector<1x16xf32>,
        %scan3A_501 = arith.constant 0 : i32
        %scan3A_502 = arith.constant 4 : i32
        %scan3A_503 = arith.addi %scan3A_434, %scan3A_502 : i32
        %shift_right_logical3A_504 = arith.constant 6 : i32
        %shift_right_logical3A_505 = arith.shrui %scan3A_503, %shift_right_logical3A_504 : i32
        %rem3A_506 = arith.constant 64 : i32
        %rem3A_507 = arith.remsi %scan3A_503, %rem3A_506 : i32
        %mul3A_508 = arith.constant 16 : i32
        %mul3A_509 = arith.muli %rem3A_507, %mul3A_508 : i32
        %get3A_510 = arith.index_cast %shift_right_logical3A_505 : i32 to index
        %get3A_511 = arith.index_cast %mul3A_509 : i32 to index
        %get3A_512 = tpu.vector_load %arg11[%get3A_510, %get3A_511] {strides = array<i32>} : memref<16x1024xf32, #tpu.memory_space<vmem>>, vector<1x16xf32>,
        %get3A_513 = vector.shape_cast %get3A_512 : vector<1x16xf32> to vector<16xf32>
        %swap3A_514 = arith.index_cast %shift_right_logical3A_505 : i32 to index
        %swap3A_515 = arith.index_cast %mul3A_509 : i32 to index
        %swap3A_516 = tpu.vector_load %arg8[%swap3A_514, %swap3A_515] {strides = array<i32>} : memref<16x1024xf32, #tpu.memory_space<vmem>>, vector<1x16xf32>,
        %swap3A_517 = vector.shape_cast %swap3A_516 : vector<1x16xf32> to vector<16xf32>
        %swap3A_518 = vector.shape_cast %get3A_513 : vector<16xf32> to vector<1x16xf32>
        tpu.vector_store %arg8[%swap3A_514, %swap3A_515], %swap3A_518 {add = true, strides = array<i32>} : memref<16x1024xf32, #tpu.memory_space<vmem>>, vector<1x16xf32>,
        %scan3A_519 = arith.constant 0 : i32
        %scan3A_520 = arith.constant 5 : i32
        %scan3A_521 = arith.addi %scan3A_434, %scan3A_520 : i32
        %shift_right_logical3A_522 = arith.constant 6 : i32
        %shift_right_logical3A_523 = arith.shrui %scan3A_521, %shift_right_logical3A_522 : i32
        %rem3A_524 = arith.constant 64 : i32
        %rem3A_525 = arith.remsi %scan3A_521, %rem3A_524 : i32
        %mul3A_526 = arith.constant 16 : i32
        %mul3A_527 = arith.muli %rem3A_525, %mul3A_526 : i32
        %get3A_528 = arith.index_cast %shift_right_logical3A_523 : i32 to index
        %get3A_529 = arith.index_cast %mul3A_527 : i32 to index
        %get3A_530 = tpu.vector_load %arg11[%get3A_528, %get3A_529] {strides = array<i32>} : memref<16x1024xf32, #tpu.memory_space<vmem>>, vector<1x16xf32>,
        %get3A_531 = vector.shape_cast %get3A_530 : vector<1x16xf32> to vector<16xf32>
        %swap3A_532 = arith.index_cast %shift_right_logical3A_523 : i32 to index
        %swap3A_533 = arith.index_cast %mul3A_527 : i32 to index
        %swap3A_534 = tpu.vector_load %arg8[%swap3A_532, %swap3A_533] {strides = array<i32>} : memref<16x1024xf32, #tpu.memory_space<vmem>>, vector<1x16xf32>,
        %swap3A_535 = vector.shape_cast %swap3A_534 : vector<1x16xf32> to vector<16xf32>
        %swap3A_536 = vector.shape_cast %get3A_531 : vector<16xf32> to vector<1x16xf32>
        tpu.vector_store %arg8[%swap3A_532, %swap3A_533], %swap3A_536 {add = true, strides = array<i32>} : memref<16x1024xf32, #tpu.memory_space<vmem>>, vector<1x16xf32>,
        %scan3A_537 = arith.constant 0 : i32
        %scan3A_538 = arith.constant 6 : i32
        %scan3A_539 = arith.addi %scan3A_434, %scan3A_538 : i32
        %shift_right_logical3A_540 = arith.constant 6 : i32
        %shift_right_logical3A_541 = arith.shrui %scan3A_539, %shift_right_logical3A_540 : i32
        %rem3A_542 = arith.constant 64 : i32
        %rem3A_543 = arith.remsi %scan3A_539, %rem3A_542 : i32
        %mul3A_544 = arith.constant 16 : i32
        %mul3A_545 = arith.muli %rem3A_543, %mul3A_544 : i32
        %get3A_546 = arith.index_cast %shift_right_logical3A_541 : i32 to index
        %get3A_547 = arith.index_cast %mul3A_545 : i32 to index
        %get3A_548 = tpu.vector_load %arg11[%get3A_546, %get3A_547] {strides = array<i32>} : memref<16x1024xf32, #tpu.memory_space<vmem>>, vector<1x16xf32>,
        %get3A_549 = vector.shape_cast %get3A_548 : vector<1x16xf32> to vector<16xf32>
        %swap3A_550 = arith.index_cast %shift_right_logical3A_541 : i32 to index
        %swap3A_551 = arith.index_cast %mul3A_545 : i32 to index
        %swap3A_552 = tpu.vector_load %arg8[%swap3A_550, %swap3A_551] {strides = array<i32>} : memref<16x1024xf32, #tpu.memory_space<vmem>>, vector<1x16xf32>,
        %swap3A_553 = vector.shape_cast %swap3A_552 : vector<1x16xf32> to vector<16xf32>
        %swap3A_554 = vector.shape_cast %get3A_549 : vector<16xf32> to vector<1x16xf32>
        tpu.vector_store %arg8[%swap3A_550, %swap3A_551], %swap3A_554 {add = true, strides = array<i32>} : memref<16x1024xf32, #tpu.memory_space<vmem>>, vector<1x16xf32>,
        %scan3A_555 = arith.constant 0 : i32
        %scan3A_556 = arith.constant 7 : i32
        %scan3A_557 = arith.addi %scan3A_434, %scan3A_556 : i32
        %shift_right_logical3A_558 = arith.constant 6 : i32
        %shift_right_logical3A_559 = arith.shrui %scan3A_557, %shift_right_logical3A_558 : i32
        %rem3A_560 = arith.constant 64 : i32
        %rem3A_561 = arith.remsi %scan3A_557, %rem3A_560 : i32
        %mul3A_562 = arith.constant 16 : i32
        %mul3A_563 = arith.muli %rem3A_561, %mul3A_562 : i32
        %get3A_564 = arith.index_cast %shift_right_logical3A_559 : i32 to index
        %get3A_565 = arith.index_cast %mul3A_563 : i32 to index
        %get3A_566 = tpu.vector_load %arg11[%get3A_564, %get3A_565] {strides = array<i32>} : memref<16x1024xf32, #tpu.memory_space<vmem>>, vector<1x16xf32>,
        %get3A_567 = vector.shape_cast %get3A_566 : vector<1x16xf32> to vector<16xf32>
        %swap3A_568 = arith.index_cast %shift_right_logical3A_559 : i32 to index
        %swap3A_569 = arith.index_cast %mul3A_563 : i32 to index
        %swap3A_570 = tpu.vector_load %arg8[%swap3A_568, %swap3A_569] {strides = array<i32>} : memref<16x1024xf32, #tpu.memory_space<vmem>>, vector<1x16xf32>,
        %swap3A_571 = vector.shape_cast %swap3A_570 : vector<1x16xf32> to vector<16xf32>
        %swap3A_572 = vector.shape_cast %get3A_567 : vector<16xf32> to vector<1x16xf32>
        tpu.vector_store %arg8[%swap3A_568, %swap3A_569], %swap3A_572 {add = true, strides = array<i32>} : memref<16x1024xf32, #tpu.memory_space<vmem>>, vector<1x16xf32>,
        %scan3A_573 = arith.constant 0 : i32
        scf.yield %scan3A_573 : i32
      }
      %scan3A_214 = arith.constant 1024 : i32
      %add3A_215 = arith.constant 8192 : i32
      %add3A_216 = arith.addi %add3A_215, %mul3A_2 : i32
      %mul3A_217 = arith.constant 16 : i32
      %mul3A_218 = arith.muli %mul3A_142, %mul3A_217 : i32
      %add3A_219 = arith.addi %add3A_216, %mul3A_218 : i32
      %dma_start3A_220 = arith.constant 0 : i32
      %dma_start3A_221 = tpu.memref_slice %arg5[%add3A_219, %dma_start3A_220] : memref<32768x1024xf32, #tpu.memory_space<hbm>> -> memref<16x1024xf32, #tpu.memory_space<hbm>>
      %dma_start3A_222 = arith.constant 0 : i32
      %dma_start3A_223 = tpu.memref_slice %arg5[%add3A_219, %dma_start3A_222] : memref<32768x1024xf32, #tpu.memory_space<hbm>> -> memref<16x1024xf32, #tpu.memory_space<hbm>>
      tpu.enqueue_dma source(%arg8 : memref<16x1024xf32, #tpu.memory_space<vmem>>) target(%dma_start3A_223 : memref<16x1024xf32, #tpu.memory_space<hbm>>) target_semaphore(%arg18 : memref<!tpu.dma_semaphore, #tpu.memory_space<semaphore_mem>>)
      %add3A_224 = arith.constant 1 : i32
      %add3A_225 = arith.addi %mul3A_142, %add3A_224 : i32
      %lt3A_226 = arith.constant 16 : i32
      %lt3A_227 = arith.cmpi slt, %add3A_225, %lt3A_226 : i32
      %convert_element_type3A_228 = arith.extui %lt3A_227 : i1 to i32
      %cond3A_229 = arith.constant 0 : i32
      %cond3A_230 = arith.cmpi ne, %convert_element_type3A_228, %cond3A_229 : i32
      scf.if %cond3A_230 {
        %dma_wait3A_434 = arith.constant 0 : i32
        %dma_wait3A_435 = arith.constant 0 : i32
        %dma_wait3A_436 = tpu.memref_slice %arg5[%dma_wait3A_434, %dma_wait3A_435] : memref<32768x1024xf32, #tpu.memory_space<hbm>> -> memref<16x1024xf32, #tpu.memory_space<hbm>>
        %dma_wait3A_437 = arith.constant 0 : i32
        %dma_wait3A_438 = arith.constant 0 : i32
        %dma_wait3A_439 = tpu.memref_slice %arg5[%dma_wait3A_437, %dma_wait3A_438] : memref<32768x1024xf32, #tpu.memory_space<hbm>> -> memref<16x1024xf32, #tpu.memory_space<hbm>>
        tpu.wait_dma2 semaphore(%arg17 : memref<!tpu.dma_semaphore, #tpu.memory_space<semaphore_mem>>) src(%arg7 : memref<16x1024xf32, #tpu.memory_space<vmem>>) dst(%dma_wait3A_439 : memref<16x1024xf32, #tpu.memory_space<hbm>>)
        %mul3A_440 = arith.constant 16 : i32
        %mul3A_441 = arith.muli %add3A_225, %mul3A_440 : i32
        %dma_start3A_442 = arith.constant 0 : i32
        %dma_start3A_443 = tpu.memref_slice %arg6[%dma_start3A_442, %mul3A_441] : memref<4x256xi32, #tpu.memory_space<vmem>> -> memref<1x16xi32, #tpu.memory_space<vmem>>
        %dma_start3A_444 = tpu.memref_squeeze %dma_start3A_443 : memref<1x16xi32, #tpu.memory_space<vmem>> -> memref<16xi32, #tpu.memory_space<vmem>>
        %dma_start3A_445 = arith.constant 0 : i32
        %dma_start3A_446 = arith.constant 0 : i32
        %dma_start3A_447 = tpu.memref_slice %arg3[%dma_start3A_445, %dma_start3A_446] : memref<100000x1024xf32, #tpu.memory_space<hbm>> -> memref<100000x1024xf32, #tpu.memory_space<hbm>>
        tpu.enqueue_indirect_dma source(%dma_start3A_447 : memref<100000x1024xf32, #tpu.memory_space<hbm>>) target(%arg7 : memref<16x1024xf32, #tpu.memory_space<vmem>>) offsets(%dma_start3A_444 : memref<16xi32, #tpu.memory_space<vmem>>) semaphore(%arg13 : memref<!tpu.dma_semaphore, #tpu.memory_space<semaphore_mem>>)
      } else {
      }
      %dma_wait3A_231 = arith.constant 2 : i32
      %dma_wait3A_232 = arith.constant 0 : i32
      %dma_wait3A_233 = tpu.memref_slice %arg6[%dma_wait3A_231, %dma_wait3A_232] : memref<4x256xi32, #tpu.memory_space<vmem>> -> memref<1x16xi32, #tpu.memory_space<vmem>>
      %dma_wait3A_234 = tpu.memref_squeeze %dma_wait3A_233 : memref<1x16xi32, #tpu.memory_space<vmem>> -> memref<16xi32, #tpu.memory_space<vmem>>
      %dma_wait3A_235 = arith.constant 0 : i32
      %dma_wait3A_236 = arith.constant 0 : i32
      %dma_wait3A_237 = tpu.memref_slice %arg3[%dma_wait3A_235, %dma_wait3A_236] : memref<100000x1024xf32, #tpu.memory_space<hbm>> -> memref<100000x1024xf32, #tpu.memory_space<hbm>>
      tpu.wait_indirect_dma semaphore(%arg15 : memref<!tpu.dma_semaphore, #tpu.memory_space<semaphore_mem>>) src(%dma_wait3A_237 : memref<100000x1024xf32, #tpu.memory_space<hbm>>) dst(%arg9 : memref<16x1024xf32, #tpu.memory_space<vmem>>)
      %scan3A_238 = arith.constant 0 : i32
      %scan3A_239 = arith.constant 0 : i32
      %scan3A_240 = arith.constant 1024 : i32
      %scan3A_241 = arith.addi %scan3A_239, %scan3A_240 : i32
      %scan3A_242 = arith.constant 8 : i32
      %scan3A_243 = scf.for %scan3A_434 = %scan3A_239 to %scan3A_241 step %scan3A_242 iter_args(%scan3A_435 = %scan3A_238) -> (i32)  : i32 {
        %shift_right_logical3A = arith.constant 6 : i32
        %shift_right_logical3A_436 = arith.shrui %scan3A_434, %shift_right_logical3A : i32
        %rem3A = arith.constant 64 : i32
        %rem3A_437 = arith.remsi %scan3A_434, %rem3A : i32
        %mul3A_438 = arith.constant 16 : i32
        %mul3A_439 = arith.muli %rem3A_437, %mul3A_438 : i32
        %get3A = arith.index_cast %shift_right_logical3A_436 : i32 to index
        %get3A_440 = arith.index_cast %mul3A_439 : i32 to index
        %get3A_441 = tpu.vector_load %arg11[%get3A, %get3A_440] {strides = array<i32>} : memref<16x1024xf32, #tpu.memory_space<vmem>>, vector<1x16xf32>,
        %get3A_442 = vector.shape_cast %get3A_441 : vector<1x16xf32> to vector<16xf32>
        %swap3A = arith.index_cast %shift_right_logical3A_436 : i32 to index
        %swap3A_443 = arith.index_cast %mul3A_439 : i32 to index
        %swap3A_444 = tpu.vector_load %arg9[%swap3A, %swap3A_443] {strides = array<i32>} : memref<16x1024xf32, #tpu.memory_space<vmem>>, vector<1x16xf32>,
        %swap3A_445 = vector.shape_cast %swap3A_444 : vector<1x16xf32> to vector<16xf32>
        %swap3A_446 = vector.shape_cast %get3A_442 : vector<16xf32> to vector<1x16xf32>
        tpu.vector_store %arg9[%swap3A, %swap3A_443], %swap3A_446 {add = true, strides = array<i32>} : memref<16x1024xf32, #tpu.memory_space<vmem>>, vector<1x16xf32>,
        %scan3A_447 = arith.constant 0 : i32
        %scan3A_448 = arith.constant 1 : i32
        %scan3A_449 = arith.addi %scan3A_434, %scan3A_448 : i32
        %shift_right_logical3A_450 = arith.constant 6 : i32
        %shift_right_logical3A_451 = arith.shrui %scan3A_449, %shift_right_logical3A_450 : i32
        %rem3A_452 = arith.constant 64 : i32
        %rem3A_453 = arith.remsi %scan3A_449, %rem3A_452 : i32
        %mul3A_454 = arith.constant 16 : i32
        %mul3A_455 = arith.muli %rem3A_453, %mul3A_454 : i32
        %get3A_456 = arith.index_cast %shift_right_logical3A_451 : i32 to index
        %get3A_457 = arith.index_cast %mul3A_455 : i32 to index
        %get3A_458 = tpu.vector_load %arg11[%get3A_456, %get3A_457] {strides = array<i32>} : memref<16x1024xf32, #tpu.memory_space<vmem>>, vector<1x16xf32>,
        %get3A_459 = vector.shape_cast %get3A_458 : vector<1x16xf32> to vector<16xf32>
        %swap3A_460 = arith.index_cast %shift_right_logical3A_451 : i32 to index
        %swap3A_461 = arith.index_cast %mul3A_455 : i32 to index
        %swap3A_462 = tpu.vector_load %arg9[%swap3A_460, %swap3A_461] {strides = array<i32>} : memref<16x1024xf32, #tpu.memory_space<vmem>>, vector<1x16xf32>,
        %swap3A_463 = vector.shape_cast %swap3A_462 : vector<1x16xf32> to vector<16xf32>
        %swap3A_464 = vector.shape_cast %get3A_459 : vector<16xf32> to vector<1x16xf32>
        tpu.vector_store %arg9[%swap3A_460, %swap3A_461], %swap3A_464 {add = true, strides = array<i32>} : memref<16x1024xf32, #tpu.memory_space<vmem>>, vector<1x16xf32>,
        %scan3A_465 = arith.constant 0 : i32
        %scan3A_466 = arith.constant 2 : i32
        %scan3A_467 = arith.addi %scan3A_434, %scan3A_466 : i32
        %shift_right_logical3A_468 = arith.constant 6 : i32
        %shift_right_logical3A_469 = arith.shrui %scan3A_467, %shift_right_logical3A_468 : i32
        %rem3A_470 = arith.constant 64 : i32
        %rem3A_471 = arith.remsi %scan3A_467, %rem3A_470 : i32
        %mul3A_472 = arith.constant 16 : i32
        %mul3A_473 = arith.muli %rem3A_471, %mul3A_472 : i32
        %get3A_474 = arith.index_cast %shift_right_logical3A_469 : i32 to index
        %get3A_475 = arith.index_cast %mul3A_473 : i32 to index
        %get3A_476 = tpu.vector_load %arg11[%get3A_474, %get3A_475] {strides = array<i32>} : memref<16x1024xf32, #tpu.memory_space<vmem>>, vector<1x16xf32>,
        %get3A_477 = vector.shape_cast %get3A_476 : vector<1x16xf32> to vector<16xf32>
        %swap3A_478 = arith.index_cast %shift_right_logical3A_469 : i32 to index
        %swap3A_479 = arith.index_cast %mul3A_473 : i32 to index
        %swap3A_480 = tpu.vector_load %arg9[%swap3A_478, %swap3A_479] {strides = array<i32>} : memref<16x1024xf32, #tpu.memory_space<vmem>>, vector<1x16xf32>,
        %swap3A_481 = vector.shape_cast %swap3A_480 : vector<1x16xf32> to vector<16xf32>
        %swap3A_482 = vector.shape_cast %get3A_477 : vector<16xf32> to vector<1x16xf32>
        tpu.vector_store %arg9[%swap3A_478, %swap3A_479], %swap3A_482 {add = true, strides = array<i32>} : memref<16x1024xf32, #tpu.memory_space<vmem>>, vector<1x16xf32>,
        %scan3A_483 = arith.constant 0 : i32
        %scan3A_484 = arith.constant 3 : i32
        %scan3A_485 = arith.addi %scan3A_434, %scan3A_484 : i32
        %shift_right_logical3A_486 = arith.constant 6 : i32
        %shift_right_logical3A_487 = arith.shrui %scan3A_485, %shift_right_logical3A_486 : i32
        %rem3A_488 = arith.constant 64 : i32
        %rem3A_489 = arith.remsi %scan3A_485, %rem3A_488 : i32
        %mul3A_490 = arith.constant 16 : i32
        %mul3A_491 = arith.muli %rem3A_489, %mul3A_490 : i32
        %get3A_492 = arith.index_cast %shift_right_logical3A_487 : i32 to index
        %get3A_493 = arith.index_cast %mul3A_491 : i32 to index
        %get3A_494 = tpu.vector_load %arg11[%get3A_492, %get3A_493] {strides = array<i32>} : memref<16x1024xf32, #tpu.memory_space<vmem>>, vector<1x16xf32>,
        %get3A_495 = vector.shape_cast %get3A_494 : vector<1x16xf32> to vector<16xf32>
        %swap3A_496 = arith.index_cast %shift_right_logical3A_487 : i32 to index
        %swap3A_497 = arith.index_cast %mul3A_491 : i32 to index
        %swap3A_498 = tpu.vector_load %arg9[%swap3A_496, %swap3A_497] {strides = array<i32>} : memref<16x1024xf32, #tpu.memory_space<vmem>>, vector<1x16xf32>,
        %swap3A_499 = vector.shape_cast %swap3A_498 : vector<1x16xf32> to vector<16xf32>
        %swap3A_500 = vector.shape_cast %get3A_495 : vector<16xf32> to vector<1x16xf32>
        tpu.vector_store %arg9[%swap3A_496, %swap3A_497], %swap3A_500 {add = true, strides = array<i32>} : memref<16x1024xf32, #tpu.memory_space<vmem>>, vector<1x16xf32>,
        %scan3A_501 = arith.constant 0 : i32
        %scan3A_502 = arith.constant 4 : i32
        %scan3A_503 = arith.addi %scan3A_434, %scan3A_502 : i32
        %shift_right_logical3A_504 = arith.constant 6 : i32
        %shift_right_logical3A_505 = arith.shrui %scan3A_503, %shift_right_logical3A_504 : i32
        %rem3A_506 = arith.constant 64 : i32
        %rem3A_507 = arith.remsi %scan3A_503, %rem3A_506 : i32
        %mul3A_508 = arith.constant 16 : i32
        %mul3A_509 = arith.muli %rem3A_507, %mul3A_508 : i32
        %get3A_510 = arith.index_cast %shift_right_logical3A_505 : i32 to index
        %get3A_511 = arith.index_cast %mul3A_509 : i32 to index
        %get3A_512 = tpu.vector_load %arg11[%get3A_510, %get3A_511] {strides = array<i32>} : memref<16x1024xf32, #tpu.memory_space<vmem>>, vector<1x16xf32>,
        %get3A_513 = vector.shape_cast %get3A_512 : vector<1x16xf32> to vector<16xf32>
        %swap3A_514 = arith.index_cast %shift_right_logical3A_505 : i32 to index
        %swap3A_515 = arith.index_cast %mul3A_509 : i32 to index
        %swap3A_516 = tpu.vector_load %arg9[%swap3A_514, %swap3A_515] {strides = array<i32>} : memref<16x1024xf32, #tpu.memory_space<vmem>>, vector<1x16xf32>,
        %swap3A_517 = vector.shape_cast %swap3A_516 : vector<1x16xf32> to vector<16xf32>
        %swap3A_518 = vector.shape_cast %get3A_513 : vector<16xf32> to vector<1x16xf32>
        tpu.vector_store %arg9[%swap3A_514, %swap3A_515], %swap3A_518 {add = true, strides = array<i32>} : memref<16x1024xf32, #tpu.memory_space<vmem>>, vector<1x16xf32>,
        %scan3A_519 = arith.constant 0 : i32
        %scan3A_520 = arith.constant 5 : i32
        %scan3A_521 = arith.addi %scan3A_434, %scan3A_520 : i32
        %shift_right_logical3A_522 = arith.constant 6 : i32
        %shift_right_logical3A_523 = arith.shrui %scan3A_521, %shift_right_logical3A_522 : i32
        %rem3A_524 = arith.constant 64 : i32
        %rem3A_525 = arith.remsi %scan3A_521, %rem3A_524 : i32
        %mul3A_526 = arith.constant 16 : i32
        %mul3A_527 = arith.muli %rem3A_525, %mul3A_526 : i32
        %get3A_528 = arith.index_cast %shift_right_logical3A_523 : i32 to index
        %get3A_529 = arith.index_cast %mul3A_527 : i32 to index
        %get3A_530 = tpu.vector_load %arg11[%get3A_528, %get3A_529] {strides = array<i32>} : memref<16x1024xf32, #tpu.memory_space<vmem>>, vector<1x16xf32>,
        %get3A_531 = vector.shape_cast %get3A_530 : vector<1x16xf32> to vector<16xf32>
        %swap3A_532 = arith.index_cast %shift_right_logical3A_523 : i32 to index
        %swap3A_533 = arith.index_cast %mul3A_527 : i32 to index
        %swap3A_534 = tpu.vector_load %arg9[%swap3A_532, %swap3A_533] {strides = array<i32>} : memref<16x1024xf32, #tpu.memory_space<vmem>>, vector<1x16xf32>,
        %swap3A_535 = vector.shape_cast %swap3A_534 : vector<1x16xf32> to vector<16xf32>
        %swap3A_536 = vector.shape_cast %get3A_531 : vector<16xf32> to vector<1x16xf32>
        tpu.vector_store %arg9[%swap3A_532, %swap3A_533], %swap3A_536 {add = true, strides = array<i32>} : memref<16x1024xf32, #tpu.memory_space<vmem>>, vector<1x16xf32>,
        %scan3A_537 = arith.constant 0 : i32
        %scan3A_538 = arith.constant 6 : i32
        %scan3A_539 = arith.addi %scan3A_434, %scan3A_538 : i32
        %shift_right_logical3A_540 = arith.constant 6 : i32
        %shift_right_logical3A_541 = arith.shrui %scan3A_539, %shift_right_logical3A_540 : i32
        %rem3A_542 = arith.constant 64 : i32
        %rem3A_543 = arith.remsi %scan3A_539, %rem3A_542 : i32
        %mul3A_544 = arith.constant 16 : i32
        %mul3A_545 = arith.muli %rem3A_543, %mul3A_544 : i32
        %get3A_546 = arith.index_cast %shift_right_logical3A_541 : i32 to index
        %get3A_547 = arith.index_cast %mul3A_545 : i32 to index
        %get3A_548 = tpu.vector_load %arg11[%get3A_546, %get3A_547] {strides = array<i32>} : memref<16x1024xf32, #tpu.memory_space<vmem>>, vector<1x16xf32>,
        %get3A_549 = vector.shape_cast %get3A_548 : vector<1x16xf32> to vector<16xf32>
        %swap3A_550 = arith.index_cast %shift_right_logical3A_541 : i32 to index
        %swap3A_551 = arith.index_cast %mul3A_545 : i32 to index
        %swap3A_552 = tpu.vector_load %arg9[%swap3A_550, %swap3A_551] {strides = array<i32>} : memref<16x1024xf32, #tpu.memory_space<vmem>>, vector<1x16xf32>,
        %swap3A_553 = vector.shape_cast %swap3A_552 : vector<1x16xf32> to vector<16xf32>
        %swap3A_554 = vector.shape_cast %get3A_549 : vector<16xf32> to vector<1x16xf32>
        tpu.vector_store %arg9[%swap3A_550, %swap3A_551], %swap3A_554 {add = true, strides = array<i32>} : memref<16x1024xf32, #tpu.memory_space<vmem>>, vector<1x16xf32>,
        %scan3A_555 = arith.constant 0 : i32
        %scan3A_556 = arith.constant 7 : i32
        %scan3A_557 = arith.addi %scan3A_434, %scan3A_556 : i32
        %shift_right_logical3A_558 = arith.constant 6 : i32
        %shift_right_logical3A_559 = arith.shrui %scan3A_557, %shift_right_logical3A_558 : i32
        %rem3A_560 = arith.constant 64 : i32
        %rem3A_561 = arith.remsi %scan3A_557, %rem3A_560 : i32
        %mul3A_562 = arith.constant 16 : i32
        %mul3A_563 = arith.muli %rem3A_561, %mul3A_562 : i32
        %get3A_564 = arith.index_cast %shift_right_logical3A_559 : i32 to index
        %get3A_565 = arith.index_cast %mul3A_563 : i32 to index
        %get3A_566 = tpu.vector_load %arg11[%get3A_564, %get3A_565] {strides = array<i32>} : memref<16x1024xf32, #tpu.memory_space<vmem>>, vector<1x16xf32>,
        %get3A_567 = vector.shape_cast %get3A_566 : vector<1x16xf32> to vector<16xf32>
        %swap3A_568 = arith.index_cast %shift_right_logical3A_559 : i32 to index
        %swap3A_569 = arith.index_cast %mul3A_563 : i32 to index
        %swap3A_570 = tpu.vector_load %arg9[%swap3A_568, %swap3A_569] {strides = array<i32>} : memref<16x1024xf32, #tpu.memory_space<vmem>>, vector<1x16xf32>,
        %swap3A_571 = vector.shape_cast %swap3A_570 : vector<1x16xf32> to vector<16xf32>
        %swap3A_572 = vector.shape_cast %get3A_567 : vector<16xf32> to vector<1x16xf32>
        tpu.vector_store %arg9[%swap3A_568, %swap3A_569], %swap3A_572 {add = true, strides = array<i32>} : memref<16x1024xf32, #tpu.memory_space<vmem>>, vector<1x16xf32>,
        %scan3A_573 = arith.constant 0 : i32
        scf.yield %scan3A_573 : i32
      }
      %scan3A_244 = arith.constant 1024 : i32
      %add3A_245 = arith.constant 16384 : i32
      %add3A_246 = arith.addi %add3A_245, %mul3A_2 : i32
      %mul3A_247 = arith.constant 16 : i32
      %mul3A_248 = arith.muli %mul3A_142, %mul3A_247 : i32
      %add3A_249 = arith.addi %add3A_246, %mul3A_248 : i32
      %dma_start3A_250 = arith.constant 0 : i32
      %dma_start3A_251 = tpu.memref_slice %arg5[%add3A_249, %dma_start3A_250] : memref<32768x1024xf32, #tpu.memory_space<hbm>> -> memref<16x1024xf32, #tpu.memory_space<hbm>>
      %dma_start3A_252 = arith.constant 0 : i32
      %dma_start3A_253 = tpu.memref_slice %arg5[%add3A_249, %dma_start3A_252] : memref<32768x1024xf32, #tpu.memory_space<hbm>> -> memref<16x1024xf32, #tpu.memory_space<hbm>>
      tpu.enqueue_dma source(%arg9 : memref<16x1024xf32, #tpu.memory_space<vmem>>) target(%dma_start3A_253 : memref<16x1024xf32, #tpu.memory_space<hbm>>) target_semaphore(%arg19 : memref<!tpu.dma_semaphore, #tpu.memory_space<semaphore_mem>>)
      %add3A_254 = arith.constant 1 : i32
      %add3A_255 = arith.addi %mul3A_142, %add3A_254 : i32
      %lt3A_256 = arith.constant 16 : i32
      %lt3A_257 = arith.cmpi slt, %add3A_255, %lt3A_256 : i32
      %convert_element_type3A_258 = arith.extui %lt3A_257 : i1 to i32
      %cond3A_259 = arith.constant 0 : i32
      %cond3A_260 = arith.cmpi ne, %convert_element_type3A_258, %cond3A_259 : i32
      scf.if %cond3A_260 {
        %dma_wait3A_434 = arith.constant 0 : i32
        %dma_wait3A_435 = arith.constant 0 : i32
        %dma_wait3A_436 = tpu.memref_slice %arg5[%dma_wait3A_434, %dma_wait3A_435] : memref<32768x1024xf32, #tpu.memory_space<hbm>> -> memref<16x1024xf32, #tpu.memory_space<hbm>>
        %dma_wait3A_437 = arith.constant 0 : i32
        %dma_wait3A_438 = arith.constant 0 : i32
        %dma_wait3A_439 = tpu.memref_slice %arg5[%dma_wait3A_437, %dma_wait3A_438] : memref<32768x1024xf32, #tpu.memory_space<hbm>> -> memref<16x1024xf32, #tpu.memory_space<hbm>>
        tpu.wait_dma2 semaphore(%arg18 : memref<!tpu.dma_semaphore, #tpu.memory_space<semaphore_mem>>) src(%arg8 : memref<16x1024xf32, #tpu.memory_space<vmem>>) dst(%dma_wait3A_439 : memref<16x1024xf32, #tpu.memory_space<hbm>>)
        %mul3A_440 = arith.constant 16 : i32
        %mul3A_441 = arith.muli %add3A_255, %mul3A_440 : i32
        %dma_start3A_442 = arith.constant 1 : i32
        %dma_start3A_443 = tpu.memref_slice %arg6[%dma_start3A_442, %mul3A_441] : memref<4x256xi32, #tpu.memory_space<vmem>> -> memref<1x16xi32, #tpu.memory_space<vmem>>
        %dma_start3A_444 = tpu.memref_squeeze %dma_start3A_443 : memref<1x16xi32, #tpu.memory_space<vmem>> -> memref<16xi32, #tpu.memory_space<vmem>>
        %dma_start3A_445 = arith.constant 0 : i32
        %dma_start3A_446 = arith.constant 0 : i32
        %dma_start3A_447 = tpu.memref_slice %arg3[%dma_start3A_445, %dma_start3A_446] : memref<100000x1024xf32, #tpu.memory_space<hbm>> -> memref<100000x1024xf32, #tpu.memory_space<hbm>>
        tpu.enqueue_indirect_dma source(%dma_start3A_447 : memref<100000x1024xf32, #tpu.memory_space<hbm>>) target(%arg8 : memref<16x1024xf32, #tpu.memory_space<vmem>>) offsets(%dma_start3A_444 : memref<16xi32, #tpu.memory_space<vmem>>) semaphore(%arg14 : memref<!tpu.dma_semaphore, #tpu.memory_space<semaphore_mem>>)
      } else {
      }
      %dma_wait3A_261 = arith.constant 3 : i32
      %dma_wait3A_262 = arith.constant 0 : i32
      %dma_wait3A_263 = tpu.memref_slice %arg6[%dma_wait3A_261, %dma_wait3A_262] : memref<4x256xi32, #tpu.memory_space<vmem>> -> memref<1x16xi32, #tpu.memory_space<vmem>>
      %dma_wait3A_264 = tpu.memref_squeeze %dma_wait3A_263 : memref<1x16xi32, #tpu.memory_space<vmem>> -> memref<16xi32, #tpu.memory_space<vmem>>
      %dma_wait3A_265 = arith.constant 0 : i32
      %dma_wait3A_266 = arith.constant 0 : i32
      %dma_wait3A_267 = tpu.memref_slice %arg3[%dma_wait3A_265, %dma_wait3A_266] : memref<100000x1024xf32, #tpu.memory_space<hbm>> -> memref<100000x1024xf32, #tpu.memory_space<hbm>>
      tpu.wait_indirect_dma semaphore(%arg16 : memref<!tpu.dma_semaphore, #tpu.memory_space<semaphore_mem>>) src(%dma_wait3A_267 : memref<100000x1024xf32, #tpu.memory_space<hbm>>) dst(%arg10 : memref<16x1024xf32, #tpu.memory_space<vmem>>)
      %scan3A_268 = arith.constant 0 : i32
      %scan3A_269 = arith.constant 0 : i32
      %scan3A_270 = arith.constant 1024 : i32
      %scan3A_271 = arith.addi %scan3A_269, %scan3A_270 : i32
      %scan3A_272 = arith.constant 8 : i32
      %scan3A_273 = scf.for %scan3A_434 = %scan3A_269 to %scan3A_271 step %scan3A_272 iter_args(%scan3A_435 = %scan3A_268) -> (i32)  : i32 {
        %shift_right_logical3A = arith.constant 6 : i32
        %shift_right_logical3A_436 = arith.shrui %scan3A_434, %shift_right_logical3A : i32
        %rem3A = arith.constant 64 : i32
        %rem3A_437 = arith.remsi %scan3A_434, %rem3A : i32
        %mul3A_438 = arith.constant 16 : i32
        %mul3A_439 = arith.muli %rem3A_437, %mul3A_438 : i32
        %get3A = arith.index_cast %shift_right_logical3A_436 : i32 to index
        %get3A_440 = arith.index_cast %mul3A_439 : i32 to index
        %get3A_441 = tpu.vector_load %arg11[%get3A, %get3A_440] {strides = array<i32>} : memref<16x1024xf32, #tpu.memory_space<vmem>>, vector<1x16xf32>,
        %get3A_442 = vector.shape_cast %get3A_441 : vector<1x16xf32> to vector<16xf32>
        %swap3A = arith.index_cast %shift_right_logical3A_436 : i32 to index
        %swap3A_443 = arith.index_cast %mul3A_439 : i32 to index
        %swap3A_444 = tpu.vector_load %arg10[%swap3A, %swap3A_443] {strides = array<i32>} : memref<16x1024xf32, #tpu.memory_space<vmem>>, vector<1x16xf32>,
        %swap3A_445 = vector.shape_cast %swap3A_444 : vector<1x16xf32> to vector<16xf32>
        %swap3A_446 = vector.shape_cast %get3A_442 : vector<16xf32> to vector<1x16xf32>
        tpu.vector_store %arg10[%swap3A, %swap3A_443], %swap3A_446 {add = true, strides = array<i32>} : memref<16x1024xf32, #tpu.memory_space<vmem>>, vector<1x16xf32>,
        %scan3A_447 = arith.constant 0 : i32
        %scan3A_448 = arith.constant 1 : i32
        %scan3A_449 = arith.addi %scan3A_434, %scan3A_448 : i32
        %shift_right_logical3A_450 = arith.constant 6 : i32
        %shift_right_logical3A_451 = arith.shrui %scan3A_449, %shift_right_logical3A_450 : i32
        %rem3A_452 = arith.constant 64 : i32
        %rem3A_453 = arith.remsi %scan3A_449, %rem3A_452 : i32
        %mul3A_454 = arith.constant 16 : i32
        %mul3A_455 = arith.muli %rem3A_453, %mul3A_454 : i32
        %get3A_456 = arith.index_cast %shift_right_logical3A_451 : i32 to index
        %get3A_457 = arith.index_cast %mul3A_455 : i32 to index
        %get3A_458 = tpu.vector_load %arg11[%get3A_456, %get3A_457] {strides = array<i32>} : memref<16x1024xf32, #tpu.memory_space<vmem>>, vector<1x16xf32>,
        %get3A_459 = vector.shape_cast %get3A_458 : vector<1x16xf32> to vector<16xf32>
        %swap3A_460 = arith.index_cast %shift_right_logical3A_451 : i32 to index
        %swap3A_461 = arith.index_cast %mul3A_455 : i32 to index
        %swap3A_462 = tpu.vector_load %arg10[%swap3A_460, %swap3A_461] {strides = array<i32>} : memref<16x1024xf32, #tpu.memory_space<vmem>>, vector<1x16xf32>,
        %swap3A_463 = vector.shape_cast %swap3A_462 : vector<1x16xf32> to vector<16xf32>
        %swap3A_464 = vector.shape_cast %get3A_459 : vector<16xf32> to vector<1x16xf32>
        tpu.vector_store %arg10[%swap3A_460, %swap3A_461], %swap3A_464 {add = true, strides = array<i32>} : memref<16x1024xf32, #tpu.memory_space<vmem>>, vector<1x16xf32>,
        %scan3A_465 = arith.constant 0 : i32
        %scan3A_466 = arith.constant 2 : i32
        %scan3A_467 = arith.addi %scan3A_434, %scan3A_466 : i32
        %shift_right_logical3A_468 = arith.constant 6 : i32
        %shift_right_logical3A_469 = arith.shrui %scan3A_467, %shift_right_logical3A_468 : i32
        %rem3A_470 = arith.constant 64 : i32
        %rem3A_471 = arith.remsi %scan3A_467, %rem3A_470 : i32
        %mul3A_472 = arith.constant 16 : i32
        %mul3A_473 = arith.muli %rem3A_471, %mul3A_472 : i32
        %get3A_474 = arith.index_cast %shift_right_logical3A_469 : i32 to index
        %get3A_475 = arith.index_cast %mul3A_473 : i32 to index
        %get3A_476 = tpu.vector_load %arg11[%get3A_474, %get3A_475] {strides = array<i32>} : memref<16x1024xf32, #tpu.memory_space<vmem>>, vector<1x16xf32>,
        %get3A_477 = vector.shape_cast %get3A_476 : vector<1x16xf32> to vector<16xf32>
        %swap3A_478 = arith.index_cast %shift_right_logical3A_469 : i32 to index
        %swap3A_479 = arith.index_cast %mul3A_473 : i32 to index
        %swap3A_480 = tpu.vector_load %arg10[%swap3A_478, %swap3A_479] {strides = array<i32>} : memref<16x1024xf32, #tpu.memory_space<vmem>>, vector<1x16xf32>,
        %swap3A_481 = vector.shape_cast %swap3A_480 : vector<1x16xf32> to vector<16xf32>
        %swap3A_482 = vector.shape_cast %get3A_477 : vector<16xf32> to vector<1x16xf32>
        tpu.vector_store %arg10[%swap3A_478, %swap3A_479], %swap3A_482 {add = true, strides = array<i32>} : memref<16x1024xf32, #tpu.memory_space<vmem>>, vector<1x16xf32>,
        %scan3A_483 = arith.constant 0 : i32
        %scan3A_484 = arith.constant 3 : i32
        %scan3A_485 = arith.addi %scan3A_434, %scan3A_484 : i32
        %shift_right_logical3A_486 = arith.constant 6 : i32
        %shift_right_logical3A_487 = arith.shrui %scan3A_485, %shift_right_logical3A_486 : i32
        %rem3A_488 = arith.constant 64 : i32
        %rem3A_489 = arith.remsi %scan3A_485, %rem3A_488 : i32
        %mul3A_490 = arith.constant 16 : i32
        %mul3A_491 = arith.muli %rem3A_489, %mul3A_490 : i32
        %get3A_492 = arith.index_cast %shift_right_logical3A_487 : i32 to index
        %get3A_493 = arith.index_cast %mul3A_491 : i32 to index
        %get3A_494 = tpu.vector_load %arg11[%get3A_492, %get3A_493] {strides = array<i32>} : memref<16x1024xf32, #tpu.memory_space<vmem>>, vector<1x16xf32>,
        %get3A_495 = vector.shape_cast %get3A_494 : vector<1x16xf32> to vector<16xf32>
        %swap3A_496 = arith.index_cast %shift_right_logical3A_487 : i32 to index
        %swap3A_497 = arith.index_cast %mul3A_491 : i32 to index
        %swap3A_498 = tpu.vector_load %arg10[%swap3A_496, %swap3A_497] {strides = array<i32>} : memref<16x1024xf32, #tpu.memory_space<vmem>>, vector<1x16xf32>,
        %swap3A_499 = vector.shape_cast %swap3A_498 : vector<1x16xf32> to vector<16xf32>
        %swap3A_500 = vector.shape_cast %get3A_495 : vector<16xf32> to vector<1x16xf32>
        tpu.vector_store %arg10[%swap3A_496, %swap3A_497], %swap3A_500 {add = true, strides = array<i32>} : memref<16x1024xf32, #tpu.memory_space<vmem>>, vector<1x16xf32>,
        %scan3A_501 = arith.constant 0 : i32
        %scan3A_502 = arith.constant 4 : i32
        %scan3A_503 = arith.addi %scan3A_434, %scan3A_502 : i32
        %shift_right_logical3A_504 = arith.constant 6 : i32
        %shift_right_logical3A_505 = arith.shrui %scan3A_503, %shift_right_logical3A_504 : i32
        %rem3A_506 = arith.constant 64 : i32
        %rem3A_507 = arith.remsi %scan3A_503, %rem3A_506 : i32
        %mul3A_508 = arith.constant 16 : i32
        %mul3A_509 = arith.muli %rem3A_507, %mul3A_508 : i32
        %get3A_510 = arith.index_cast %shift_right_logical3A_505 : i32 to index
        %get3A_511 = arith.index_cast %mul3A_509 : i32 to index
        %get3A_512 = tpu.vector_load %arg11[%get3A_510, %get3A_511] {strides = array<i32>} : memref<16x1024xf32, #tpu.memory_space<vmem>>, vector<1x16xf32>,
        %get3A_513 = vector.shape_cast %get3A_512 : vector<1x16xf32> to vector<16xf32>
        %swap3A_514 = arith.index_cast %shift_right_logical3A_505 : i32 to index
        %swap3A_515 = arith.index_cast %mul3A_509 : i32 to index
        %swap3A_516 = tpu.vector_load %arg10[%swap3A_514, %swap3A_515] {strides = array<i32>} : memref<16x1024xf32, #tpu.memory_space<vmem>>, vector<1x16xf32>,
        %swap3A_517 = vector.shape_cast %swap3A_516 : vector<1x16xf32> to vector<16xf32>
        %swap3A_518 = vector.shape_cast %get3A_513 : vector<16xf32> to vector<1x16xf32>
        tpu.vector_store %arg10[%swap3A_514, %swap3A_515], %swap3A_518 {add = true, strides = array<i32>} : memref<16x1024xf32, #tpu.memory_space<vmem>>, vector<1x16xf32>,
        %scan3A_519 = arith.constant 0 : i32
        %scan3A_520 = arith.constant 5 : i32
        %scan3A_521 = arith.addi %scan3A_434, %scan3A_520 : i32
        %shift_right_logical3A_522 = arith.constant 6 : i32
        %shift_right_logical3A_523 = arith.shrui %scan3A_521, %shift_right_logical3A_522 : i32
        %rem3A_524 = arith.constant 64 : i32
        %rem3A_525 = arith.remsi %scan3A_521, %rem3A_524 : i32
        %mul3A_526 = arith.constant 16 : i32
        %mul3A_527 = arith.muli %rem3A_525, %mul3A_526 : i32
        %get3A_528 = arith.index_cast %shift_right_logical3A_523 : i32 to index
        %get3A_529 = arith.index_cast %mul3A_527 : i32 to index
        %get3A_530 = tpu.vector_load %arg11[%get3A_528, %get3A_529] {strides = array<i32>} : memref<16x1024xf32, #tpu.memory_space<vmem>>, vector<1x16xf32>,
        %get3A_531 = vector.shape_cast %get3A_530 : vector<1x16xf32> to vector<16xf32>
        %swap3A_532 = arith.index_cast %shift_right_logical3A_523 : i32 to index
        %swap3A_533 = arith.index_cast %mul3A_527 : i32 to index
        %swap3A_534 = tpu.vector_load %arg10[%swap3A_532, %swap3A_533] {strides = array<i32>} : memref<16x1024xf32, #tpu.memory_space<vmem>>, vector<1x16xf32>,
        %swap3A_535 = vector.shape_cast %swap3A_534 : vector<1x16xf32> to vector<16xf32>
        %swap3A_536 = vector.shape_cast %get3A_531 : vector<16xf32> to vector<1x16xf32>
        tpu.vector_store %arg10[%swap3A_532, %swap3A_533], %swap3A_536 {add = true, strides = array<i32>} : memref<16x1024xf32, #tpu.memory_space<vmem>>, vector<1x16xf32>,
        %scan3A_537 = arith.constant 0 : i32
        %scan3A_538 = arith.constant 6 : i32
        %scan3A_539 = arith.addi %scan3A_434, %scan3A_538 : i32
        %shift_right_logical3A_540 = arith.constant 6 : i32
        %shift_right_logical3A_541 = arith.shrui %scan3A_539, %shift_right_logical3A_540 : i32
        %rem3A_542 = arith.constant 64 : i32
        %rem3A_543 = arith.remsi %scan3A_539, %rem3A_542 : i32
        %mul3A_544 = arith.constant 16 : i32
        %mul3A_545 = arith.muli %rem3A_543, %mul3A_544 : i32
        %get3A_546 = arith.index_cast %shift_right_logical3A_541 : i32 to index
        %get3A_547 = arith.index_cast %mul3A_545 : i32 to index
        %get3A_548 = tpu.vector_load %arg11[%get3A_546, %get3A_547] {strides = array<i32>} : memref<16x1024xf32, #tpu.memory_space<vmem>>, vector<1x16xf32>,
        %get3A_549 = vector.shape_cast %get3A_548 : vector<1x16xf32> to vector<16xf32>
        %swap3A_550 = arith.index_cast %shift_right_logical3A_541 : i32 to index
        %swap3A_551 = arith.index_cast %mul3A_545 : i32 to index
        %swap3A_552 = tpu.vector_load %arg10[%swap3A_550, %swap3A_551] {strides = array<i32>} : memref<16x1024xf32, #tpu.memory_space<vmem>>, vector<1x16xf32>,
        %swap3A_553 = vector.shape_cast %swap3A_552 : vector<1x16xf32> to vector<16xf32>
        %swap3A_554 = vector.shape_cast %get3A_549 : vector<16xf32> to vector<1x16xf32>
        tpu.vector_store %arg10[%swap3A_550, %swap3A_551], %swap3A_554 {add = true, strides = array<i32>} : memref<16x1024xf32, #tpu.memory_space<vmem>>, vector<1x16xf32>,
        %scan3A_555 = arith.constant 0 : i32
        %scan3A_556 = arith.constant 7 : i32
        %scan3A_557 = arith.addi %scan3A_434, %scan3A_556 : i32
        %shift_right_logical3A_558 = arith.constant 6 : i32
        %shift_right_logical3A_559 = arith.shrui %scan3A_557, %shift_right_logical3A_558 : i32
        %rem3A_560 = arith.constant 64 : i32
        %rem3A_561 = arith.remsi %scan3A_557, %rem3A_560 : i32
        %mul3A_562 = arith.constant 16 : i32
        %mul3A_563 = arith.muli %rem3A_561, %mul3A_562 : i32
        %get3A_564 = arith.index_cast %shift_right_logical3A_559 : i32 to index
        %get3A_565 = arith.index_cast %mul3A_563 : i32 to index
        %get3A_566 = tpu.vector_load %arg11[%get3A_564, %get3A_565] {strides = array<i32>} : memref<16x1024xf32, #tpu.memory_space<vmem>>, vector<1x16xf32>,
        %get3A_567 = vector.shape_cast %get3A_566 : vector<1x16xf32> to vector<16xf32>
        %swap3A_568 = arith.index_cast %shift_right_logical3A_559 : i32 to index
        %swap3A_569 = arith.index_cast %mul3A_563 : i32 to index
        %swap3A_570 = tpu.vector_load %arg10[%swap3A_568, %swap3A_569] {strides = array<i32>} : memref<16x1024xf32, #tpu.memory_space<vmem>>, vector<1x16xf32>,
        %swap3A_571 = vector.shape_cast %swap3A_570 : vector<1x16xf32> to vector<16xf32>
        %swap3A_572 = vector.shape_cast %get3A_567 : vector<16xf32> to vector<1x16xf32>
        tpu.vector_store %arg10[%swap3A_568, %swap3A_569], %swap3A_572 {add = true, strides = array<i32>} : memref<16x1024xf32, #tpu.memory_space<vmem>>, vector<1x16xf32>,
        %scan3A_573 = arith.constant 0 : i32
        scf.yield %scan3A_573 : i32
      }
      %scan3A_274 = arith.constant 1024 : i32
      %add3A_275 = arith.constant 24576 : i32
      %add3A_276 = arith.addi %add3A_275, %mul3A_2 : i32
      %mul3A_277 = arith.constant 16 : i32
      %mul3A_278 = arith.muli %mul3A_142, %mul3A_277 : i32
      %add3A_279 = arith.addi %add3A_276, %mul3A_278 : i32
      %dma_start3A_280 = arith.constant 0 : i32
      %dma_start3A_281 = tpu.memref_slice %arg5[%add3A_279, %dma_start3A_280] : memref<32768x1024xf32, #tpu.memory_space<hbm>> -> memref<16x1024xf32, #tpu.memory_space<hbm>>
      %dma_start3A_282 = arith.constant 0 : i32
      %dma_start3A_283 = tpu.memref_slice %arg5[%add3A_279, %dma_start3A_282] : memref<32768x1024xf32, #tpu.memory_space<hbm>> -> memref<16x1024xf32, #tpu.memory_space<hbm>>
      tpu.enqueue_dma source(%arg10 : memref<16x1024xf32, #tpu.memory_space<vmem>>) target(%dma_start3A_283 : memref<16x1024xf32, #tpu.memory_space<hbm>>) target_semaphore(%arg20 : memref<!tpu.dma_semaphore, #tpu.memory_space<semaphore_mem>>)
      %mul3A_284 = arith.constant 2 : i32
      %mul3A_285 = arith.muli %scan3A_139, %mul3A_284 : i32
      %add3A_286 = arith.constant 1 : i32
      %add3A_287 = arith.addi %mul3A_285, %add3A_286 : i32
      %ge3A_288 = arith.constant 1 : i32
      %ge3A_289 = arith.cmpi sge, %add3A_287, %ge3A_288 : i32
      %convert_element_type3A_290 = arith.extui %ge3A_289 : i1 to i32
      %cond3A_291 = arith.constant 0 : i32
      %cond3A_292 = arith.cmpi ne, %convert_element_type3A_290, %cond3A_291 : i32
      scf.if %cond3A_292 {
        %dma_wait3A_434 = arith.constant 0 : i32
        %dma_wait3A_435 = arith.constant 0 : i32
        %dma_wait3A_436 = tpu.memref_slice %arg5[%dma_wait3A_434, %dma_wait3A_435] : memref<32768x1024xf32, #tpu.memory_space<hbm>> -> memref<16x1024xf32, #tpu.memory_space<hbm>>
        %dma_wait3A_437 = arith.constant 0 : i32
        %dma_wait3A_438 = arith.constant 0 : i32
        %dma_wait3A_439 = tpu.memref_slice %arg5[%dma_wait3A_437, %dma_wait3A_438] : memref<32768x1024xf32, #tpu.memory_space<hbm>> -> memref<16x1024xf32, #tpu.memory_space<hbm>>
        tpu.wait_dma2 semaphore(%arg19 : memref<!tpu.dma_semaphore, #tpu.memory_space<semaphore_mem>>) src(%arg9 : memref<16x1024xf32, #tpu.memory_space<vmem>>) dst(%dma_wait3A_439 : memref<16x1024xf32, #tpu.memory_space<hbm>>)
      } else {
      }
      %mul3A_293 = arith.constant 16 : i32
      %mul3A_294 = arith.muli %add3A_287, %mul3A_293 : i32
      %dma_start3A_295 = arith.constant 2 : i32
      %dma_start3A_296 = tpu.memref_slice %arg6[%dma_start3A_295, %mul3A_294] : memref<4x256xi32, #tpu.memory_space<vmem>> -> memref<1x16xi32, #tpu.memory_space<vmem>>
      %dma_start3A_297 = tpu.memref_squeeze %dma_start3A_296 : memref<1x16xi32, #tpu.memory_space<vmem>> -> memref<16xi32, #tpu.memory_space<vmem>>
      %dma_start3A_298 = arith.constant 0 : i32
      %dma_start3A_299 = arith.constant 0 : i32
      %dma_start3A_300 = tpu.memref_slice %arg3[%dma_start3A_298, %dma_start3A_299] : memref<100000x1024xf32, #tpu.memory_space<hbm>> -> memref<100000x1024xf32, #tpu.memory_space<hbm>>
      tpu.enqueue_indirect_dma source(%dma_start3A_300 : memref<100000x1024xf32, #tpu.memory_space<hbm>>) target(%arg9 : memref<16x1024xf32, #tpu.memory_space<vmem>>) offsets(%dma_start3A_297 : memref<16xi32, #tpu.memory_space<vmem>>) semaphore(%arg15 : memref<!tpu.dma_semaphore, #tpu.memory_space<semaphore_mem>>)
      %add3A_301 = arith.constant 1 : i32
      %add3A_302 = arith.addi %add3A_287, %add3A_301 : i32
      %lt3A_303 = arith.constant 16 : i32
      %lt3A_304 = arith.cmpi slt, %add3A_302, %lt3A_303 : i32
      %convert_element_type3A_305 = arith.extui %lt3A_304 : i1 to i32
      %cond3A_306 = arith.constant 0 : i32
      %cond3A_307 = arith.cmpi ne, %convert_element_type3A_305, %cond3A_306 : i32
      scf.if %cond3A_307 {
        %add3A_434 = arith.constant 1 : i32
        %add3A_435 = arith.addi %add3A_287, %add3A_434 : i32
        %mul3A_436 = arith.constant 16 : i32
        %mul3A_437 = arith.muli %add3A_435, %mul3A_436 : i32
        %add3A_438 = arith.addi %mul3A_2, %mul3A_437 : i32
        %dma_start3A_439 = arith.constant 0 : i32
        %dma_start3A_440 = tpu.memref_slice %arg4[%add3A_438, %dma_start3A_439] : memref<8192x1024xf32, #tpu.memory_space<hbm>> -> memref<16x1024xf32, #tpu.memory_space<hbm>>
        %dma_start3A_441 = arith.constant 0 : i32
        %dma_start3A_442 = tpu.memref_slice %arg4[%add3A_438, %dma_start3A_441] : memref<8192x1024xf32, #tpu.memory_space<hbm>> -> memref<16x1024xf32, #tpu.memory_space<hbm>>
        tpu.enqueue_dma source(%dma_start3A_442 : memref<16x1024xf32, #tpu.memory_space<hbm>>) target(%arg11 : memref<16x1024xf32, #tpu.memory_space<vmem>>) target_semaphore(%arg21 : memref<!tpu.dma_semaphore, #tpu.memory_space<semaphore_mem>>)
      } else {
      }
      %dma_wait3A_308 = arith.constant 0 : i32
      %dma_wait3A_309 = arith.constant 0 : i32
      %dma_wait3A_310 = tpu.memref_slice %arg4[%dma_wait3A_308, %dma_wait3A_309] : memref<8192x1024xf32, #tpu.memory_space<hbm>> -> memref<16x1024xf32, #tpu.memory_space<hbm>>
      %dma_wait3A_311 = arith.constant 0 : i32
      %dma_wait3A_312 = arith.constant 0 : i32
      %dma_wait3A_313 = tpu.memref_slice %arg4[%dma_wait3A_311, %dma_wait3A_312] : memref<8192x1024xf32, #tpu.memory_space<hbm>> -> memref<16x1024xf32, #tpu.memory_space<hbm>>
      tpu.wait_dma2 semaphore(%arg22 : memref<!tpu.dma_semaphore, #tpu.memory_space<semaphore_mem>>) src(%dma_wait3A_313 : memref<16x1024xf32, #tpu.memory_space<hbm>>) dst(%arg12 : memref<16x1024xf32, #tpu.memory_space<vmem>>)
      %dma_wait3A_314 = arith.constant 0 : i32
      %dma_wait3A_315 = arith.constant 0 : i32
      %dma_wait3A_316 = tpu.memref_slice %arg6[%dma_wait3A_314, %dma_wait3A_315] : memref<4x256xi32, #tpu.memory_space<vmem>> -> memref<1x16xi32, #tpu.memory_space<vmem>>
      %dma_wait3A_317 = tpu.memref_squeeze %dma_wait3A_316 : memref<1x16xi32, #tpu.memory_space<vmem>> -> memref<16xi32, #tpu.memory_space<vmem>>
      %dma_wait3A_318 = arith.constant 0 : i32
      %dma_wait3A_319 = arith.constant 0 : i32
      %dma_wait3A_320 = tpu.memref_slice %arg3[%dma_wait3A_318, %dma_wait3A_319] : memref<100000x1024xf32, #tpu.memory_space<hbm>> -> memref<100000x1024xf32, #tpu.memory_space<hbm>>
      tpu.wait_indirect_dma semaphore(%arg13 : memref<!tpu.dma_semaphore, #tpu.memory_space<semaphore_mem>>) src(%dma_wait3A_320 : memref<100000x1024xf32, #tpu.memory_space<hbm>>) dst(%arg7 : memref<16x1024xf32, #tpu.memory_space<vmem>>)
      %scan3A_321 = arith.constant 0 : i32
      %scan3A_322 = arith.constant 0 : i32
      %scan3A_323 = arith.constant 1024 : i32
      %scan3A_324 = arith.addi %scan3A_322, %scan3A_323 : i32
      %scan3A_325 = arith.constant 8 : i32
      %scan3A_326 = scf.for %scan3A_434 = %scan3A_322 to %scan3A_324 step %scan3A_325 iter_args(%scan3A_435 = %scan3A_321) -> (i32)  : i32 {
        %shift_right_logical3A = arith.constant 6 : i32
        %shift_right_logical3A_436 = arith.shrui %scan3A_434, %shift_right_logical3A : i32
        %rem3A = arith.constant 64 : i32
        %rem3A_437 = arith.remsi %scan3A_434, %rem3A : i32
        %mul3A_438 = arith.constant 16 : i32
        %mul3A_439 = arith.muli %rem3A_437, %mul3A_438 : i32
        %get3A = arith.index_cast %shift_right_logical3A_436 : i32 to index
        %get3A_440 = arith.index_cast %mul3A_439 : i32 to index
        %get3A_441 = tpu.vector_load %arg12[%get3A, %get3A_440] {strides = array<i32>} : memref<16x1024xf32, #tpu.memory_space<vmem>>, vector<1x16xf32>,
        %get3A_442 = vector.shape_cast %get3A_441 : vector<1x16xf32> to vector<16xf32>
        %swap3A = arith.index_cast %shift_right_logical3A_436 : i32 to index
        %swap3A_443 = arith.index_cast %mul3A_439 : i32 to index
        %swap3A_444 = tpu.vector_load %arg7[%swap3A, %swap3A_443] {strides = array<i32>} : memref<16x1024xf32, #tpu.memory_space<vmem>>, vector<1x16xf32>,
        %swap3A_445 = vector.shape_cast %swap3A_444 : vector<1x16xf32> to vector<16xf32>
        %swap3A_446 = vector.shape_cast %get3A_442 : vector<16xf32> to vector<1x16xf32>
        tpu.vector_store %arg7[%swap3A, %swap3A_443], %swap3A_446 {add = true, strides = array<i32>} : memref<16x1024xf32, #tpu.memory_space<vmem>>, vector<1x16xf32>,
        %scan3A_447 = arith.constant 0 : i32
        %scan3A_448 = arith.constant 1 : i32
        %scan3A_449 = arith.addi %scan3A_434, %scan3A_448 : i32
        %shift_right_logical3A_450 = arith.constant 6 : i32
        %shift_right_logical3A_451 = arith.shrui %scan3A_449, %shift_right_logical3A_450 : i32
        %rem3A_452 = arith.constant 64 : i32
        %rem3A_453 = arith.remsi %scan3A_449, %rem3A_452 : i32
        %mul3A_454 = arith.constant 16 : i32
        %mul3A_455 = arith.muli %rem3A_453, %mul3A_454 : i32
        %get3A_456 = arith.index_cast %shift_right_logical3A_451 : i32 to index
        %get3A_457 = arith.index_cast %mul3A_455 : i32 to index
        %get3A_458 = tpu.vector_load %arg12[%get3A_456, %get3A_457] {strides = array<i32>} : memref<16x1024xf32, #tpu.memory_space<vmem>>, vector<1x16xf32>,
        %get3A_459 = vector.shape_cast %get3A_458 : vector<1x16xf32> to vector<16xf32>
        %swap3A_460 = arith.index_cast %shift_right_logical3A_451 : i32 to index
        %swap3A_461 = arith.index_cast %mul3A_455 : i32 to index
        %swap3A_462 = tpu.vector_load %arg7[%swap3A_460, %swap3A_461] {strides = array<i32>} : memref<16x1024xf32, #tpu.memory_space<vmem>>, vector<1x16xf32>,
        %swap3A_463 = vector.shape_cast %swap3A_462 : vector<1x16xf32> to vector<16xf32>
        %swap3A_464 = vector.shape_cast %get3A_459 : vector<16xf32> to vector<1x16xf32>
        tpu.vector_store %arg7[%swap3A_460, %swap3A_461], %swap3A_464 {add = true, strides = array<i32>} : memref<16x1024xf32, #tpu.memory_space<vmem>>, vector<1x16xf32>,
        %scan3A_465 = arith.constant 0 : i32
        %scan3A_466 = arith.constant 2 : i32
        %scan3A_467 = arith.addi %scan3A_434, %scan3A_466 : i32
        %shift_right_logical3A_468 = arith.constant 6 : i32
        %shift_right_logical3A_469 = arith.shrui %scan3A_467, %shift_right_logical3A_468 : i32
        %rem3A_470 = arith.constant 64 : i32
        %rem3A_471 = arith.remsi %scan3A_467, %rem3A_470 : i32
        %mul3A_472 = arith.constant 16 : i32
        %mul3A_473 = arith.muli %rem3A_471, %mul3A_472 : i32
        %get3A_474 = arith.index_cast %shift_right_logical3A_469 : i32 to index
        %get3A_475 = arith.index_cast %mul3A_473 : i32 to index
        %get3A_476 = tpu.vector_load %arg12[%get3A_474, %get3A_475] {strides = array<i32>} : memref<16x1024xf32, #tpu.memory_space<vmem>>, vector<1x16xf32>,
        %get3A_477 = vector.shape_cast %get3A_476 : vector<1x16xf32> to vector<16xf32>
        %swap3A_478 = arith.index_cast %shift_right_logical3A_469 : i32 to index
        %swap3A_479 = arith.index_cast %mul3A_473 : i32 to index
        %swap3A_480 = tpu.vector_load %arg7[%swap3A_478, %swap3A_479] {strides = array<i32>} : memref<16x1024xf32, #tpu.memory_space<vmem>>, vector<1x16xf32>,
        %swap3A_481 = vector.shape_cast %swap3A_480 : vector<1x16xf32> to vector<16xf32>
        %swap3A_482 = vector.shape_cast %get3A_477 : vector<16xf32> to vector<1x16xf32>
        tpu.vector_store %arg7[%swap3A_478, %swap3A_479], %swap3A_482 {add = true, strides = array<i32>} : memref<16x1024xf32, #tpu.memory_space<vmem>>, vector<1x16xf32>,
        %scan3A_483 = arith.constant 0 : i32
        %scan3A_484 = arith.constant 3 : i32
        %scan3A_485 = arith.addi %scan3A_434, %scan3A_484 : i32
        %shift_right_logical3A_486 = arith.constant 6 : i32
        %shift_right_logical3A_487 = arith.shrui %scan3A_485, %shift_right_logical3A_486 : i32
        %rem3A_488 = arith.constant 64 : i32
        %rem3A_489 = arith.remsi %scan3A_485, %rem3A_488 : i32
        %mul3A_490 = arith.constant 16 : i32
        %mul3A_491 = arith.muli %rem3A_489, %mul3A_490 : i32
        %get3A_492 = arith.index_cast %shift_right_logical3A_487 : i32 to index
        %get3A_493 = arith.index_cast %mul3A_491 : i32 to index
        %get3A_494 = tpu.vector_load %arg12[%get3A_492, %get3A_493] {strides = array<i32>} : memref<16x1024xf32, #tpu.memory_space<vmem>>, vector<1x16xf32>,
        %get3A_495 = vector.shape_cast %get3A_494 : vector<1x16xf32> to vector<16xf32>
        %swap3A_496 = arith.index_cast %shift_right_logical3A_487 : i32 to index
        %swap3A_497 = arith.index_cast %mul3A_491 : i32 to index
        %swap3A_498 = tpu.vector_load %arg7[%swap3A_496, %swap3A_497] {strides = array<i32>} : memref<16x1024xf32, #tpu.memory_space<vmem>>, vector<1x16xf32>,
        %swap3A_499 = vector.shape_cast %swap3A_498 : vector<1x16xf32> to vector<16xf32>
        %swap3A_500 = vector.shape_cast %get3A_495 : vector<16xf32> to vector<1x16xf32>
        tpu.vector_store %arg7[%swap3A_496, %swap3A_497], %swap3A_500 {add = true, strides = array<i32>} : memref<16x1024xf32, #tpu.memory_space<vmem>>, vector<1x16xf32>,
        %scan3A_501 = arith.constant 0 : i32
        %scan3A_502 = arith.constant 4 : i32
        %scan3A_503 = arith.addi %scan3A_434, %scan3A_502 : i32
        %shift_right_logical3A_504 = arith.constant 6 : i32
        %shift_right_logical3A_505 = arith.shrui %scan3A_503, %shift_right_logical3A_504 : i32
        %rem3A_506 = arith.constant 64 : i32
        %rem3A_507 = arith.remsi %scan3A_503, %rem3A_506 : i32
        %mul3A_508 = arith.constant 16 : i32
        %mul3A_509 = arith.muli %rem3A_507, %mul3A_508 : i32
        %get3A_510 = arith.index_cast %shift_right_logical3A_505 : i32 to index
        %get3A_511 = arith.index_cast %mul3A_509 : i32 to index
        %get3A_512 = tpu.vector_load %arg12[%get3A_510, %get3A_511] {strides = array<i32>} : memref<16x1024xf32, #tpu.memory_space<vmem>>, vector<1x16xf32>,
        %get3A_513 = vector.shape_cast %get3A_512 : vector<1x16xf32> to vector<16xf32>
        %swap3A_514 = arith.index_cast %shift_right_logical3A_505 : i32 to index
        %swap3A_515 = arith.index_cast %mul3A_509 : i32 to index
        %swap3A_516 = tpu.vector_load %arg7[%swap3A_514, %swap3A_515] {strides = array<i32>} : memref<16x1024xf32, #tpu.memory_space<vmem>>, vector<1x16xf32>,
        %swap3A_517 = vector.shape_cast %swap3A_516 : vector<1x16xf32> to vector<16xf32>
        %swap3A_518 = vector.shape_cast %get3A_513 : vector<16xf32> to vector<1x16xf32>
        tpu.vector_store %arg7[%swap3A_514, %swap3A_515], %swap3A_518 {add = true, strides = array<i32>} : memref<16x1024xf32, #tpu.memory_space<vmem>>, vector<1x16xf32>,
        %scan3A_519 = arith.constant 0 : i32
        %scan3A_520 = arith.constant 5 : i32
        %scan3A_521 = arith.addi %scan3A_434, %scan3A_520 : i32
        %shift_right_logical3A_522 = arith.constant 6 : i32
        %shift_right_logical3A_523 = arith.shrui %scan3A_521, %shift_right_logical3A_522 : i32
        %rem3A_524 = arith.constant 64 : i32
        %rem3A_525 = arith.remsi %scan3A_521, %rem3A_524 : i32
        %mul3A_526 = arith.constant 16 : i32
        %mul3A_527 = arith.muli %rem3A_525, %mul3A_526 : i32
        %get3A_528 = arith.index_cast %shift_right_logical3A_523 : i32 to index
        %get3A_529 = arith.index_cast %mul3A_527 : i32 to index
        %get3A_530 = tpu.vector_load %arg12[%get3A_528, %get3A_529] {strides = array<i32>} : memref<16x1024xf32, #tpu.memory_space<vmem>>, vector<1x16xf32>,
        %get3A_531 = vector.shape_cast %get3A_530 : vector<1x16xf32> to vector<16xf32>
        %swap3A_532 = arith.index_cast %shift_right_logical3A_523 : i32 to index
        %swap3A_533 = arith.index_cast %mul3A_527 : i32 to index
        %swap3A_534 = tpu.vector_load %arg7[%swap3A_532, %swap3A_533] {strides = array<i32>} : memref<16x1024xf32, #tpu.memory_space<vmem>>, vector<1x16xf32>,
        %swap3A_535 = vector.shape_cast %swap3A_534 : vector<1x16xf32> to vector<16xf32>
        %swap3A_536 = vector.shape_cast %get3A_531 : vector<16xf32> to vector<1x16xf32>
        tpu.vector_store %arg7[%swap3A_532, %swap3A_533], %swap3A_536 {add = true, strides = array<i32>} : memref<16x1024xf32, #tpu.memory_space<vmem>>, vector<1x16xf32>,
        %scan3A_537 = arith.constant 0 : i32
        %scan3A_538 = arith.constant 6 : i32
        %scan3A_539 = arith.addi %scan3A_434, %scan3A_538 : i32
        %shift_right_logical3A_540 = arith.constant 6 : i32
        %shift_right_logical3A_541 = arith.shrui %scan3A_539, %shift_right_logical3A_540 : i32
        %rem3A_542 = arith.constant 64 : i32
        %rem3A_543 = arith.remsi %scan3A_539, %rem3A_542 : i32
        %mul3A_544 = arith.constant 16 : i32
        %mul3A_545 = arith.muli %rem3A_543, %mul3A_544 : i32
        %get3A_546 = arith.index_cast %shift_right_logical3A_541 : i32 to index
        %get3A_547 = arith.index_cast %mul3A_545 : i32 to index
        %get3A_548 = tpu.vector_load %arg12[%get3A_546, %get3A_547] {strides = array<i32>} : memref<16x1024xf32, #tpu.memory_space<vmem>>, vector<1x16xf32>,
        %get3A_549 = vector.shape_cast %get3A_548 : vector<1x16xf32> to vector<16xf32>
        %swap3A_550 = arith.index_cast %shift_right_logical3A_541 : i32 to index
        %swap3A_551 = arith.index_cast %mul3A_545 : i32 to index
        %swap3A_552 = tpu.vector_load %arg7[%swap3A_550, %swap3A_551] {strides = array<i32>} : memref<16x1024xf32, #tpu.memory_space<vmem>>, vector<1x16xf32>,
        %swap3A_553 = vector.shape_cast %swap3A_552 : vector<1x16xf32> to vector<16xf32>
        %swap3A_554 = vector.shape_cast %get3A_549 : vector<16xf32> to vector<1x16xf32>
        tpu.vector_store %arg7[%swap3A_550, %swap3A_551], %swap3A_554 {add = true, strides = array<i32>} : memref<16x1024xf32, #tpu.memory_space<vmem>>, vector<1x16xf32>,
        %scan3A_555 = arith.constant 0 : i32
        %scan3A_556 = arith.constant 7 : i32
        %scan3A_557 = arith.addi %scan3A_434, %scan3A_556 : i32
        %shift_right_logical3A_558 = arith.constant 6 : i32
        %shift_right_logical3A_559 = arith.shrui %scan3A_557, %shift_right_logical3A_558 : i32
        %rem3A_560 = arith.constant 64 : i32
        %rem3A_561 = arith.remsi %scan3A_557, %rem3A_560 : i32
        %mul3A_562 = arith.constant 16 : i32
        %mul3A_563 = arith.muli %rem3A_561, %mul3A_562 : i32
        %get3A_564 = arith.index_cast %shift_right_logical3A_559 : i32 to index
        %get3A_565 = arith.index_cast %mul3A_563 : i32 to index
        %get3A_566 = tpu.vector_load %arg12[%get3A_564, %get3A_565] {strides = array<i32>} : memref<16x1024xf32, #tpu.memory_space<vmem>>, vector<1x16xf32>,
        %get3A_567 = vector.shape_cast %get3A_566 : vector<1x16xf32> to vector<16xf32>
        %swap3A_568 = arith.index_cast %shift_right_logical3A_559 : i32 to index
        %swap3A_569 = arith.index_cast %mul3A_563 : i32 to index
        %swap3A_570 = tpu.vector_load %arg7[%swap3A_568, %swap3A_569] {strides = array<i32>} : memref<16x1024xf32, #tpu.memory_space<vmem>>, vector<1x16xf32>,
        %swap3A_571 = vector.shape_cast %swap3A_570 : vector<1x16xf32> to vector<16xf32>
        %swap3A_572 = vector.shape_cast %get3A_567 : vector<16xf32> to vector<1x16xf32>
        tpu.vector_store %arg7[%swap3A_568, %swap3A_569], %swap3A_572 {add = true, strides = array<i32>} : memref<16x1024xf32, #tpu.memory_space<vmem>>, vector<1x16xf32>,
        %scan3A_573 = arith.constant 0 : i32
        scf.yield %scan3A_573 : i32
      }
      %scan3A_327 = arith.constant 1024 : i32
      %add3A_328 = arith.constant 0 : i32
      %add3A_329 = arith.addi %add3A_328, %mul3A_2 : i32
      %mul3A_330 = arith.constant 16 : i32
      %mul3A_331 = arith.muli %add3A_287, %mul3A_330 : i32
      %add3A_332 = arith.addi %add3A_329, %mul3A_331 : i32
      %dma_start3A_333 = arith.constant 0 : i32
      %dma_start3A_334 = tpu.memref_slice %arg5[%add3A_332, %dma_start3A_333] : memref<32768x1024xf32, #tpu.memory_space<hbm>> -> memref<16x1024xf32, #tpu.memory_space<hbm>>
      %dma_start3A_335 = arith.constant 0 : i32
      %dma_start3A_336 = tpu.memref_slice %arg5[%add3A_332, %dma_start3A_335] : memref<32768x1024xf32, #tpu.memory_space<hbm>> -> memref<16x1024xf32, #tpu.memory_space<hbm>>
      tpu.enqueue_dma source(%arg7 : memref<16x1024xf32, #tpu.memory_space<vmem>>) target(%dma_start3A_336 : memref<16x1024xf32, #tpu.memory_space<hbm>>) target_semaphore(%arg17 : memref<!tpu.dma_semaphore, #tpu.memory_space<semaphore_mem>>)
      %ge3A_337 = arith.constant 1 : i32
      %ge3A_338 = arith.cmpi sge, %add3A_287, %ge3A_337 : i32
      %convert_element_type3A_339 = arith.extui %ge3A_338 : i1 to i32
      %cond3A_340 = arith.constant 0 : i32
      %cond3A_341 = arith.cmpi ne, %convert_element_type3A_339, %cond3A_340 : i32
      scf.if %cond3A_341 {
        %dma_wait3A_434 = arith.constant 0 : i32
        %dma_wait3A_435 = arith.constant 0 : i32
        %dma_wait3A_436 = tpu.memref_slice %arg5[%dma_wait3A_434, %dma_wait3A_435] : memref<32768x1024xf32, #tpu.memory_space<hbm>> -> memref<16x1024xf32, #tpu.memory_space<hbm>>
        %dma_wait3A_437 = arith.constant 0 : i32
        %dma_wait3A_438 = arith.constant 0 : i32
        %dma_wait3A_439 = tpu.memref_slice %arg5[%dma_wait3A_437, %dma_wait3A_438] : memref<32768x1024xf32, #tpu.memory_space<hbm>> -> memref<16x1024xf32, #tpu.memory_space<hbm>>
        tpu.wait_dma2 semaphore(%arg20 : memref<!tpu.dma_semaphore, #tpu.memory_space<semaphore_mem>>) src(%arg10 : memref<16x1024xf32, #tpu.memory_space<vmem>>) dst(%dma_wait3A_439 : memref<16x1024xf32, #tpu.memory_space<hbm>>)
      } else {
      }
      %mul3A_342 = arith.constant 16 : i32
      %mul3A_343 = arith.muli %add3A_287, %mul3A_342 : i32
      %dma_start3A_344 = arith.constant 3 : i32
      %dma_start3A_345 = tpu.memref_slice %arg6[%dma_start3A_344, %mul3A_343] : memref<4x256xi32, #tpu.memory_space<vmem>> -> memref<1x16xi32, #tpu.memory_space<vmem>>
      %dma_start3A_346 = tpu.memref_squeeze %dma_start3A_345 : memref<1x16xi32, #tpu.memory_space<vmem>> -> memref<16xi32, #tpu.memory_space<vmem>>
      %dma_start3A_347 = arith.constant 0 : i32
      %dma_start3A_348 = arith.constant 0 : i32
      %dma_start3A_349 = tpu.memref_slice %arg3[%dma_start3A_347, %dma_start3A_348] : memref<100000x1024xf32, #tpu.memory_space<hbm>> -> memref<100000x1024xf32, #tpu.memory_space<hbm>>
      tpu.enqueue_indirect_dma source(%dma_start3A_349 : memref<100000x1024xf32, #tpu.memory_space<hbm>>) target(%arg10 : memref<16x1024xf32, #tpu.memory_space<vmem>>) offsets(%dma_start3A_346 : memref<16xi32, #tpu.memory_space<vmem>>) semaphore(%arg16 : memref<!tpu.dma_semaphore, #tpu.memory_space<semaphore_mem>>)
      %dma_wait3A_350 = arith.constant 1 : i32
      %dma_wait3A_351 = arith.constant 0 : i32
      %dma_wait3A_352 = tpu.memref_slice %arg6[%dma_wait3A_350, %dma_wait3A_351] : memref<4x256xi32, #tpu.memory_space<vmem>> -> memref<1x16xi32, #tpu.memory_space<vmem>>
      %dma_wait3A_353 = tpu.memref_squeeze %dma_wait3A_352 : memref<1x16xi32, #tpu.memory_space<vmem>> -> memref<16xi32, #tpu.memory_space<vmem>>
      %dma_wait3A_354 = arith.constant 0 : i32
      %dma_wait3A_355 = arith.constant 0 : i32
      %dma_wait3A_356 = tpu.memref_slice %arg3[%dma_wait3A_354, %dma_wait3A_355] : memref<100000x1024xf32, #tpu.memory_space<hbm>> -> memref<100000x1024xf32, #tpu.memory_space<hbm>>
      tpu.wait_indirect_dma semaphore(%arg14 : memref<!tpu.dma_semaphore, #tpu.memory_space<semaphore_mem>>) src(%dma_wait3A_356 : memref<100000x1024xf32, #tpu.memory_space<hbm>>) dst(%arg8 : memref<16x1024xf32, #tpu.memory_space<vmem>>)
      %scan3A_357 = arith.constant 0 : i32
      %scan3A_358 = arith.constant 0 : i32
      %scan3A_359 = arith.constant 1024 : i32
      %scan3A_360 = arith.addi %scan3A_358, %scan3A_359 : i32
      %scan3A_361 = arith.constant 8 : i32
      %scan3A_362 = scf.for %scan3A_434 = %scan3A_358 to %scan3A_360 step %scan3A_361 iter_args(%scan3A_435 = %scan3A_357) -> (i32)  : i32 {
        %shift_right_logical3A = arith.constant 6 : i32
        %shift_right_logical3A_436 = arith.shrui %scan3A_434, %shift_right_logical3A : i32
        %rem3A = arith.constant 64 : i32
        %rem3A_437 = arith.remsi %scan3A_434, %rem3A : i32
        %mul3A_438 = arith.constant 16 : i32
        %mul3A_439 = arith.muli %rem3A_437, %mul3A_438 : i32
        %get3A = arith.index_cast %shift_right_logical3A_436 : i32 to index
        %get3A_440 = arith.index_cast %mul3A_439 : i32 to index
        %get3A_441 = tpu.vector_load %arg12[%get3A, %get3A_440] {strides = array<i32>} : memref<16x1024xf32, #tpu.memory_space<vmem>>, vector<1x16xf32>,
        %get3A_442 = vector.shape_cast %get3A_441 : vector<1x16xf32> to vector<16xf32>
        %swap3A = arith.index_cast %shift_right_logical3A_436 : i32 to index
        %swap3A_443 = arith.index_cast %mul3A_439 : i32 to index
        %swap3A_444 = tpu.vector_load %arg8[%swap3A, %swap3A_443] {strides = array<i32>} : memref<16x1024xf32, #tpu.memory_space<vmem>>, vector<1x16xf32>,
        %swap3A_445 = vector.shape_cast %swap3A_444 : vector<1x16xf32> to vector<16xf32>
        %swap3A_446 = vector.shape_cast %get3A_442 : vector<16xf32> to vector<1x16xf32>
        tpu.vector_store %arg8[%swap3A, %swap3A_443], %swap3A_446 {add = true, strides = array<i32>} : memref<16x1024xf32, #tpu.memory_space<vmem>>, vector<1x16xf32>,
        %scan3A_447 = arith.constant 0 : i32
        %scan3A_448 = arith.constant 1 : i32
        %scan3A_449 = arith.addi %scan3A_434, %scan3A_448 : i32
        %shift_right_logical3A_450 = arith.constant 6 : i32
        %shift_right_logical3A_451 = arith.shrui %scan3A_449, %shift_right_logical3A_450 : i32
        %rem3A_452 = arith.constant 64 : i32
        %rem3A_453 = arith.remsi %scan3A_449, %rem3A_452 : i32
        %mul3A_454 = arith.constant 16 : i32
        %mul3A_455 = arith.muli %rem3A_453, %mul3A_454 : i32
        %get3A_456 = arith.index_cast %shift_right_logical3A_451 : i32 to index
        %get3A_457 = arith.index_cast %mul3A_455 : i32 to index
        %get3A_458 = tpu.vector_load %arg12[%get3A_456, %get3A_457] {strides = array<i32>} : memref<16x1024xf32, #tpu.memory_space<vmem>>, vector<1x16xf32>,
        %get3A_459 = vector.shape_cast %get3A_458 : vector<1x16xf32> to vector<16xf32>
        %swap3A_460 = arith.index_cast %shift_right_logical3A_451 : i32 to index
        %swap3A_461 = arith.index_cast %mul3A_455 : i32 to index
        %swap3A_462 = tpu.vector_load %arg8[%swap3A_460, %swap3A_461] {strides = array<i32>} : memref<16x1024xf32, #tpu.memory_space<vmem>>, vector<1x16xf32>,
        %swap3A_463 = vector.shape_cast %swap3A_462 : vector<1x16xf32> to vector<16xf32>
        %swap3A_464 = vector.shape_cast %get3A_459 : vector<16xf32> to vector<1x16xf32>
        tpu.vector_store %arg8[%swap3A_460, %swap3A_461], %swap3A_464 {add = true, strides = array<i32>} : memref<16x1024xf32, #tpu.memory_space<vmem>>, vector<1x16xf32>,
        %scan3A_465 = arith.constant 0 : i32
        %scan3A_466 = arith.constant 2 : i32
        %scan3A_467 = arith.addi %scan3A_434, %scan3A_466 : i32
        %shift_right_logical3A_468 = arith.constant 6 : i32
        %shift_right_logical3A_469 = arith.shrui %scan3A_467, %shift_right_logical3A_468 : i32
        %rem3A_470 = arith.constant 64 : i32
        %rem3A_471 = arith.remsi %scan3A_467, %rem3A_470 : i32
        %mul3A_472 = arith.constant 16 : i32
        %mul3A_473 = arith.muli %rem3A_471, %mul3A_472 : i32
        %get3A_474 = arith.index_cast %shift_right_logical3A_469 : i32 to index
        %get3A_475 = arith.index_cast %mul3A_473 : i32 to index
        %get3A_476 = tpu.vector_load %arg12[%get3A_474, %get3A_475] {strides = array<i32>} : memref<16x1024xf32, #tpu.memory_space<vmem>>, vector<1x16xf32>,
        %get3A_477 = vector.shape_cast %get3A_476 : vector<1x16xf32> to vector<16xf32>
        %swap3A_478 = arith.index_cast %shift_right_logical3A_469 : i32 to index
        %swap3A_479 = arith.index_cast %mul3A_473 : i32 to index
        %swap3A_480 = tpu.vector_load %arg8[%swap3A_478, %swap3A_479] {strides = array<i32>} : memref<16x1024xf32, #tpu.memory_space<vmem>>, vector<1x16xf32>,
        %swap3A_481 = vector.shape_cast %swap3A_480 : vector<1x16xf32> to vector<16xf32>
        %swap3A_482 = vector.shape_cast %get3A_477 : vector<16xf32> to vector<1x16xf32>
        tpu.vector_store %arg8[%swap3A_478, %swap3A_479], %swap3A_482 {add = true, strides = array<i32>} : memref<16x1024xf32, #tpu.memory_space<vmem>>, vector<1x16xf32>,
        %scan3A_483 = arith.constant 0 : i32
        %scan3A_484 = arith.constant 3 : i32
        %scan3A_485 = arith.addi %scan3A_434, %scan3A_484 : i32
        %shift_right_logical3A_486 = arith.constant 6 : i32
        %shift_right_logical3A_487 = arith.shrui %scan3A_485, %shift_right_logical3A_486 : i32
        %rem3A_488 = arith.constant 64 : i32
        %rem3A_489 = arith.remsi %scan3A_485, %rem3A_488 : i32
        %mul3A_490 = arith.constant 16 : i32
        %mul3A_491 = arith.muli %rem3A_489, %mul3A_490 : i32
        %get3A_492 = arith.index_cast %shift_right_logical3A_487 : i32 to index
        %get3A_493 = arith.index_cast %mul3A_491 : i32 to index
        %get3A_494 = tpu.vector_load %arg12[%get3A_492, %get3A_493] {strides = array<i32>} : memref<16x1024xf32, #tpu.memory_space<vmem>>, vector<1x16xf32>,
        %get3A_495 = vector.shape_cast %get3A_494 : vector<1x16xf32> to vector<16xf32>
        %swap3A_496 = arith.index_cast %shift_right_logical3A_487 : i32 to index
        %swap3A_497 = arith.index_cast %mul3A_491 : i32 to index
        %swap3A_498 = tpu.vector_load %arg8[%swap3A_496, %swap3A_497] {strides = array<i32>} : memref<16x1024xf32, #tpu.memory_space<vmem>>, vector<1x16xf32>,
        %swap3A_499 = vector.shape_cast %swap3A_498 : vector<1x16xf32> to vector<16xf32>
        %swap3A_500 = vector.shape_cast %get3A_495 : vector<16xf32> to vector<1x16xf32>
        tpu.vector_store %arg8[%swap3A_496, %swap3A_497], %swap3A_500 {add = true, strides = array<i32>} : memref<16x1024xf32, #tpu.memory_space<vmem>>, vector<1x16xf32>,
        %scan3A_501 = arith.constant 0 : i32
        %scan3A_502 = arith.constant 4 : i32
        %scan3A_503 = arith.addi %scan3A_434, %scan3A_502 : i32
        %shift_right_logical3A_504 = arith.constant 6 : i32
        %shift_right_logical3A_505 = arith.shrui %scan3A_503, %shift_right_logical3A_504 : i32
        %rem3A_506 = arith.constant 64 : i32
        %rem3A_507 = arith.remsi %scan3A_503, %rem3A_506 : i32
        %mul3A_508 = arith.constant 16 : i32
        %mul3A_509 = arith.muli %rem3A_507, %mul3A_508 : i32
        %get3A_510 = arith.index_cast %shift_right_logical3A_505 : i32 to index
        %get3A_511 = arith.index_cast %mul3A_509 : i32 to index
        %get3A_512 = tpu.vector_load %arg12[%get3A_510, %get3A_511] {strides = array<i32>} : memref<16x1024xf32, #tpu.memory_space<vmem>>, vector<1x16xf32>,
        %get3A_513 = vector.shape_cast %get3A_512 : vector<1x16xf32> to vector<16xf32>
        %swap3A_514 = arith.index_cast %shift_right_logical3A_505 : i32 to index
        %swap3A_515 = arith.index_cast %mul3A_509 : i32 to index
        %swap3A_516 = tpu.vector_load %arg8[%swap3A_514, %swap3A_515] {strides = array<i32>} : memref<16x1024xf32, #tpu.memory_space<vmem>>, vector<1x16xf32>,
        %swap3A_517 = vector.shape_cast %swap3A_516 : vector<1x16xf32> to vector<16xf32>
        %swap3A_518 = vector.shape_cast %get3A_513 : vector<16xf32> to vector<1x16xf32>
        tpu.vector_store %arg8[%swap3A_514, %swap3A_515], %swap3A_518 {add = true, strides = array<i32>} : memref<16x1024xf32, #tpu.memory_space<vmem>>, vector<1x16xf32>,
        %scan3A_519 = arith.constant 0 : i32
        %scan3A_520 = arith.constant 5 : i32
        %scan3A_521 = arith.addi %scan3A_434, %scan3A_520 : i32
        %shift_right_logical3A_522 = arith.constant 6 : i32
        %shift_right_logical3A_523 = arith.shrui %scan3A_521, %shift_right_logical3A_522 : i32
        %rem3A_524 = arith.constant 64 : i32
        %rem3A_525 = arith.remsi %scan3A_521, %rem3A_524 : i32
        %mul3A_526 = arith.constant 16 : i32
        %mul3A_527 = arith.muli %rem3A_525, %mul3A_526 : i32
        %get3A_528 = arith.index_cast %shift_right_logical3A_523 : i32 to index
        %get3A_529 = arith.index_cast %mul3A_527 : i32 to index
        %get3A_530 = tpu.vector_load %arg12[%get3A_528, %get3A_529] {strides = array<i32>} : memref<16x1024xf32, #tpu.memory_space<vmem>>, vector<1x16xf32>,
        %get3A_531 = vector.shape_cast %get3A_530 : vector<1x16xf32> to vector<16xf32>
        %swap3A_532 = arith.index_cast %shift_right_logical3A_523 : i32 to index
        %swap3A_533 = arith.index_cast %mul3A_527 : i32 to index
        %swap3A_534 = tpu.vector_load %arg8[%swap3A_532, %swap3A_533] {strides = array<i32>} : memref<16x1024xf32, #tpu.memory_space<vmem>>, vector<1x16xf32>,
        %swap3A_535 = vector.shape_cast %swap3A_534 : vector<1x16xf32> to vector<16xf32>
        %swap3A_536 = vector.shape_cast %get3A_531 : vector<16xf32> to vector<1x16xf32>
        tpu.vector_store %arg8[%swap3A_532, %swap3A_533], %swap3A_536 {add = true, strides = array<i32>} : memref<16x1024xf32, #tpu.memory_space<vmem>>, vector<1x16xf32>,
        %scan3A_537 = arith.constant 0 : i32
        %scan3A_538 = arith.constant 6 : i32
        %scan3A_539 = arith.addi %scan3A_434, %scan3A_538 : i32
        %shift_right_logical3A_540 = arith.constant 6 : i32
        %shift_right_logical3A_541 = arith.shrui %scan3A_539, %shift_right_logical3A_540 : i32
        %rem3A_542 = arith.constant 64 : i32
        %rem3A_543 = arith.remsi %scan3A_539, %rem3A_542 : i32
        %mul3A_544 = arith.constant 16 : i32
        %mul3A_545 = arith.muli %rem3A_543, %mul3A_544 : i32
        %get3A_546 = arith.index_cast %shift_right_logical3A_541 : i32 to index
        %get3A_547 = arith.index_cast %mul3A_545 : i32 to index
        %get3A_548 = tpu.vector_load %arg12[%get3A_546, %get3A_547] {strides = array<i32>} : memref<16x1024xf32, #tpu.memory_space<vmem>>, vector<1x16xf32>,
        %get3A_549 = vector.shape_cast %get3A_548 : vector<1x16xf32> to vector<16xf32>
        %swap3A_550 = arith.index_cast %shift_right_logical3A_541 : i32 to index
        %swap3A_551 = arith.index_cast %mul3A_545 : i32 to index
        %swap3A_552 = tpu.vector_load %arg8[%swap3A_550, %swap3A_551] {strides = array<i32>} : memref<16x1024xf32, #tpu.memory_space<vmem>>, vector<1x16xf32>,
        %swap3A_553 = vector.shape_cast %swap3A_552 : vector<1x16xf32> to vector<16xf32>
        %swap3A_554 = vector.shape_cast %get3A_549 : vector<16xf32> to vector<1x16xf32>
        tpu.vector_store %arg8[%swap3A_550, %swap3A_551], %swap3A_554 {add = true, strides = array<i32>} : memref<16x1024xf32, #tpu.memory_space<vmem>>, vector<1x16xf32>,
        %scan3A_555 = arith.constant 0 : i32
        %scan3A_556 = arith.constant 7 : i32
        %scan3A_557 = arith.addi %scan3A_434, %scan3A_556 : i32
        %shift_right_logical3A_558 = arith.constant 6 : i32
        %shift_right_logical3A_559 = arith.shrui %scan3A_557, %shift_right_logical3A_558 : i32
        %rem3A_560 = arith.constant 64 : i32
        %rem3A_561 = arith.remsi %scan3A_557, %rem3A_560 : i32
        %mul3A_562 = arith.constant 16 : i32
        %mul3A_563 = arith.muli %rem3A_561, %mul3A_562 : i32
        %get3A_564 = arith.index_cast %shift_right_logical3A_559 : i32 to index
        %get3A_565 = arith.index_cast %mul3A_563 : i32 to index
        %get3A_566 = tpu.vector_load %arg12[%get3A_564, %get3A_565] {strides = array<i32>} : memref<16x1024xf32, #tpu.memory_space<vmem>>, vector<1x16xf32>,
        %get3A_567 = vector.shape_cast %get3A_566 : vector<1x16xf32> to vector<16xf32>
        %swap3A_568 = arith.index_cast %shift_right_logical3A_559 : i32 to index
        %swap3A_569 = arith.index_cast %mul3A_563 : i32 to index
        %swap3A_570 = tpu.vector_load %arg8[%swap3A_568, %swap3A_569] {strides = array<i32>} : memref<16x1024xf32, #tpu.memory_space<vmem>>, vector<1x16xf32>,
        %swap3A_571 = vector.shape_cast %swap3A_570 : vector<1x16xf32> to vector<16xf32>
        %swap3A_572 = vector.shape_cast %get3A_567 : vector<16xf32> to vector<1x16xf32>
        tpu.vector_store %arg8[%swap3A_568, %swap3A_569], %swap3A_572 {add = true, strides = array<i32>} : memref<16x1024xf32, #tpu.memory_space<vmem>>, vector<1x16xf32>,
        %scan3A_573 = arith.constant 0 : i32
        scf.yield %scan3A_573 : i32
      }
      %scan3A_363 = arith.constant 1024 : i32
      %add3A_364 = arith.constant 8192 : i32
      %add3A_365 = arith.addi %add3A_364, %mul3A_2 : i32
      %mul3A_366 = arith.constant 16 : i32
      %mul3A_367 = arith.muli %add3A_287, %mul3A_366 : i32
      %add3A_368 = arith.addi %add3A_365, %mul3A_367 : i32
      %dma_start3A_369 = arith.constant 0 : i32
      %dma_start3A_370 = tpu.memref_slice %arg5[%add3A_368, %dma_start3A_369] : memref<32768x1024xf32, #tpu.memory_space<hbm>> -> memref<16x1024xf32, #tpu.memory_space<hbm>>
      %dma_start3A_371 = arith.constant 0 : i32
      %dma_start3A_372 = tpu.memref_slice %arg5[%add3A_368, %dma_start3A_371] : memref<32768x1024xf32, #tpu.memory_space<hbm>> -> memref<16x1024xf32, #tpu.memory_space<hbm>>
      tpu.enqueue_dma source(%arg8 : memref<16x1024xf32, #tpu.memory_space<vmem>>) target(%dma_start3A_372 : memref<16x1024xf32, #tpu.memory_space<hbm>>) target_semaphore(%arg18 : memref<!tpu.dma_semaphore, #tpu.memory_space<semaphore_mem>>)
      %add3A_373 = arith.constant 1 : i32
      %add3A_374 = arith.addi %add3A_287, %add3A_373 : i32
      %lt3A_375 = arith.constant 16 : i32
      %lt3A_376 = arith.cmpi slt, %add3A_374, %lt3A_375 : i32
      %convert_element_type3A_377 = arith.extui %lt3A_376 : i1 to i32
      %cond3A_378 = arith.constant 0 : i32
      %cond3A_379 = arith.cmpi ne, %convert_element_type3A_377, %cond3A_378 : i32
      scf.if %cond3A_379 {
        %dma_wait3A_434 = arith.constant 0 : i32
        %dma_wait3A_435 = arith.constant 0 : i32
        %dma_wait3A_436 = tpu.memref_slice %arg5[%dma_wait3A_434, %dma_wait3A_435] : memref<32768x1024xf32, #tpu.memory_space<hbm>> -> memref<16x1024xf32, #tpu.memory_space<hbm>>
        %dma_wait3A_437 = arith.constant 0 : i32
        %dma_wait3A_438 = arith.constant 0 : i32
        %dma_wait3A_439 = tpu.memref_slice %arg5[%dma_wait3A_437, %dma_wait3A_438] : memref<32768x1024xf32, #tpu.memory_space<hbm>> -> memref<16x1024xf32, #tpu.memory_space<hbm>>
        tpu.wait_dma2 semaphore(%arg17 : memref<!tpu.dma_semaphore, #tpu.memory_space<semaphore_mem>>) src(%arg7 : memref<16x1024xf32, #tpu.memory_space<vmem>>) dst(%dma_wait3A_439 : memref<16x1024xf32, #tpu.memory_space<hbm>>)
        %mul3A_440 = arith.constant 16 : i32
        %mul3A_441 = arith.muli %add3A_374, %mul3A_440 : i32
        %dma_start3A_442 = arith.constant 0 : i32
        %dma_start3A_443 = tpu.memref_slice %arg6[%dma_start3A_442, %mul3A_441] : memref<4x256xi32, #tpu.memory_space<vmem>> -> memref<1x16xi32, #tpu.memory_space<vmem>>
        %dma_start3A_444 = tpu.memref_squeeze %dma_start3A_443 : memref<1x16xi32, #tpu.memory_space<vmem>> -> memref<16xi32, #tpu.memory_space<vmem>>
        %dma_start3A_445 = arith.constant 0 : i32
        %dma_start3A_446 = arith.constant 0 : i32
        %dma_start3A_447 = tpu.memref_slice %arg3[%dma_start3A_445, %dma_start3A_446] : memref<100000x1024xf32, #tpu.memory_space<hbm>> -> memref<100000x1024xf32, #tpu.memory_space<hbm>>
        tpu.enqueue_indirect_dma source(%dma_start3A_447 : memref<100000x1024xf32, #tpu.memory_space<hbm>>) target(%arg7 : memref<16x1024xf32, #tpu.memory_space<vmem>>) offsets(%dma_start3A_444 : memref<16xi32, #tpu.memory_space<vmem>>) semaphore(%arg13 : memref<!tpu.dma_semaphore, #tpu.memory_space<semaphore_mem>>)
      } else {
      }
      %dma_wait3A_380 = arith.constant 2 : i32
      %dma_wait3A_381 = arith.constant 0 : i32
      %dma_wait3A_382 = tpu.memref_slice %arg6[%dma_wait3A_380, %dma_wait3A_381] : memref<4x256xi32, #tpu.memory_space<vmem>> -> memref<1x16xi32, #tpu.memory_space<vmem>>
      %dma_wait3A_383 = tpu.memref_squeeze %dma_wait3A_382 : memref<1x16xi32, #tpu.memory_space<vmem>> -> memref<16xi32, #tpu.memory_space<vmem>>
      %dma_wait3A_384 = arith.constant 0 : i32
      %dma_wait3A_385 = arith.constant 0 : i32
      %dma_wait3A_386 = tpu.memref_slice %arg3[%dma_wait3A_384, %dma_wait3A_385] : memref<100000x1024xf32, #tpu.memory_space<hbm>> -> memref<100000x1024xf32, #tpu.memory_space<hbm>>
      tpu.wait_indirect_dma semaphore(%arg15 : memref<!tpu.dma_semaphore, #tpu.memory_space<semaphore_mem>>) src(%dma_wait3A_386 : memref<100000x1024xf32, #tpu.memory_space<hbm>>) dst(%arg9 : memref<16x1024xf32, #tpu.memory_space<vmem>>)
      %scan3A_387 = arith.constant 0 : i32
      %scan3A_388 = arith.constant 0 : i32
      %scan3A_389 = arith.constant 1024 : i32
      %scan3A_390 = arith.addi %scan3A_388, %scan3A_389 : i32
      %scan3A_391 = arith.constant 8 : i32
      %scan3A_392 = scf.for %scan3A_434 = %scan3A_388 to %scan3A_390 step %scan3A_391 iter_args(%scan3A_435 = %scan3A_387) -> (i32)  : i32 {
        %shift_right_logical3A = arith.constant 6 : i32
        %shift_right_logical3A_436 = arith.shrui %scan3A_434, %shift_right_logical3A : i32
        %rem3A = arith.constant 64 : i32
        %rem3A_437 = arith.remsi %scan3A_434, %rem3A : i32
        %mul3A_438 = arith.constant 16 : i32
        %mul3A_439 = arith.muli %rem3A_437, %mul3A_438 : i32
        %get3A = arith.index_cast %shift_right_logical3A_436 : i32 to index
        %get3A_440 = arith.index_cast %mul3A_439 : i32 to index
        %get3A_441 = tpu.vector_load %arg12[%get3A, %get3A_440] {strides = array<i32>} : memref<16x1024xf32, #tpu.memory_space<vmem>>, vector<1x16xf32>,
        %get3A_442 = vector.shape_cast %get3A_441 : vector<1x16xf32> to vector<16xf32>
        %swap3A = arith.index_cast %shift_right_logical3A_436 : i32 to index
        %swap3A_443 = arith.index_cast %mul3A_439 : i32 to index
        %swap3A_444 = tpu.vector_load %arg9[%swap3A, %swap3A_443] {strides = array<i32>} : memref<16x1024xf32, #tpu.memory_space<vmem>>, vector<1x16xf32>,
        %swap3A_445 = vector.shape_cast %swap3A_444 : vector<1x16xf32> to vector<16xf32>
        %swap3A_446 = vector.shape_cast %get3A_442 : vector<16xf32> to vector<1x16xf32>
        tpu.vector_store %arg9[%swap3A, %swap3A_443], %swap3A_446 {add = true, strides = array<i32>} : memref<16x1024xf32, #tpu.memory_space<vmem>>, vector<1x16xf32>,
        %scan3A_447 = arith.constant 0 : i32
        %scan3A_448 = arith.constant 1 : i32
        %scan3A_449 = arith.addi %scan3A_434, %scan3A_448 : i32
        %shift_right_logical3A_450 = arith.constant 6 : i32
        %shift_right_logical3A_451 = arith.shrui %scan3A_449, %shift_right_logical3A_450 : i32
        %rem3A_452 = arith.constant 64 : i32
        %rem3A_453 = arith.remsi %scan3A_449, %rem3A_452 : i32
        %mul3A_454 = arith.constant 16 : i32
        %mul3A_455 = arith.muli %rem3A_453, %mul3A_454 : i32
        %get3A_456 = arith.index_cast %shift_right_logical3A_451 : i32 to index
        %get3A_457 = arith.index_cast %mul3A_455 : i32 to index
        %get3A_458 = tpu.vector_load %arg12[%get3A_456, %get3A_457] {strides = array<i32>} : memref<16x1024xf32, #tpu.memory_space<vmem>>, vector<1x16xf32>,
        %get3A_459 = vector.shape_cast %get3A_458 : vector<1x16xf32> to vector<16xf32>
        %swap3A_460 = arith.index_cast %shift_right_logical3A_451 : i32 to index
        %swap3A_461 = arith.index_cast %mul3A_455 : i32 to index
        %swap3A_462 = tpu.vector_load %arg9[%swap3A_460, %swap3A_461] {strides = array<i32>} : memref<16x1024xf32, #tpu.memory_space<vmem>>, vector<1x16xf32>,
        %swap3A_463 = vector.shape_cast %swap3A_462 : vector<1x16xf32> to vector<16xf32>
        %swap3A_464 = vector.shape_cast %get3A_459 : vector<16xf32> to vector<1x16xf32>
        tpu.vector_store %arg9[%swap3A_460, %swap3A_461], %swap3A_464 {add = true, strides = array<i32>} : memref<16x1024xf32, #tpu.memory_space<vmem>>, vector<1x16xf32>,
        %scan3A_465 = arith.constant 0 : i32
        %scan3A_466 = arith.constant 2 : i32
        %scan3A_467 = arith.addi %scan3A_434, %scan3A_466 : i32
        %shift_right_logical3A_468 = arith.constant 6 : i32
        %shift_right_logical3A_469 = arith.shrui %scan3A_467, %shift_right_logical3A_468 : i32
        %rem3A_470 = arith.constant 64 : i32
        %rem3A_471 = arith.remsi %scan3A_467, %rem3A_470 : i32
        %mul3A_472 = arith.constant 16 : i32
        %mul3A_473 = arith.muli %rem3A_471, %mul3A_472 : i32
        %get3A_474 = arith.index_cast %shift_right_logical3A_469 : i32 to index
        %get3A_475 = arith.index_cast %mul3A_473 : i32 to index
        %get3A_476 = tpu.vector_load %arg12[%get3A_474, %get3A_475] {strides = array<i32>} : memref<16x1024xf32, #tpu.memory_space<vmem>>, vector<1x16xf32>,
        %get3A_477 = vector.shape_cast %get3A_476 : vector<1x16xf32> to vector<16xf32>
        %swap3A_478 = arith.index_cast %shift_right_logical3A_469 : i32 to index
        %swap3A_479 = arith.index_cast %mul3A_473 : i32 to index
        %swap3A_480 = tpu.vector_load %arg9[%swap3A_478, %swap3A_479] {strides = array<i32>} : memref<16x1024xf32, #tpu.memory_space<vmem>>, vector<1x16xf32>,
        %swap3A_481 = vector.shape_cast %swap3A_480 : vector<1x16xf32> to vector<16xf32>
        %swap3A_482 = vector.shape_cast %get3A_477 : vector<16xf32> to vector<1x16xf32>
        tpu.vector_store %arg9[%swap3A_478, %swap3A_479], %swap3A_482 {add = true, strides = array<i32>} : memref<16x1024xf32, #tpu.memory_space<vmem>>, vector<1x16xf32>,
        %scan3A_483 = arith.constant 0 : i32
        %scan3A_484 = arith.constant 3 : i32
        %scan3A_485 = arith.addi %scan3A_434, %scan3A_484 : i32
        %shift_right_logical3A_486 = arith.constant 6 : i32
        %shift_right_logical3A_487 = arith.shrui %scan3A_485, %shift_right_logical3A_486 : i32
        %rem3A_488 = arith.constant 64 : i32
        %rem3A_489 = arith.remsi %scan3A_485, %rem3A_488 : i32
        %mul3A_490 = arith.constant 16 : i32
        %mul3A_491 = arith.muli %rem3A_489, %mul3A_490 : i32
        %get3A_492 = arith.index_cast %shift_right_logical3A_487 : i32 to index
        %get3A_493 = arith.index_cast %mul3A_491 : i32 to index
        %get3A_494 = tpu.vector_load %arg12[%get3A_492, %get3A_493] {strides = array<i32>} : memref<16x1024xf32, #tpu.memory_space<vmem>>, vector<1x16xf32>,
        %get3A_495 = vector.shape_cast %get3A_494 : vector<1x16xf32> to vector<16xf32>
        %swap3A_496 = arith.index_cast %shift_right_logical3A_487 : i32 to index
        %swap3A_497 = arith.index_cast %mul3A_491 : i32 to index
        %swap3A_498 = tpu.vector_load %arg9[%swap3A_496, %swap3A_497] {strides = array<i32>} : memref<16x1024xf32, #tpu.memory_space<vmem>>, vector<1x16xf32>,
        %swap3A_499 = vector.shape_cast %swap3A_498 : vector<1x16xf32> to vector<16xf32>
        %swap3A_500 = vector.shape_cast %get3A_495 : vector<16xf32> to vector<1x16xf32>
        tpu.vector_store %arg9[%swap3A_496, %swap3A_497], %swap3A_500 {add = true, strides = array<i32>} : memref<16x1024xf32, #tpu.memory_space<vmem>>, vector<1x16xf32>,
        %scan3A_501 = arith.constant 0 : i32
        %scan3A_502 = arith.constant 4 : i32
        %scan3A_503 = arith.addi %scan3A_434, %scan3A_502 : i32
        %shift_right_logical3A_504 = arith.constant 6 : i32
        %shift_right_logical3A_505 = arith.shrui %scan3A_503, %shift_right_logical3A_504 : i32
        %rem3A_506 = arith.constant 64 : i32
        %rem3A_507 = arith.remsi %scan3A_503, %rem3A_506 : i32
        %mul3A_508 = arith.constant 16 : i32
        %mul3A_509 = arith.muli %rem3A_507, %mul3A_508 : i32
        %get3A_510 = arith.index_cast %shift_right_logical3A_505 : i32 to index
        %get3A_511 = arith.index_cast %mul3A_509 : i32 to index
        %get3A_512 = tpu.vector_load %arg12[%get3A_510, %get3A_511] {strides = array<i32>} : memref<16x1024xf32, #tpu.memory_space<vmem>>, vector<1x16xf32>,
        %get3A_513 = vector.shape_cast %get3A_512 : vector<1x16xf32> to vector<16xf32>
        %swap3A_514 = arith.index_cast %shift_right_logical3A_505 : i32 to index
        %swap3A_515 = arith.index_cast %mul3A_509 : i32 to index
        %swap3A_516 = tpu.vector_load %arg9[%swap3A_514, %swap3A_515] {strides = array<i32>} : memref<16x1024xf32, #tpu.memory_space<vmem>>, vector<1x16xf32>,
        %swap3A_517 = vector.shape_cast %swap3A_516 : vector<1x16xf32> to vector<16xf32>
        %swap3A_518 = vector.shape_cast %get3A_513 : vector<16xf32> to vector<1x16xf32>
        tpu.vector_store %arg9[%swap3A_514, %swap3A_515], %swap3A_518 {add = true, strides = array<i32>} : memref<16x1024xf32, #tpu.memory_space<vmem>>, vector<1x16xf32>,
        %scan3A_519 = arith.constant 0 : i32
        %scan3A_520 = arith.constant 5 : i32
        %scan3A_521 = arith.addi %scan3A_434, %scan3A_520 : i32
        %shift_right_logical3A_522 = arith.constant 6 : i32
        %shift_right_logical3A_523 = arith.shrui %scan3A_521, %shift_right_logical3A_522 : i32
        %rem3A_524 = arith.constant 64 : i32
        %rem3A_525 = arith.remsi %scan3A_521, %rem3A_524 : i32
        %mul3A_526 = arith.constant 16 : i32
        %mul3A_527 = arith.muli %rem3A_525, %mul3A_526 : i32
        %get3A_528 = arith.index_cast %shift_right_logical3A_523 : i32 to index
        %get3A_529 = arith.index_cast %mul3A_527 : i32 to index
        %get3A_530 = tpu.vector_load %arg12[%get3A_528, %get3A_529] {strides = array<i32>} : memref<16x1024xf32, #tpu.memory_space<vmem>>, vector<1x16xf32>,
        %get3A_531 = vector.shape_cast %get3A_530 : vector<1x16xf32> to vector<16xf32>
        %swap3A_532 = arith.index_cast %shift_right_logical3A_523 : i32 to index
        %swap3A_533 = arith.index_cast %mul3A_527 : i32 to index
        %swap3A_534 = tpu.vector_load %arg9[%swap3A_532, %swap3A_533] {strides = array<i32>} : memref<16x1024xf32, #tpu.memory_space<vmem>>, vector<1x16xf32>,
        %swap3A_535 = vector.shape_cast %swap3A_534 : vector<1x16xf32> to vector<16xf32>
        %swap3A_536 = vector.shape_cast %get3A_531 : vector<16xf32> to vector<1x16xf32>
        tpu.vector_store %arg9[%swap3A_532, %swap3A_533], %swap3A_536 {add = true, strides = array<i32>} : memref<16x1024xf32, #tpu.memory_space<vmem>>, vector<1x16xf32>,
        %scan3A_537 = arith.constant 0 : i32
        %scan3A_538 = arith.constant 6 : i32
        %scan3A_539 = arith.addi %scan3A_434, %scan3A_538 : i32
        %shift_right_logical3A_540 = arith.constant 6 : i32
        %shift_right_logical3A_541 = arith.shrui %scan3A_539, %shift_right_logical3A_540 : i32
        %rem3A_542 = arith.constant 64 : i32
        %rem3A_543 = arith.remsi %scan3A_539, %rem3A_542 : i32
        %mul3A_544 = arith.constant 16 : i32
        %mul3A_545 = arith.muli %rem3A_543, %mul3A_544 : i32
        %get3A_546 = arith.index_cast %shift_right_logical3A_541 : i32 to index
        %get3A_547 = arith.index_cast %mul3A_545 : i32 to index
        %get3A_548 = tpu.vector_load %arg12[%get3A_546, %get3A_547] {strides = array<i32>} : memref<16x1024xf32, #tpu.memory_space<vmem>>, vector<1x16xf32>,
        %get3A_549 = vector.shape_cast %get3A_548 : vector<1x16xf32> to vector<16xf32>
        %swap3A_550 = arith.index_cast %shift_right_logical3A_541 : i32 to index
        %swap3A_551 = arith.index_cast %mul3A_545 : i32 to index
        %swap3A_552 = tpu.vector_load %arg9[%swap3A_550, %swap3A_551] {strides = array<i32>} : memref<16x1024xf32, #tpu.memory_space<vmem>>, vector<1x16xf32>,
        %swap3A_553 = vector.shape_cast %swap3A_552 : vector<1x16xf32> to vector<16xf32>
        %swap3A_554 = vector.shape_cast %get3A_549 : vector<16xf32> to vector<1x16xf32>
        tpu.vector_store %arg9[%swap3A_550, %swap3A_551], %swap3A_554 {add = true, strides = array<i32>} : memref<16x1024xf32, #tpu.memory_space<vmem>>, vector<1x16xf32>,
        %scan3A_555 = arith.constant 0 : i32
        %scan3A_556 = arith.constant 7 : i32
        %scan3A_557 = arith.addi %scan3A_434, %scan3A_556 : i32
        %shift_right_logical3A_558 = arith.constant 6 : i32
        %shift_right_logical3A_559 = arith.shrui %scan3A_557, %shift_right_logical3A_558 : i32
        %rem3A_560 = arith.constant 64 : i32
        %rem3A_561 = arith.remsi %scan3A_557, %rem3A_560 : i32
        %mul3A_562 = arith.constant 16 : i32
        %mul3A_563 = arith.muli %rem3A_561, %mul3A_562 : i32
        %get3A_564 = arith.index_cast %shift_right_logical3A_559 : i32 to index
        %get3A_565 = arith.index_cast %mul3A_563 : i32 to index
        %get3A_566 = tpu.vector_load %arg12[%get3A_564, %get3A_565] {strides = array<i32>} : memref<16x1024xf32, #tpu.memory_space<vmem>>, vector<1x16xf32>,
        %get3A_567 = vector.shape_cast %get3A_566 : vector<1x16xf32> to vector<16xf32>
        %swap3A_568 = arith.index_cast %shift_right_logical3A_559 : i32 to index
        %swap3A_569 = arith.index_cast %mul3A_563 : i32 to index
        %swap3A_570 = tpu.vector_load %arg9[%swap3A_568, %swap3A_569] {strides = array<i32>} : memref<16x1024xf32, #tpu.memory_space<vmem>>, vector<1x16xf32>,
        %swap3A_571 = vector.shape_cast %swap3A_570 : vector<1x16xf32> to vector<16xf32>
        %swap3A_572 = vector.shape_cast %get3A_567 : vector<16xf32> to vector<1x16xf32>
        tpu.vector_store %arg9[%swap3A_568, %swap3A_569], %swap3A_572 {add = true, strides = array<i32>} : memref<16x1024xf32, #tpu.memory_space<vmem>>, vector<1x16xf32>,
        %scan3A_573 = arith.constant 0 : i32
        scf.yield %scan3A_573 : i32
      }
      %scan3A_393 = arith.constant 1024 : i32
      %add3A_394 = arith.constant 16384 : i32
      %add3A_395 = arith.addi %add3A_394, %mul3A_2 : i32
      %mul3A_396 = arith.constant 16 : i32
      %mul3A_397 = arith.muli %add3A_287, %mul3A_396 : i32
      %add3A_398 = arith.addi %add3A_395, %mul3A_397 : i32
      %dma_start3A_399 = arith.constant 0 : i32
      %dma_start3A_400 = tpu.memref_slice %arg5[%add3A_398, %dma_start3A_399] : memref<32768x1024xf32, #tpu.memory_space<hbm>> -> memref<16x1024xf32, #tpu.memory_space<hbm>>
      %dma_start3A_401 = arith.constant 0 : i32
      %dma_start3A_402 = tpu.memref_slice %arg5[%add3A_398, %dma_start3A_401] : memref<32768x1024xf32, #tpu.memory_space<hbm>> -> memref<16x1024xf32, #tpu.memory_space<hbm>>
      tpu.enqueue_dma source(%arg9 : memref<16x1024xf32, #tpu.memory_space<vmem>>) target(%dma_start3A_402 : memref<16x1024xf32, #tpu.memory_space<hbm>>) target_semaphore(%arg19 : memref<!tpu.dma_semaphore, #tpu.memory_space<semaphore_mem>>)
      %add3A_403 = arith.constant 1 : i32
      %add3A_404 = arith.addi %add3A_287, %add3A_403 : i32
      %lt3A_405 = arith.constant 16 : i32
      %lt3A_406 = arith.cmpi slt, %add3A_404, %lt3A_405 : i32
      %convert_element_type3A_407 = arith.extui %lt3A_406 : i1 to i32
      %cond3A_408 = arith.constant 0 : i32
      %cond3A_409 = arith.cmpi ne, %convert_element_type3A_407, %cond3A_408 : i32
      scf.if %cond3A_409 {
        %dma_wait3A_434 = arith.constant 0 : i32
        %dma_wait3A_435 = arith.constant 0 : i32
        %dma_wait3A_436 = tpu.memref_slice %arg5[%dma_wait3A_434, %dma_wait3A_435] : memref<32768x1024xf32, #tpu.memory_space<hbm>> -> memref<16x1024xf32, #tpu.memory_space<hbm>>
        %dma_wait3A_437 = arith.constant 0 : i32
        %dma_wait3A_438 = arith.constant 0 : i32
        %dma_wait3A_439 = tpu.memref_slice %arg5[%dma_wait3A_437, %dma_wait3A_438] : memref<32768x1024xf32, #tpu.memory_space<hbm>> -> memref<16x1024xf32, #tpu.memory_space<hbm>>
        tpu.wait_dma2 semaphore(%arg18 : memref<!tpu.dma_semaphore, #tpu.memory_space<semaphore_mem>>) src(%arg8 : memref<16x1024xf32, #tpu.memory_space<vmem>>) dst(%dma_wait3A_439 : memref<16x1024xf32, #tpu.memory_space<hbm>>)
        %mul3A_440 = arith.constant 16 : i32
        %mul3A_441 = arith.muli %add3A_404, %mul3A_440 : i32
        %dma_start3A_442 = arith.constant 1 : i32
        %dma_start3A_443 = tpu.memref_slice %arg6[%dma_start3A_442, %mul3A_441] : memref<4x256xi32, #tpu.memory_space<vmem>> -> memref<1x16xi32, #tpu.memory_space<vmem>>
        %dma_start3A_444 = tpu.memref_squeeze %dma_start3A_443 : memref<1x16xi32, #tpu.memory_space<vmem>> -> memref<16xi32, #tpu.memory_space<vmem>>
        %dma_start3A_445 = arith.constant 0 : i32
        %dma_start3A_446 = arith.constant 0 : i32
        %dma_start3A_447 = tpu.memref_slice %arg3[%dma_start3A_445, %dma_start3A_446] : memref<100000x1024xf32, #tpu.memory_space<hbm>> -> memref<100000x1024xf32, #tpu.memory_space<hbm>>
        tpu.enqueue_indirect_dma source(%dma_start3A_447 : memref<100000x1024xf32, #tpu.memory_space<hbm>>) target(%arg8 : memref<16x1024xf32, #tpu.memory_space<vmem>>) offsets(%dma_start3A_444 : memref<16xi32, #tpu.memory_space<vmem>>) semaphore(%arg14 : memref<!tpu.dma_semaphore, #tpu.memory_space<semaphore_mem>>)
      } else {
      }
      %dma_wait3A_410 = arith.constant 3 : i32
      %dma_wait3A_411 = arith.constant 0 : i32
      %dma_wait3A_412 = tpu.memref_slice %arg6[%dma_wait3A_410, %dma_wait3A_411] : memref<4x256xi32, #tpu.memory_space<vmem>> -> memref<1x16xi32, #tpu.memory_space<vmem>>
      %dma_wait3A_413 = tpu.memref_squeeze %dma_wait3A_412 : memref<1x16xi32, #tpu.memory_space<vmem>> -> memref<16xi32, #tpu.memory_space<vmem>>
      %dma_wait3A_414 = arith.constant 0 : i32
      %dma_wait3A_415 = arith.constant 0 : i32
      %dma_wait3A_416 = tpu.memref_slice %arg3[%dma_wait3A_414, %dma_wait3A_415] : memref<100000x1024xf32, #tpu.memory_space<hbm>> -> memref<100000x1024xf32, #tpu.memory_space<hbm>>
      tpu.wait_indirect_dma semaphore(%arg16 : memref<!tpu.dma_semaphore, #tpu.memory_space<semaphore_mem>>) src(%dma_wait3A_416 : memref<100000x1024xf32, #tpu.memory_space<hbm>>) dst(%arg10 : memref<16x1024xf32, #tpu.memory_space<vmem>>)
      %scan3A_417 = arith.constant 0 : i32
      %scan3A_418 = arith.constant 0 : i32
      %scan3A_419 = arith.constant 1024 : i32
      %scan3A_420 = arith.addi %scan3A_418, %scan3A_419 : i32
      %scan3A_421 = arith.constant 8 : i32
      %scan3A_422 = scf.for %scan3A_434 = %scan3A_418 to %scan3A_420 step %scan3A_421 iter_args(%scan3A_435 = %scan3A_417) -> (i32)  : i32 {
        %shift_right_logical3A = arith.constant 6 : i32
        %shift_right_logical3A_436 = arith.shrui %scan3A_434, %shift_right_logical3A : i32
        %rem3A = arith.constant 64 : i32
        %rem3A_437 = arith.remsi %scan3A_434, %rem3A : i32
        %mul3A_438 = arith.constant 16 : i32
        %mul3A_439 = arith.muli %rem3A_437, %mul3A_438 : i32
        %get3A = arith.index_cast %shift_right_logical3A_436 : i32 to index
        %get3A_440 = arith.index_cast %mul3A_439 : i32 to index
        %get3A_441 = tpu.vector_load %arg12[%get3A, %get3A_440] {strides = array<i32>} : memref<16x1024xf32, #tpu.memory_space<vmem>>, vector<1x16xf32>,
        %get3A_442 = vector.shape_cast %get3A_441 : vector<1x16xf32> to vector<16xf32>
        %swap3A = arith.index_cast %shift_right_logical3A_436 : i32 to index
        %swap3A_443 = arith.index_cast %mul3A_439 : i32 to index
        %swap3A_444 = tpu.vector_load %arg10[%swap3A, %swap3A_443] {strides = array<i32>} : memref<16x1024xf32, #tpu.memory_space<vmem>>, vector<1x16xf32>,
        %swap3A_445 = vector.shape_cast %swap3A_444 : vector<1x16xf32> to vector<16xf32>
        %swap3A_446 = vector.shape_cast %get3A_442 : vector<16xf32> to vector<1x16xf32>
        tpu.vector_store %arg10[%swap3A, %swap3A_443], %swap3A_446 {add = true, strides = array<i32>} : memref<16x1024xf32, #tpu.memory_space<vmem>>, vector<1x16xf32>,
        %scan3A_447 = arith.constant 0 : i32
        %scan3A_448 = arith.constant 1 : i32
        %scan3A_449 = arith.addi %scan3A_434, %scan3A_448 : i32
        %shift_right_logical3A_450 = arith.constant 6 : i32
        %shift_right_logical3A_451 = arith.shrui %scan3A_449, %shift_right_logical3A_450 : i32
        %rem3A_452 = arith.constant 64 : i32
        %rem3A_453 = arith.remsi %scan3A_449, %rem3A_452 : i32
        %mul3A_454 = arith.constant 16 : i32
        %mul3A_455 = arith.muli %rem3A_453, %mul3A_454 : i32
        %get3A_456 = arith.index_cast %shift_right_logical3A_451 : i32 to index
        %get3A_457 = arith.index_cast %mul3A_455 : i32 to index
        %get3A_458 = tpu.vector_load %arg12[%get3A_456, %get3A_457] {strides = array<i32>} : memref<16x1024xf32, #tpu.memory_space<vmem>>, vector<1x16xf32>,
        %get3A_459 = vector.shape_cast %get3A_458 : vector<1x16xf32> to vector<16xf32>
        %swap3A_460 = arith.index_cast %shift_right_logical3A_451 : i32 to index
        %swap3A_461 = arith.index_cast %mul3A_455 : i32 to index
        %swap3A_462 = tpu.vector_load %arg10[%swap3A_460, %swap3A_461] {strides = array<i32>} : memref<16x1024xf32, #tpu.memory_space<vmem>>, vector<1x16xf32>,
        %swap3A_463 = vector.shape_cast %swap3A_462 : vector<1x16xf32> to vector<16xf32>
        %swap3A_464 = vector.shape_cast %get3A_459 : vector<16xf32> to vector<1x16xf32>
        tpu.vector_store %arg10[%swap3A_460, %swap3A_461], %swap3A_464 {add = true, strides = array<i32>} : memref<16x1024xf32, #tpu.memory_space<vmem>>, vector<1x16xf32>,
        %scan3A_465 = arith.constant 0 : i32
        %scan3A_466 = arith.constant 2 : i32
        %scan3A_467 = arith.addi %scan3A_434, %scan3A_466 : i32
        %shift_right_logical3A_468 = arith.constant 6 : i32
        %shift_right_logical3A_469 = arith.shrui %scan3A_467, %shift_right_logical3A_468 : i32
        %rem3A_470 = arith.constant 64 : i32
        %rem3A_471 = arith.remsi %scan3A_467, %rem3A_470 : i32
        %mul3A_472 = arith.constant 16 : i32
        %mul3A_473 = arith.muli %rem3A_471, %mul3A_472 : i32
        %get3A_474 = arith.index_cast %shift_right_logical3A_469 : i32 to index
        %get3A_475 = arith.index_cast %mul3A_473 : i32 to index
        %get3A_476 = tpu.vector_load %arg12[%get3A_474, %get3A_475] {strides = array<i32>} : memref<16x1024xf32, #tpu.memory_space<vmem>>, vector<1x16xf32>,
        %get3A_477 = vector.shape_cast %get3A_476 : vector<1x16xf32> to vector<16xf32>
        %swap3A_478 = arith.index_cast %shift_right_logical3A_469 : i32 to index
        %swap3A_479 = arith.index_cast %mul3A_473 : i32 to index
        %swap3A_480 = tpu.vector_load %arg10[%swap3A_478, %swap3A_479] {strides = array<i32>} : memref<16x1024xf32, #tpu.memory_space<vmem>>, vector<1x16xf32>,
        %swap3A_481 = vector.shape_cast %swap3A_480 : vector<1x16xf32> to vector<16xf32>
        %swap3A_482 = vector.shape_cast %get3A_477 : vector<16xf32> to vector<1x16xf32>
        tpu.vector_store %arg10[%swap3A_478, %swap3A_479], %swap3A_482 {add = true, strides = array<i32>} : memref<16x1024xf32, #tpu.memory_space<vmem>>, vector<1x16xf32>,
        %scan3A_483 = arith.constant 0 : i32
        %scan3A_484 = arith.constant 3 : i32
        %scan3A_485 = arith.addi %scan3A_434, %scan3A_484 : i32
        %shift_right_logical3A_486 = arith.constant 6 : i32
        %shift_right_logical3A_487 = arith.shrui %scan3A_485, %shift_right_logical3A_486 : i32
        %rem3A_488 = arith.constant 64 : i32
        %rem3A_489 = arith.remsi %scan3A_485, %rem3A_488 : i32
        %mul3A_490 = arith.constant 16 : i32
        %mul3A_491 = arith.muli %rem3A_489, %mul3A_490 : i32
        %get3A_492 = arith.index_cast %shift_right_logical3A_487 : i32 to index
        %get3A_493 = arith.index_cast %mul3A_491 : i32 to index
        %get3A_494 = tpu.vector_load %arg12[%get3A_492, %get3A_493] {strides = array<i32>} : memref<16x1024xf32, #tpu.memory_space<vmem>>, vector<1x16xf32>,
        %get3A_495 = vector.shape_cast %get3A_494 : vector<1x16xf32> to vector<16xf32>
        %swap3A_496 = arith.index_cast %shift_right_logical3A_487 : i32 to index
        %swap3A_497 = arith.index_cast %mul3A_491 : i32 to index
        %swap3A_498 = tpu.vector_load %arg10[%swap3A_496, %swap3A_497] {strides = array<i32>} : memref<16x1024xf32, #tpu.memory_space<vmem>>, vector<1x16xf32>,
        %swap3A_499 = vector.shape_cast %swap3A_498 : vector<1x16xf32> to vector<16xf32>
        %swap3A_500 = vector.shape_cast %get3A_495 : vector<16xf32> to vector<1x16xf32>
        tpu.vector_store %arg10[%swap3A_496, %swap3A_497], %swap3A_500 {add = true, strides = array<i32>} : memref<16x1024xf32, #tpu.memory_space<vmem>>, vector<1x16xf32>,
        %scan3A_501 = arith.constant 0 : i32
        %scan3A_502 = arith.constant 4 : i32
        %scan3A_503 = arith.addi %scan3A_434, %scan3A_502 : i32
        %shift_right_logical3A_504 = arith.constant 6 : i32
        %shift_right_logical3A_505 = arith.shrui %scan3A_503, %shift_right_logical3A_504 : i32
        %rem3A_506 = arith.constant 64 : i32
        %rem3A_507 = arith.remsi %scan3A_503, %rem3A_506 : i32
        %mul3A_508 = arith.constant 16 : i32
        %mul3A_509 = arith.muli %rem3A_507, %mul3A_508 : i32
        %get3A_510 = arith.index_cast %shift_right_logical3A_505 : i32 to index
        %get3A_511 = arith.index_cast %mul3A_509 : i32 to index
        %get3A_512 = tpu.vector_load %arg12[%get3A_510, %get3A_511] {strides = array<i32>} : memref<16x1024xf32, #tpu.memory_space<vmem>>, vector<1x16xf32>,
        %get3A_513 = vector.shape_cast %get3A_512 : vector<1x16xf32> to vector<16xf32>
        %swap3A_514 = arith.index_cast %shift_right_logical3A_505 : i32 to index
        %swap3A_515 = arith.index_cast %mul3A_509 : i32 to index
        %swap3A_516 = tpu.vector_load %arg10[%swap3A_514, %swap3A_515] {strides = array<i32>} : memref<16x1024xf32, #tpu.memory_space<vmem>>, vector<1x16xf32>,
        %swap3A_517 = vector.shape_cast %swap3A_516 : vector<1x16xf32> to vector<16xf32>
        %swap3A_518 = vector.shape_cast %get3A_513 : vector<16xf32> to vector<1x16xf32>
        tpu.vector_store %arg10[%swap3A_514, %swap3A_515], %swap3A_518 {add = true, strides = array<i32>} : memref<16x1024xf32, #tpu.memory_space<vmem>>, vector<1x16xf32>,
        %scan3A_519 = arith.constant 0 : i32
        %scan3A_520 = arith.constant 5 : i32
        %scan3A_521 = arith.addi %scan3A_434, %scan3A_520 : i32
        %shift_right_logical3A_522 = arith.constant 6 : i32
        %shift_right_logical3A_523 = arith.shrui %scan3A_521, %shift_right_logical3A_522 : i32
        %rem3A_524 = arith.constant 64 : i32
        %rem3A_525 = arith.remsi %scan3A_521, %rem3A_524 : i32
        %mul3A_526 = arith.constant 16 : i32
        %mul3A_527 = arith.muli %rem3A_525, %mul3A_526 : i32
        %get3A_528 = arith.index_cast %shift_right_logical3A_523 : i32 to index
        %get3A_529 = arith.index_cast %mul3A_527 : i32 to index
        %get3A_530 = tpu.vector_load %arg12[%get3A_528, %get3A_529] {strides = array<i32>} : memref<16x1024xf32, #tpu.memory_space<vmem>>, vector<1x16xf32>,
        %get3A_531 = vector.shape_cast %get3A_530 : vector<1x16xf32> to vector<16xf32>
        %swap3A_532 = arith.index_cast %shift_right_logical3A_523 : i32 to index
        %swap3A_533 = arith.index_cast %mul3A_527 : i32 to index
        %swap3A_534 = tpu.vector_load %arg10[%swap3A_532, %swap3A_533] {strides = array<i32>} : memref<16x1024xf32, #tpu.memory_space<vmem>>, vector<1x16xf32>,
        %swap3A_535 = vector.shape_cast %swap3A_534 : vector<1x16xf32> to vector<16xf32>
        %swap3A_536 = vector.shape_cast %get3A_531 : vector<16xf32> to vector<1x16xf32>
        tpu.vector_store %arg10[%swap3A_532, %swap3A_533], %swap3A_536 {add = true, strides = array<i32>} : memref<16x1024xf32, #tpu.memory_space<vmem>>, vector<1x16xf32>,
        %scan3A_537 = arith.constant 0 : i32
        %scan3A_538 = arith.constant 6 : i32
        %scan3A_539 = arith.addi %scan3A_434, %scan3A_538 : i32
        %shift_right_logical3A_540 = arith.constant 6 : i32
        %shift_right_logical3A_541 = arith.shrui %scan3A_539, %shift_right_logical3A_540 : i32
        %rem3A_542 = arith.constant 64 : i32
        %rem3A_543 = arith.remsi %scan3A_539, %rem3A_542 : i32
        %mul3A_544 = arith.constant 16 : i32
        %mul3A_545 = arith.muli %rem3A_543, %mul3A_544 : i32
        %get3A_546 = arith.index_cast %shift_right_logical3A_541 : i32 to index
        %get3A_547 = arith.index_cast %mul3A_545 : i32 to index
        %get3A_548 = tpu.vector_load %arg12[%get3A_546, %get3A_547] {strides = array<i32>} : memref<16x1024xf32, #tpu.memory_space<vmem>>, vector<1x16xf32>,
        %get3A_549 = vector.shape_cast %get3A_548 : vector<1x16xf32> to vector<16xf32>
        %swap3A_550 = arith.index_cast %shift_right_logical3A_541 : i32 to index
        %swap3A_551 = arith.index_cast %mul3A_545 : i32 to index
        %swap3A_552 = tpu.vector_load %arg10[%swap3A_550, %swap3A_551] {strides = array<i32>} : memref<16x1024xf32, #tpu.memory_space<vmem>>, vector<1x16xf32>,
        %swap3A_553 = vector.shape_cast %swap3A_552 : vector<1x16xf32> to vector<16xf32>
        %swap3A_554 = vector.shape_cast %get3A_549 : vector<16xf32> to vector<1x16xf32>
        tpu.vector_store %arg10[%swap3A_550, %swap3A_551], %swap3A_554 {add = true, strides = array<i32>} : memref<16x1024xf32, #tpu.memory_space<vmem>>, vector<1x16xf32>,
        %scan3A_555 = arith.constant 0 : i32
        %scan3A_556 = arith.constant 7 : i32
        %scan3A_557 = arith.addi %scan3A_434, %scan3A_556 : i32
        %shift_right_logical3A_558 = arith.constant 6 : i32
        %shift_right_logical3A_559 = arith.shrui %scan3A_557, %shift_right_logical3A_558 : i32
        %rem3A_560 = arith.constant 64 : i32
        %rem3A_561 = arith.remsi %scan3A_557, %rem3A_560 : i32
        %mul3A_562 = arith.constant 16 : i32
        %mul3A_563 = arith.muli %rem3A_561, %mul3A_562 : i32
        %get3A_564 = arith.index_cast %shift_right_logical3A_559 : i32 to index
        %get3A_565 = arith.index_cast %mul3A_563 : i32 to index
        %get3A_566 = tpu.vector_load %arg12[%get3A_564, %get3A_565] {strides = array<i32>} : memref<16x1024xf32, #tpu.memory_space<vmem>>, vector<1x16xf32>,
        %get3A_567 = vector.shape_cast %get3A_566 : vector<1x16xf32> to vector<16xf32>
        %swap3A_568 = arith.index_cast %shift_right_logical3A_559 : i32 to index
        %swap3A_569 = arith.index_cast %mul3A_563 : i32 to index
        %swap3A_570 = tpu.vector_load %arg10[%swap3A_568, %swap3A_569] {strides = array<i32>} : memref<16x1024xf32, #tpu.memory_space<vmem>>, vector<1x16xf32>,
        %swap3A_571 = vector.shape_cast %swap3A_570 : vector<1x16xf32> to vector<16xf32>
        %swap3A_572 = vector.shape_cast %get3A_567 : vector<16xf32> to vector<1x16xf32>
        tpu.vector_store %arg10[%swap3A_568, %swap3A_569], %swap3A_572 {add = true, strides = array<i32>} : memref<16x1024xf32, #tpu.memory_space<vmem>>, vector<1x16xf32>,
        %scan3A_573 = arith.constant 0 : i32
        scf.yield %scan3A_573 : i32
      }
      %scan3A_423 = arith.constant 1024 : i32
      %add3A_424 = arith.constant 24576 : i32
      %add3A_425 = arith.addi %add3A_424, %mul3A_2 : i32
      %mul3A_426 = arith.constant 16 : i32
      %mul3A_427 = arith.muli %add3A_287, %mul3A_426 : i32
      %add3A_428 = arith.addi %add3A_425, %mul3A_427 : i32
      %dma_start3A_429 = arith.constant 0 : i32
      %dma_start3A_430 = tpu.memref_slice %arg5[%add3A_428, %dma_start3A_429] : memref<32768x1024xf32, #tpu.memory_space<hbm>> -> memref<16x1024xf32, #tpu.memory_space<hbm>>
      %dma_start3A_431 = arith.constant 0 : i32
      %dma_start3A_432 = tpu.memref_slice %arg5[%add3A_428, %dma_start3A_431] : memref<32768x1024xf32, #tpu.memory_space<hbm>> -> memref<16x1024xf32, #tpu.memory_space<hbm>>
      tpu.enqueue_dma source(%arg10 : memref<16x1024xf32, #tpu.memory_space<vmem>>) target(%dma_start3A_432 : memref<16x1024xf32, #tpu.memory_space<hbm>>) target_semaphore(%arg20 : memref<!tpu.dma_semaphore, #tpu.memory_space<semaphore_mem>>)
      %scan3A_433 = arith.constant 0 : i32
      scf.yield %scan3A_433 : i32
    }
    %scan3A_114 = arith.constant 8 : i32
    %dma_wait3A_115 = arith.constant 0 : i32
    %dma_wait3A_116 = arith.constant 0 : i32
    %dma_wait3A_117 = tpu.memref_slice %arg5[%dma_wait3A_115, %dma_wait3A_116] : memref<32768x1024xf32, #tpu.memory_space<hbm>> -> memref<16x1024xf32, #tpu.memory_space<hbm>>
    %dma_wait3A_118 = arith.constant 0 : i32
    %dma_wait3A_119 = arith.constant 0 : i32
    %dma_wait3A_120 = tpu.memref_slice %arg5[%dma_wait3A_118, %dma_wait3A_119] : memref<32768x1024xf32, #tpu.memory_space<hbm>> -> memref<16x1024xf32, #tpu.memory_space<hbm>>
    tpu.wait_dma2 semaphore(%arg17 : memref<!tpu.dma_semaphore, #tpu.memory_space<semaphore_mem>>) src(%arg7 : memref<16x1024xf32, #tpu.memory_space<vmem>>) dst(%dma_wait3A_120 : memref<16x1024xf32, #tpu.memory_space<hbm>>)
    %dma_wait3A_121 = arith.constant 0 : i32
    %dma_wait3A_122 = arith.constant 0 : i32
    %dma_wait3A_123 = tpu.memref_slice %arg5[%dma_wait3A_121, %dma_wait3A_122] : memref<32768x1024xf32, #tpu.memory_space<hbm>> -> memref<16x1024xf32, #tpu.memory_space<hbm>>
    %dma_wait3A_124 = arith.constant 0 : i32
    %dma_wait3A_125 = arith.constant 0 : i32
    %dma_wait3A_126 = tpu.memref_slice %arg5[%dma_wait3A_124, %dma_wait3A_125] : memref<32768x1024xf32, #tpu.memory_space<hbm>> -> memref<16x1024xf32, #tpu.memory_space<hbm>>
    tpu.wait_dma2 semaphore(%arg18 : memref<!tpu.dma_semaphore, #tpu.memory_space<semaphore_mem>>) src(%arg8 : memref<16x1024xf32, #tpu.memory_space<vmem>>) dst(%dma_wait3A_126 : memref<16x1024xf32, #tpu.memory_space<hbm>>)
    %dma_wait3A_127 = arith.constant 0 : i32
    %dma_wait3A_128 = arith.constant 0 : i32
    %dma_wait3A_129 = tpu.memref_slice %arg5[%dma_wait3A_127, %dma_wait3A_128] : memref<32768x1024xf32, #tpu.memory_space<hbm>> -> memref<16x1024xf32, #tpu.memory_space<hbm>>
    %dma_wait3A_130 = arith.constant 0 : i32
    %dma_wait3A_131 = arith.constant 0 : i32
    %dma_wait3A_132 = tpu.memref_slice %arg5[%dma_wait3A_130, %dma_wait3A_131] : memref<32768x1024xf32, #tpu.memory_space<hbm>> -> memref<16x1024xf32, #tpu.memory_space<hbm>>
    tpu.wait_dma2 semaphore(%arg19 : memref<!tpu.dma_semaphore, #tpu.memory_space<semaphore_mem>>) src(%arg9 : memref<16x1024xf32, #tpu.memory_space<vmem>>) dst(%dma_wait3A_132 : memref<16x1024xf32, #tpu.memory_space<hbm>>)
    %dma_wait3A_133 = arith.constant 0 : i32
    %dma_wait3A_134 = arith.constant 0 : i32
    %dma_wait3A_135 = tpu.memref_slice %arg5[%dma_wait3A_133, %dma_wait3A_134] : memref<32768x1024xf32, #tpu.memory_space<hbm>> -> memref<16x1024xf32, #tpu.memory_space<hbm>>
    %dma_wait3A_136 = arith.constant 0 : i32
    %dma_wait3A_137 = arith.constant 0 : i32
    %dma_wait3A_138 = tpu.memref_slice %arg5[%dma_wait3A_136, %dma_wait3A_137] : memref<32768x1024xf32, #tpu.memory_space<hbm>> -> memref<16x1024xf32, #tpu.memory_space<hbm>>
    tpu.wait_dma2 semaphore(%arg20 : memref<!tpu.dma_semaphore, #tpu.memory_space<semaphore_mem>>) src(%arg10 : memref<16x1024xf32, #tpu.memory_space<vmem>>) dst(%dma_wait3A_138 : memref<16x1024xf32, #tpu.memory_space<hbm>>)
    return
  }
}

</mosaic_0001>

<sc_bundles>
// kernel: kernel.3.cloned.1.call-start
scs
__scs_entry_jumppad:
0x0: {  	(pc) =	sbr.rel $0x88, $3  }
0x1: {  	(tag) =	ssettag $0x0;
	lr =	simm.s32 $0x1  }
0x2: {  	[smem:$0x3F9E] =	sst lr;
	_ =	strace $0xD0000000  }
0x3: {  	_ = 	snop  }
0x4: {  	_ = 	snop  }
0x5: {  	_ = 	snop  }
0x6: {  	_ = 	snop  }
0x7: {  	_ = 	snop  }
__scs_overlays_trampoline_lowered:
0x8: {  	[smem:$0x3FAD] =	sst s0  }
0x9: {  	[smem:$0x3FAE] =	sst s1  }
0xa: {  	[smem:$0x3FAF] =	sst s2  }
0xb: {  	[smem:$0x3FB0] =	sst s3  }
0xc: {  	[smem:$0x3FB1] =	sst s4  }
0xd: {  	[smem:$0x3FB2] =	sst s5  }
0xe: {  	[smem:$0x3FB3] =	sst s6  }
0xf: {  	[smem:$0x3FB4] =	sst s7  }
0x10: {  	[smem:$0x3FB5] =	sst s8  }
0x11: {  	[smem:$0x3FB6] =	sst s9;
	s0 =	simm.s32 @!p0 $0x0  }
0x12: {  	s1 =	sld [smem:$0x3F9C];
	s0 =	simm.s32 @p0 $0x1  }
0x13: {  	[smem:$0x3FB7] =	sst s0;
	s0 =	simm.s32 @!p1 $0x0  }
0x14: {  	s2 =	sld [smem:$0x3F9B];
	s0 =	simm.s32 @p1 $0x1  }
0x15: {  	[smem:$0x3FB8] =	sst s0;
	s0 =	simm.s32 @!p2 $0x0  }
0x16: {  	s3 =	sld [smem:$0x3FDB];
	s0 =	simm.s32 @p2 $0x1  }
0x17: {  	s4 =	simm.s32 $0x1BF5;
	[smem:$0x3FBA] =	sst s0  }
0x18: {  	s0 =	sld [smem:$0x3F9D];
	_ =	swait.ge [sflag:s4], $0x0  }
0x19: {  	s7 =	sld [smem:$0x3F9E]  }
0x1a: {  	s8 =	sadd.s32 $0xFFFFE003, lr  }
0x1b: {  	s9 =	sadd.s32 $0xFFFFFEF7, lr;
	s5 =	simm.s32 $0xFFFFFFFF;
	p2 =	slt.u32 s8, $0xFFFFF086  }
0x1c: {  	p1 =	slt.u32 s9, $0xF7A;
	s5 =	simm.s32 @!p2 $0x0  }
0x1d: {  	s5 =	simm.s32 @p1 $0x1;
	p0 =	seq.s32 s7, s2  }
0x1e: {  	s7 =	smul.u32 @!p0 $0xF7A, s2;
	p2 =	seq.s32 @!p0 s5, $0x0  }
0x1f: {  	s9 =	smul.u32 $0xF7A, s1;
	s8 =	simm.s32 @!p0 $0x1BF5;
	p2 =	por !p2, p0  }
0x20: {  	[sflag:s8] =	ssyncset.s32 @!p0 $0xFFFFF086;
	s6 =	sadd.s32 @!p0 s3, s7;
	s7 =	simm.s32 @!p0 $0x108  }
0x21: {  	s3 =	sadd.s32 s3, s9;
	s6 =	sadd.s32 @!p0 $0x88, s6;
	s7 =	simm.s32 @p2 $0x1082  }
0x22: {  	[simem:s7], [sflag:s8] =	dma.local @!p0 [hbm:s6], $0xF7A  }
0x23: {  	s9 =	sor.u32 $0xD0000000, s2;
	s6 =	simm.s32 $0x108;
	_ =	swait.ge @!p0 [sflag:s8], $0x0  }
0x24: {  	s3 =	sadd.s32 $0x88, s3;
	s6 =	simm.s32 @!p1 $0x1082;
	[sflag:s4] =	ssyncset.s32 $0xFFFFF086  }
0x25: {  	[simem:s6], [sflag:s4] =	dma.local [hbm:s3], $0xF7A  }
0x26: {  	[smem:$0x3F9E] =	sst s1;
	(tag) =	ssettag s2;
	_ =	strace s9  }
0x27: {  	s1 =	sld [smem:$0x3FAE]  }
0x28: {  	s2 =	sld [smem:$0x3FAF]  }
0x29: {  	s4 =	sld [smem:$0x3FB1]  }
0x2a: {  	p0 =	seq.s32 s5, $0x0;
	s5 =	sld [smem:$0x3FB2]  }
0x2b: {  	s6 =	sld [smem:$0x3FB3]  }
0x2c: {  	s7 =	sld [smem:$0x3FB4]  }
0x2d: {  	s3 =	simm.s32 $0x108;
	s8 =	sld [smem:$0x3FB5]  }
0x2e: {  	s3 =	simm.s32 @!p0 $0x1082;
	s9 =	sld [smem:$0x3FB6]  }
0x2f: {  	lr =	sadd.s32 s0, s3;
	s0 =	sld [smem:$0x3FAD]  }
0x30: {  	s3 =	sld [smem:$0x3FB0]  }
0x31: {  	[smem:$0x3FB9] =	sst s10  }
0x32: {  	s10 =	sld [smem:$0x3FB7];
	_ =	sdelay $0x3  }
0x33: {  	p0 =	seq.s32 s10, $0x1;
	s10 =	sld [smem:$0x3FB9];
	_ =	sdelay $0x3  }
0x34: {  	[smem:$0x3FB9] =	sst s10  }
0x35: {  	s10 =	sld [smem:$0x3FB8];
	_ =	sdelay $0x3  }
0x36: {  	p1 =	seq.s32 s10, $0x1;
	s10 =	sld [smem:$0x3FB9];
	_ =	sdelay $0x3  }
0x37: {  	[smem:$0x3FB9] =	sst s10  }
0x38: {  	s10 =	sld [smem:$0x3FBA]  }
0x39: {  	_ = 	snop;
	(pc) =	sbr.ind lr, $3  }
0x3a: {  	_ = 	snop  }
0x3b: {  	_ = 	snop  }
0x3c: {  	p2 =	seq.s32 s10, $0x1;
	s10 =	sld [smem:$0x3FB9]  }
0x3d: {  	_ =	shalt  }
0x3e: {  	_ =	shalt  }
0x3f: {  	_ =	shalt  }
0x40: {  	_ =	shalt  }
0x41: {  	_ =	shalt  }
0x42: {  	_ =	shalt  }
0x43: {  	_ =	shalt  }
0x44: {  	_ =	shalt  }
0x45: {  	_ =	shalt  }
0x46: {  	_ =	shalt  }
0x47: {  	_ =	shalt  }
0x48: {  	_ =	shalt  }
0x49: {  	_ =	shalt  }
0x4a: {  	_ =	shalt  }
0x4b: {  	_ =	shalt  }
0x4c: {  	_ =	shalt  }
0x4d: {  	_ =	shalt  }
0x4e: {  	_ =	shalt  }
0x4f: {  	_ =	shalt  }
0x50: {  	_ =	shalt  }
0x51: {  	_ =	shalt  }
0x52: {  	_ =	shalt  }
0x53: {  	_ =	shalt  }
0x54: {  	_ =	shalt  }
0x55: {  	_ =	shalt  }
0x56: {  	_ =	shalt  }
0x57: {  	_ =	shalt  }
0x58: {  	_ =	shalt  }
0x59: {  	_ =	shalt  }
0x5a: {  	_ =	shalt  }
0x5b: {  	_ =	shalt  }
0x5c: {  	_ =	shalt  }
0x5d: {  	_ =	shalt  }
0x5e: {  	_ =	shalt  }
0x5f: {  	_ =	shalt  }
0x60: {  	_ =	shalt  }
0x61: {  	_ =	shalt  }
0x62: {  	_ =	shalt  }
0x63: {  	_ =	shalt  }
0x64: {  	_ =	shalt  }
0x65: {  	_ =	shalt  }
0x66: {  	_ =	shalt  }
0x67: {  	_ =	shalt  }
0x68: {  	_ =	shalt  }
0x69: {  	_ =	shalt  }
0x6a: {  	_ =	shalt  }
0x6b: {  	_ =	shalt  }
0x6c: {  	_ =	shalt  }
0x6d: {  	_ =	shalt  }
0x6e: {  	_ =	shalt  }
0x6f: {  	_ =	shalt  }
0x70: {  	_ =	shalt  }
0x71: {  	_ =	shalt  }
0x72: {  	_ =	shalt  }
0x73: {  	_ =	shalt  }
0x74: {  	_ =	shalt  }
0x75: {  	_ =	shalt  }
0x76: {  	_ =	shalt  }
0x77: {  	_ =	shalt  }
0x78: {  	_ =	shalt  }
0x79: {  	_ =	shalt  }
0x7a: {  	_ =	shalt  }
0x7b: {  	_ =	shalt  }
0x7c: {  	_ =	shalt  }
0x7d: {  	_ =	shalt  }
0x7e: {  	_ =	shalt  }
0x7f: {  	_ =	shalt  }
0x80: {  	_ =	shalt  }
0x81: {  	_ =	shalt  }
0x82: {  	_ =	shalt  }
0x83: {  	_ =	shalt  }
0x84: {  	_ =	shalt  }
0x85: {  	_ =	shalt  }
0x86: {  	_ =	shalt  }
0x87: {  	_ =	shalt  }
.Lfunc_end0:
.L_simem_size_0:
called_computation_lowered:
.L_overlay_start_0:
0x88: {  	s2 =	sld [smem:$0x3FD9]  }
0x89: {  	s3 =	sld [smem:$0x3FFE];
	_ =	sdelay $0x1  }
0x8a: {  	s1 =	srdreg.scid  }
0x8b: {  	s0 =	sand.u32 $0x1, s1  }
0x8c: {  	s17 =	sshll.u32 s0, $0xA;
	s2 =	sadd.s32 s3, s2  }
0x8d: {  	s2 =	sadd.s32 s2, s17  }
0x8e: {  	[smem:$0x3FC5] =	sst s2  }
0x8f: {  	_ = 	snop  }
0x90: {  	s2 =	sld [smem:$0x3FC8]  }
0x91: {  	s18 =	sld [smem:$0x3FC7]  }
0x92: {  	s4 =	sld [smem:$0x3FD0];
	(tm) =	ssettm $0x1  }
0x93: {  	s5 =	sld [smem:$0x3FFB];
	_ =	sdelay $0x3  }
0x94: {  	_ =	strace s5  }
0x95: {  	s5 =	sld [smem:$0x3FFC];
	_ =	sdelay $0x3  }
0x96: {  	_ =	strace s5  }
0x97: {  	s5 =	sld [smem:$0x3FFD];
	_ =	sdelay $0x3  }
0x98: {  	_ =	strace s5  }
0x99: {  	_ =	strace $0x8FFFFFFF  }
0x9a: {  	s19 =	sld [smem:$0x3FDB];
	_ =	sdelay $0x1  }
0x9b: {  	s6 =	simm.s32 $_scs_section_size  }
0x9c: {  	s7 =	simm.s32 $_size__tile_overlayer_lowered;
	s8 =	simm.s32 $_tile_overlayer_lowered  }
0x9d: {  	s22 =	simm.s32 $0x1BFF;
	s21 =	sshll.u32 s8, $0x1;
	s5 =	sadd.s32 s6, s19  }
0x9e: {  	s9 =	simm.s32 $0x0;
	s20 =	sshll.u32 s7, $0x1;
	s7 =	sadd.s32 s21, s5  }
0x9f: {  	[timem:s9], [sflag:s22] =	dma.local [hbm:s7], s20  }
0xa0: {  	_ =	swait.ge [sflag:s22], s20  }
0xa1: {  	s6 =	ssub.s32 $0x0, s20;
	[sflag:s22] =	ssyncset.done $0x0  }
0xa2: {  	[sflag:s22] =	ssyncadd.s32 s6;
	_ =	sdelay $0x1  }
0xa3: {  	s23 =	simm.s32 $0x1B8B  }
0xa4: {  	_ =	swait.ge [sflag:s23], $0x1  }
0xa5: {  	[sflag:s23] =	ssyncset.done $0x0  }
0xa6: {  	s25 =	simm.s32 $0x1B8E;
	s24 =	sld [smem:$0x3FFE];
	[sflag:s23] =	ssyncadd.s32 $0xFFFFFFFF  }
0xa7: {  	s26 =	simm.s32 $execute0_lowered;
	[smem:$0x3FD2] =	sst s25  }
0xa8: {  	s7 =	sshll.u32 s26, $0x1;
	_ =	strace $0x80000046;
	[dreg:$0x1] =	wrdreg $0xFFFFFFFF  }
0xa9: {  	s28 =	simm.s32 $_size_execute0_lowered;
	s5 =	sadd.s32 s5, s7;
	[dreg:$0x0] =	wrdreg $0x0  }
0xaa: {  	s7 =	sshll.u32 s28, $0x1;
	[dreg:$0x2] =	wrdreg s5  }
0xab: {  	[dreg:$0x3] =	wrdreg s7  }
0xac: {  	[dreg:$0x4] =	wrdreg $0xC0  }
0xad: {  	_ =	task [dreg:s9], $0x5FFFF  }
0xae: {  	[dreg:$0x1] =	wrdreg $0xFFFFFFFF  }
0xaf: {  	[dreg:$0x0] =	wrdreg $0x60  }
0xb0: {  	[dreg:$0x2] =	wrdreg s24  }
0xb1: {  	[dreg:$0x3] =	wrdreg s2  }
0xb2: {  	[dreg:$0x4] =	wrdreg s18  }
0xb3: {  	[dreg:$0x5] =	wrdreg s4  }
0xb4: {  	[dreg:$0x6] =	wrdreg $0x9  }
0xb5: {  	_ =	task.clear_ibuf [dreg:s9], $0x7FFFF;
	_ =	strace $0x90000046  }
0xb6: {  	s29 =	simm.s32 $0x9;
	_ =	strace $0x80000048  }
0xb7: {  	_ =	swait.ge [sflag:s29], $0x1  }
0xb8: {  	[sflag:s29] =	ssyncadd.s32 $0xFFFFFFFF  }
0xb9: {  	_ =	strace $0x90000048  }
0xba: {  	_ =	sfence  }
0xbb: {  	s30 =	sld [smem:$0x0];
	_ =	sdelay $0x2  }
0xbc: {  	s31 =	sshll.u32 s1, $0xD;
	s1 =	sshrl.u32 s1, $0x2  }
0xbd: {  	s3 =	sand.u32 $0x4000, s31;
	s1 =	sadd.s32 s1, s30  }
0xbe: {  	s0 =	sor.u32 s3, s0;
	s1 =	sshll.u32 s1, $0x11  }
0xbf: {  	s0 =	sor.u32 s1, s0  }
0xc0: {  	s0 =	sadd.s32 $0x8F2B, s0  }
0xc1: {  	[sflag:s0] =	ssyncadd.remote.s32 $0x1  }
0xc2: {  	_ =	sfence.sel $0xFFFF  }
0xc3: {  	[dreg:$0x0] =	wrdreg $0xFFFFFFFF;
	(pc) =	sbr.abs _section_cstart, $3  }
0xc4: {  	[dreg:$0x1] =	wrdreg $0xFFFFFFFF  }
0xc5: {  	_ =	task.clear_ibuf [dreg:s9], $0x2FFFF;
	_ =	strace $0x9FFFFFFF  }
0xc6: {  	(tm) =	ssettm $0x7FFFFFFF  }
0xc7: {  	_ =	shalt  }
tec
execute0_lowered:
.L_overlay_start_1:
0x0: {  	(tag) =	ssettag $0x1  }
0x1: {  	s0 =	rddreg [dreg:$0x0]  }
0x2: {  	s1 =	rddreg [dreg:$0x1]  }
0x3: {  	s3 =	rddreg [dreg:$0x2]  }
0x4: {  	s2 =	rddreg [dreg:$0x3]  }
0x5: {  	s4 =	simm.s32 $0x0;
	s5 =	srdreg.scid;
	s6 =	stileid.u32  }
0x6: {  	s30 =	simm.s32 $0x1;
	s31 =	simm.s32 $0x2;
	s29 =	simm.s32 $0x8C00  }
0x7: {  	[smem:$0x7FF] =	sst s4;
	s5 =	sand.u32 $0x1, s5;
	s6 =	sshll.u32 s6, $0x9  }
0x8: {  	s0 =	sadd.s32 $0x400, s0;
	s14 =	sadd.s32 $0x100, s1;
	s15 =	sadd.s32 $0x200, s1  }
0x9: {  	s16 =	sadd.s32 $0x300, s1;
	s7 =	sshll.u32 s5, $0x8;
	s8 =	ssub.s32 $0x2, s5  }
0xa: {  	_ =	strace $0x80000047;
	s5 =	sor.u32 s7, s6;
	s21 =	sshrl.u32 s8, $0x1  }
0xb: {  	s9 =	sshrl.u32 s5, $0x3;
	s6 =	sor.u32 $0x2000, s5;
	s7 =	ssub.s32 s8, s21  }
0xc: {  	s10 =	sor.u32 $0x6000, s5;
	s12 =	sshll.u32 s5, $0x7;
	s24 =	smax.u32 s7, $0x1  }
0xd: {  	s21 =	simm.s32 $0xC400;
	s17 =	sadd.s32 s0, s9;
	[dreg:$0x9] =	wrdreg s24  }
0xe: {  	s22 =	sshrl.u32 s6, $0x3;
	[dreg:$0x5] =	wrdreg s17;
	s25 =	sadd.s32 $0x10, s17  }
0xf: {  	s9 =	sor.u32 $0x4000, s5;
	s18 =	sadd.s32 s0, s22;
	[dreg:$0xa] =	wrdreg s25  }
0x10: {  	s23 =	sshrl.u32 s9, $0x3;
	[dreg:$0x6] =	wrdreg s18;
	s26 =	sadd.s32 $0x10, s18  }
0x11: {  	s11 =	sshrl.u32 s10, $0x3;
	s8 =	sadd.s32 s0, s23;
	[dreg:$0xb] =	wrdreg s26  }
0x12: {  	s13 =	sadd.s32 s3, s12;
	s0 =	sadd.s32 s0, s11;
	[dreg:$0x7] =	wrdreg s8  }
0x13: {  	v2 =	vlaneseq.u32;
	s3 =	simm.s32 $0x4;
	s28 =	sadd.s32 $0x10, s8;
	[dreg:$0x8] =	wrdreg s0  }
0x14: {  	vm0 =	vmmov $0xffff;
	v1 =	vshrl.u32 v2, $0x3;
	s24 =	simm.s32 $0x8400;
	s0 =	sadd.s32 $0x10, s0;
	[dreg:$0xc] =	wrdreg s28  }
0x15: {  	v0 =	vand.u32 $0x7, v2;
	v2 =	vor.u32 $0x8, v2;
	v1 =	vmul.u32 $0x8, v1;
	s11 =	simm.s32 $0x0;
	[dreg:$0xd] =	wrdreg s0;
	s0 =	simm.s32 $0x3  }
.LBB2_1:
0x16: {  	[dreg:$0xe] =	wrdreg s11  }
0x17: {  	s7 =	rddreg [dreg:$0x5]  }
0x18: {  	[tilespmem:s4], [sflag:$0x1] =	stream.linear.gather [hbm4b:s7+s4], $0x80, $0x38;
	[tilespmem:$0x18400] =	vst v63  }
0x19: {  	s19 =	rddreg [dreg:$0xa];
	s8 =	simm.s32 $0x200  }
0x1a: {  	[tilespmem:s8], [sflag:$0x1] =	stream.linear.gather [hbm4b:s19+s4], $0x80, $0x38;
	[tilespmem:$0x18400] =	vst v63  }
0x1b: {  	s20 =	rddreg [dreg:$0x6];
	s22 =	simm.s32 $0x80  }
0x1c: {  	[tilespmem:s22], [sflag:$0x2] =	stream.linear.gather [hbm4b:s20+s4], $0x80, $0x38;
	[tilespmem:$0x18400] =	vst v63  }
0x1d: {  	s23 =	rddreg [dreg:$0xb];
	s25 =	simm.s32 $0x280  }
0x1e: {  	[tilespmem:s25], [sflag:$0x2] =	stream.linear.gather [hbm4b:s23+s4], $0x80, $0x38;
	[tilespmem:$0x18400] =	vst v63  }
0x1f: {  	s26 =	rddreg [dreg:$0x7];
	s28 =	simm.s32 $0x100  }
0x20: {  	[tilespmem:s28], [sflag:$0x3] =	stream.linear.gather [hbm4b:s26+s4], $0x80, $0x38;
	[tilespmem:$0x18400] =	vst v63  }
0x21: {  	s11 =	rddreg [dreg:$0xc];
	s12 =	simm.s32 $0x300  }
0x22: {  	[tilespmem:s12], [sflag:$0x3] =	stream.linear.gather [hbm4b:s11+s4], $0x80, $0x38;
	[tilespmem:$0x18400] =	vst v63  }
0x23: {  	s17 =	rddreg [dreg:$0x8];
	s18 =	simm.s32 $0x180  }
0x24: {  	[tilespmem:s18], [sflag:$0x4] =	stream.linear.gather [hbm4b:s17+s4], $0x80, $0x38;
	[tilespmem:$0x18400] =	vst v63  }
0x25: {  	s19 =	rddreg [dreg:$0xd];
	s20 =	simm.s32 $0x380  }
0x26: {  	[tilespmem:s20], [sflag:$0x4] =	stream.linear.gather [hbm4b:s19+s4], $0x80, $0x38;
	[tilespmem:$0x18400] =	vst v63  }
0x27: {  	_ =	swait.ge [sflag:s30], $0x100  }
0x28: {  	[sflag:s30] =	ssyncset.done $0x0  }
0x29: {  	[sflag:s30] =	ssyncadd.s32 $0xFFFFFF00  }
0x2a: {  	_ =	swait.ge [sflag:s31], $0x100  }
0x2b: {  	[sflag:s31] =	ssyncset.done $0x0  }
0x2c: {  	[sflag:s31] =	ssyncadd.s32 $0xFFFFFF00  }
0x2d: {  	_ =	swait.ge [sflag:s0], $0x100  }
0x2e: {  	[sflag:s0] =	ssyncset.done $0x0  }
0x2f: {  	[sflag:s0] =	ssyncadd.s32 $0xFFFFFF00  }
0x30: {  	_ =	swait.ge [sflag:s3], $0x100  }
0x31: {  	[sflag:s3] =	ssyncset.done $0x0  }
0x32: {  	s22 =	simm.s32 $0x10400;
	[sflag:s3] =	ssyncadd.s32 $0xFFFFFF00  }
0x33: {  	[tilespmem:s22], [sflag:$0x9] =	stream.linear.gather [hbm4b:s13+s4], $0x4000, $0x38;
	[tilespmem:$0x18400] =	vst v63  }
0x34: {  	v3 =	vld [tilespmem:$0x0];
	_ =	sdelay $0x4  }
0x35: {  	v4 =	vshll.u32 v3, $0x3  }
0x36: {  	v3 =	vand.u32 $0x7, v3;
	v4 =	vand.u32 $0xFFFFFFC0, v4  }
0x37: {  	v3 =	vor.u32 v3, v4  }
0x38: {  	v4 =	vperm.xlane v3, v0;
	_ =	sdelay $0x1  }
0x39: {  	v4 =	vadd.s32 v1, v4;
	_ =	sdelay $0x3  }
0x3a: {  	s23 =	simm.s32 $0x400  }
0x3b: {  	[tilespmem:s23], [sflag:$0x1] =	stream.indirect_vreg.gather [hbm4b:s1+s4], $0x80, v4, vm0, $0xb8;
	[tilespmem:$0x18400] =	vst v63  }
0x3c: {  	s25 =	simm.s32 $0xC00;
	v3 =	vperm.xlane v3, v2  }
0x3d: {  	[tilespmem:s25], [sflag:$0x1] =	stream.indirect_vreg.gather [hbm4b:s14+s4], $0x80, v4, vm0, $0xb8;
	[tilespmem:$0x18400] =	vst v63  }
0x3e: {  	s26 =	simm.s32 $0x1400;
	v3 =	vadd.s32 v1, v3  }
0x3f: {  	[tilespmem:s26], [sflag:$0x1] =	stream.indirect_vreg.gather [hbm4b:s15+s4], $0x80, v4, vm0, $0xb8;
	[tilespmem:$0x18400] =	vst v63  }
0x40: {  	s28 =	simm.s32 $0x1C00  }
0x41: {  	[tilespmem:s28], [sflag:$0x1] =	stream.indirect_vreg.gather [hbm4b:s16+s4], $0x80, v4, vm0, $0xb8;
	[tilespmem:$0x18400] =	vst v63  }
0x42: {  	s8 =	simm.s32 $0x2400  }
0x43: {  	[tilespmem:s8], [sflag:$0x1] =	stream.indirect_vreg.gather [hbm4b:s1+s4], $0x80, v3, vm0, $0xb8;
	[tilespmem:$0x18400] =	vst v63  }
0x44: {  	s11 =	simm.s32 $0x2C00  }
0x45: {  	[tilespmem:s11], [sflag:$0x1] =	stream.indirect_vreg.gather [hbm4b:s14+s4], $0x80, v3, vm0, $0xb8;
	[tilespmem:$0x18400] =	vst v63  }
0x46: {  	s12 =	simm.s32 $0x3400  }
0x47: {  	[tilespmem:s12], [sflag:$0x1] =	stream.indirect_vreg.gather [hbm4b:s15+s4], $0x80, v3, vm0, $0xb8;
	[tilespmem:$0x18400] =	vst v63  }
0x48: {  	s17 =	simm.s32 $0x3C00  }
0x49: {  	[tilespmem:s17], [sflag:$0x1] =	stream.indirect_vreg.gather [hbm4b:s16+s4], $0x80, v3, vm0, $0xb8;
	[tilespmem:$0x18400] =	vst v63  }
0x4a: {  	v3 =	vld [tilespmem:$0x80];
	_ =	sdelay $0x4  }
0x4b: {  	v63 =	vshll.u32 v3, $0x3  }
0x4c: {  	v3 =	vand.u32 $0x7, v3;
	v4 =	vand.u32 $0xFFFFFFC0, v63  }
0x4d: {  	v3 =	vor.u32 v3, v4  }
0x4e: {  	v4 =	vperm.xlane v3, v0;
	_ =	sdelay $0x1  }
0x4f: {  	v4 =	vadd.s32 v1, v4;
	_ =	sdelay $0x3  }
0x50: {  	s18 =	simm.s32 $0x4400  }
0x51: {  	[tilespmem:s18], [sflag:$0x2] =	stream.indirect_vreg.gather [hbm4b:s1+s4], $0x80, v4, vm0, $0xb8;
	[tilespmem:$0x18400] =	vst v63  }
0x52: {  	s19 =	simm.s32 $0x4C00;
	v3 =	vperm.xlane v3, v2  }
0x53: {  	[tilespmem:s19], [sflag:$0x2] =	stream.indirect_vreg.gather [hbm4b:s14+s4], $0x80, v4, vm0, $0xb8;
	[tilespmem:$0x18400] =	vst v63  }
0x54: {  	s20 =	simm.s32 $0x5400;
	v3 =	vadd.s32 v1, v3  }
0x55: {  	[tilespmem:s20], [sflag:$0x2] =	stream.indirect_vreg.gather [hbm4b:s15+s4], $0x80, v4, vm0, $0xb8;
	[tilespmem:$0x18400] =	vst v63  }
0x56: {  	s22 =	simm.s32 $0x5C00  }
0x57: {  	[tilespmem:s22], [sflag:$0x2] =	stream.indirect_vreg.gather [hbm4b:s16+s4], $0x80, v4, vm0, $0xb8;
	[tilespmem:$0x18400] =	vst v63  }
0x58: {  	s23 =	simm.s32 $0x6400  }
0x59: {  	[tilespmem:s23], [sflag:$0x2] =	stream.indirect_vreg.gather [hbm4b:s1+s4], $0x80, v3, vm0, $0xb8;
	[tilespmem:$0x18400] =	vst v63  }
0x5a: {  	s25 =	simm.s32 $0x6C00  }
0x5b: {  	[tilespmem:s25], [sflag:$0x2] =	stream.indirect_vreg.gather [hbm4b:s14+s4], $0x80, v3, vm0, $0xb8;
	[tilespmem:$0x18400] =	vst v63  }
0x5c: {  	s26 =	simm.s32 $0x7400  }
0x5d: {  	[tilespmem:s26], [sflag:$0x2] =	stream.indirect_vreg.gather [hbm4b:s15+s4], $0x80, v3, vm0, $0xb8;
	[tilespmem:$0x18400] =	vst v63  }
0x5e: {  	s28 =	simm.s32 $0x7C00;
	s8 =	simm.s32 $0x0  }
0x5f: {  	[tilespmem:s28], [sflag:$0x2] =	stream.indirect_vreg.gather [hbm4b:s16+s4], $0x80, v3, vm0, $0xb8;
	[tilespmem:$0x18400] =	vst v63  }
.LBB2_2:
0x60: {  	p0 =	seq.s32 s8, $0x0  }
0x61: {  	s11 =	simm.s32 @!p0 $0x7  }
0x62: {  	s26 =	sshll.u32 s8, $0x5;
	s12 =	sshll.u32 s8, $0x7;
	_ =	swait.ge @!p0 [sflag:s11], $0x4000  }
0x63: {  	s18 =	sand.u32 $0x60, s26;
	s23 =	sand.u32 $0x200, s12;
	[sflag:s11] =	ssyncset.done @!p0 $0x0  }
0x64: {  	s18 =	sor.u32 s18, s23;
	[sflag:s11] =	ssyncadd.s32 @!p0 $0xFFFFC000  }
0x65: {  	v3 =	vld [tilespmem:s18+$0x100];
	_ =	sdelay $0x4  }
0x66: {  	v4 =	vshll.u32 v3, $0x3  }
0x67: {  	v3 =	vand.u32 $0x7, v3;
	v4 =	vand.u32 $0xFFFFFFC0, v4  }
0x68: {  	v3 =	vor.u32 v3, v4  }
0x69: {  	v4 =	vperm.xlane v3, v0;
	_ =	sdelay $0x1  }
0x6a: {  	v4 =	vadd.s32 v1, v4;
	_ =	sdelay $0x3  }
0x6b: {  	s18 =	simm.s32 $0x0  }
0x6c: {  	[tilespmem:s24], [sflag:$0x3] =	stream.indirect_vreg.gather [hbm4b:s1+s18], $0x80, v4, vm0, $0xb8;
	[tilespmem:$0x18400] =	vst v63  }
0x6d: {  	v3 =	vperm.xlane v3, v2  }
0x6e: {  	[tilespmem:s29], [sflag:$0x3] =	stream.indirect_vreg.gather [hbm4b:s14+s18], $0x80, v4, vm0, $0xb8;
	[tilespmem:$0x18400] =	vst v63  }
0x6f: {  	s7 =	simm.s32 $0x9400;
	v3 =	vadd.s32 v1, v3  }
0x70: {  	[tilespmem:s7], [sflag:$0x3] =	stream.indirect_vreg.gather [hbm4b:s15+s18], $0x80, v4, vm0, $0xb8;
	[tilespmem:$0x18400] =	vst v63  }
0x71: {  	s19 =	simm.s32 $0x9C00  }
0x72: {  	[tilespmem:s19], [sflag:$0x3] =	stream.indirect_vreg.gather [hbm4b:s16+s18], $0x80, v4, vm0, $0xb8;
	[tilespmem:$0x18400] =	vst v63  }
0x73: {  	s20 =	simm.s32 $0xA400  }
0x74: {  	[tilespmem:s20], [sflag:$0x3] =	stream.indirect_vreg.gather [hbm4b:s1+s18], $0x80, v3, vm0, $0xb8;
	[tilespmem:$0x18400] =	vst v63  }
0x75: {  	s22 =	simm.s32 $0xAC00  }
0x76: {  	[tilespmem:s22], [sflag:$0x3] =	stream.indirect_vreg.gather [hbm4b:s14+s18], $0x80, v3, vm0, $0xb8;
	[tilespmem:$0x18400] =	vst v63  }
0x77: {  	s25 =	simm.s32 $0xB400  }
0x78: {  	[tilespmem:s25], [sflag:$0x3] =	stream.indirect_vreg.gather [hbm4b:s15+s18], $0x80, v3, vm0, $0xb8;
	[tilespmem:$0x18400] =	vst v63  }
0x79: {  	s11 =	simm.s32 $0xBC00;
	s25 =	sshll.u32 s8, $0x1  }
0x7a: {  	[tilespmem:s11], [sflag:$0x3] =	stream.indirect_vreg.gather [hbm4b:s16+s18], $0x80, v3, vm0, $0xb8;
	[tilespmem:$0x18400] =	vst v63  }
0x7b: {  	s11 =	sor.u32 $0x1, s25  }
0x7c: {  	s19 =	sshll.u32 s11, $0xB  }
0x7d: {  	s17 =	simm.s32 $0x14400;
	s20 =	simm.s32 $0x9;
	s19 =	sadd.s32 s19, s13  }
0x7e: {  	[tilespmem:s17], [sflag:$0xA] =	stream.linear.gather [hbm4b:s19+s18], $0x4000, $0x38;
	[tilespmem:$0x18400] =	vst v63  }
0x7f: {  	_ =	swait.ge [sflag:s20], $0x4000  }
0x80: {  	[sflag:s20] =	ssyncset.done $0x0  }
0x81: {  	[sflag:s20] =	ssyncadd.s32 $0xFFFFC000  }
0x82: {  	s22 =	sand.u32 $0x2000, s18;
	s20 =	sand.u32 $0x1C00, s18;
	_ =	swait.ge [sflag:s30], $0x4000  }
0x83: {  	s18 =	sand.u32 $0x380, s18;
	s19 =	sor.u32 s20, s22;
	[sflag:s30] =	ssyncset.done $0x0  }
0x84: {  	s28 =	sor.u32 s18, s19;
	[sflag:s30] =	ssyncadd.s32 $0xFFFFC000  }
0x85: {  	v3 =	vld [tilespmem:s28+$0x10470]  }
0x86: {  	v6 =	vld [tilespmem:s28+$0x10400]  }
0x87: {  	v7 =	vld [tilespmem:s28+$0x10410]  }
0x88: {  	v8 =	vld [tilespmem:s28+$0x10420]  }
0x89: {  	v9 =	vld [tilespmem:s28+$0x10430]  }
0x8a: {  	v5 =	vld [tilespmem:s28+$0x10440]  }
0x8b: {  	v4 =	vld [tilespmem:s28+$0x10450]  }
0x8c: {  	[tilespmem:s28+$0x470] =	vst.add.f32.msk $0xffff, v3  }
0x8d: {  	v3 =	vld [tilespmem:s28+$0x10460]  }
0x8e: {  	[tilespmem:s28+$0x400] =	vst.add.f32.msk $0xffff, v6  }
0x8f: {  	[tilespmem:s28+$0x410] =	vst.add.f32.msk $0xffff, v7  }
0x90: {  	s29 =	simm.s32 $0x400;
	[tilespmem:s28+$0x420] =	vst.add.f32.msk $0xffff, v8  }
0x91: {  	s20 =	simm.s32 $0x10;
	s18 =	simm.s32 $0x0;
	s19 =	simm.s32 $0x80;
	[tilespmem:s28+$0x430] =	vst.add.f32.msk $0xffff, v9  }
.LBB2_3:
0x92: {  	s22 =	sand.u32 $0x2000, s19;
	s17 =	sand.u32 $0x1C00, s29;
	s18 =	sadd.s32 $0x8, s18;
	[tilespmem:s28+$0x440] =	vst.add.f32.msk $0xffff, v5  }
0x93: {  	s17 =	sor.u32 s17, s22;
	s22 =	sand.u32 $0x380, s20;
	p1 =	slt.u32 s18, $0x3F8;
	[tilespmem:s28+$0x450] =	vst.add.f32.msk $0xffff, v4  }
0x94: {  	[tilespmem:s28+$0x460] =	vst.add.f32.msk $0xffff, v3;
	s28 =	sor.u32 s22, s17  }
0x95: {  	v3 =	vld [tilespmem:s28+$0x10470]  }
0x96: {  	v6 =	vld [tilespmem:s28+$0x10400]  }
0x97: {  	v7 =	vld [tilespmem:s28+$0x10410]  }
0x98: {  	v8 =	vld [tilespmem:s28+$0x10420]  }
0x99: {  	v9 =	vld [tilespmem:s28+$0x10430]  }
0x9a: {  	[tilespmem:s28+$0x470] =	vst.add.f32.msk $0xffff, v3  }
0x9b: {  	v5 =	vld [tilespmem:s28+$0x10440]  }
0x9c: {  	v4 =	vld [tilespmem:s28+$0x10450]  }
.Ltmp0:
0x9d: {  	v3 =	vld [tilespmem:s28+$0x10460];
	(pc) =	sbr.rel @p1 .LBB2_3-.Ltmp0, $4  }
0x9e: {  	[tilespmem:s28+$0x400] =	vst.add.f32.msk $0xffff, v6  }
0x9f: {  	[tilespmem:s28+$0x410] =	vst.add.f32.msk $0xffff, v7  }
0xa0: {  	[tilespmem:s28+$0x420] =	vst.add.f32.msk $0xffff, v8  }
0xa1: {  	s19 =	sadd.s32 $0x80, s19;
	s29 =	sadd.s32 $0x400, s29;
	s20 =	sadd.s32 $0x10, s20;
	[tilespmem:s28+$0x430] =	vst.add.f32.msk $0xffff, v9  }
0xa2: {  	[tilespmem:s28+$0x440] =	vst.add.f32.msk $0xffff, v5;
	s17 =	sadd.s32 s5, s26  }
0xa3: {  	[tilespmem:s28+$0x450] =	vst.add.f32.msk $0xffff, v4;
	s17 =	sshll.u32 s17, $0x7  }
0xa4: {  	[tilespmem:s28+$0x460] =	vst.add.f32.msk $0xffff, v3;
	s7 =	simm.s32 $0x400;
	s17 =	sadd.s32 s2, s17  }
0xa5: {  	[hbm4b:s17+s4] =	stream.linear.scatter [tilespmem:s7], [sflag:$0x5], $0x4000, $0x38;
	[tilespmem:$0x18400] =	vst v63  }
0xa6: {  	s17 =	simm.s32 @!p0 $0x8  }
0xa7: {  	_ =	swait.ge @!p0 [sflag:s17], $0x4000  }
0xa8: {  	s18 =	sor.u32 s26, s12;
	[sflag:s17] =	ssyncset.done @!p0 $0x0  }
0xa9: {  	s7 =	sor.u32 $0x180, s18;
	[sflag:s17] =	ssyncadd.s32 @!p0 $0xFFFFC000  }
0xaa: {  	v3 =	vld [tilespmem:s7+$0x0];
	_ =	sdelay $0x4  }
0xab: {  	v4 =	vshll.u32 v3, $0x3  }
0xac: {  	v3 =	vand.u32 $0x7, v3;
	v4 =	vand.u32 $0xFFFFFFC0, v4  }
0xad: {  	v3 =	vor.u32 v3, v4  }
0xae: {  	v4 =	vperm.xlane v3, v0;
	_ =	sdelay $0x1  }
0xaf: {  	v4 =	vadd.s32 v1, v4;
	_ =	sdelay $0x3  }
0xb0: {  	s17 =	simm.s32 $0x0  }
0xb1: {  	[tilespmem:s21], [sflag:$0x4] =	stream.indirect_vreg.gather [hbm4b:s1+s17], $0x80, v4, vm0, $0xb8;
	[tilespmem:$0x18400] =	vst v63  }
0xb2: {  	s18 =	simm.s32 $0xCC00;
	v3 =	vperm.xlane v3, v2  }
0xb3: {  	[tilespmem:s18], [sflag:$0x4] =	stream.indirect_vreg.gather [hbm4b:s14+s17], $0x80, v4, vm0, $0xb8;
	[tilespmem:$0x18400] =	vst v63  }
0xb4: {  	s19 =	simm.s32 $0xD400;
	v3 =	vadd.s32 v1, v3  }
0xb5: {  	[tilespmem:s19], [sflag:$0x4] =	stream.indirect_vreg.gather [hbm4b:s15+s17], $0x80, v4, vm0, $0xb8;
	[tilespmem:$0x18400] =	vst v63  }
0xb6: {  	s20 =	simm.s32 $0xDC00  }
0xb7: {  	[tilespmem:s20], [sflag:$0x4] =	stream.indirect_vreg.gather [hbm4b:s16+s17], $0x80, v4, vm0, $0xb8;
	[tilespmem:$0x18400] =	vst v63  }
0xb8: {  	s22 =	simm.s32 $0xE400  }
0xb9: {  	[tilespmem:s22], [sflag:$0x4] =	stream.indirect_vreg.gather [hbm4b:s1+s17], $0x80, v3, vm0, $0xb8;
	[tilespmem:$0x18400] =	vst v63  }
0xba: {  	s18 =	simm.s32 $0xEC00  }
0xbb: {  	[tilespmem:s18], [sflag:$0x4] =	stream.indirect_vreg.gather [hbm4b:s14+s17], $0x80, v3, vm0, $0xb8;
	[tilespmem:$0x18400] =	vst v63  }
0xbc: {  	s19 =	simm.s32 $0xF400  }
0xbd: {  	[tilespmem:s19], [sflag:$0x4] =	stream.indirect_vreg.gather [hbm4b:s15+s17], $0x80, v3, vm0, $0xb8;
	[tilespmem:$0x18400] =	vst v63  }
0xbe: {  	s20 =	simm.s32 $0xFC00  }
0xbf: {  	[tilespmem:s20], [sflag:$0x4] =	stream.indirect_vreg.gather [hbm4b:s16+s17], $0x80, v3, vm0, $0xb8;
	[tilespmem:$0x18400] =	vst v63  }
0xc0: {  	s22 =	sand.u32 $0x2000, s17;
	s19 =	sand.u32 $0x1C00, s17;
	_ =	swait.ge [sflag:s31], $0x4000  }
0xc1: {  	s18 =	sor.u32 s19, s22;
	s17 =	sand.u32 $0x380, s17;
	[sflag:s31] =	ssyncset.done $0x0  }
0xc2: {  	s28 =	sor.u32 s17, s18;
	[sflag:s31] =	ssyncadd.s32 $0xFFFFC000  }
0xc3: {  	v3 =	vld [tilespmem:s28+$0x10470]  }
0xc4: {  	v6 =	vld [tilespmem:s28+$0x10400]  }
0xc5: {  	v7 =	vld [tilespmem:s28+$0x10410]  }
0xc6: {  	v8 =	vld [tilespmem:s28+$0x10420]  }
0xc7: {  	v9 =	vld [tilespmem:s28+$0x10430]  }
0xc8: {  	v5 =	vld [tilespmem:s28+$0x10440]  }
0xc9: {  	v4 =	vld [tilespmem:s28+$0x10450]  }
0xca: {  	[tilespmem:s28+$0x4470] =	vst.add.f32.msk $0xffff, v3  }
0xcb: {  	v3 =	vld [tilespmem:s28+$0x10460]  }
0xcc: {  	[tilespmem:s28+$0x4400] =	vst.add.f32.msk $0xffff, v6  }
0xcd: {  	[tilespmem:s28+$0x4410] =	vst.add.f32.msk $0xffff, v7  }
0xce: {  	s29 =	simm.s32 $0x400;
	[tilespmem:s28+$0x4420] =	vst.add.f32.msk $0xffff, v8  }
0xcf: {  	s19 =	simm.s32 $0x80;
	s20 =	simm.s32 $0x10;
	s18 =	simm.s32 $0x0;
	[tilespmem:s28+$0x4430] =	vst.add.f32.msk $0xffff, v9  }
.LBB2_5:
0xd0: {  	s17 =	sand.u32 $0x2000, s19;
	s22 =	sand.u32 $0x1C00, s29;
	s18 =	sadd.s32 $0x8, s18;
	[tilespmem:s28+$0x4440] =	vst.add.f32.msk $0xffff, v5  }
0xd1: {  	s17 =	sor.u32 s22, s17;
	s22 =	sand.u32 $0x380, s20;
	p0 =	slt.u32 s18, $0x3F8;
	[tilespmem:s28+$0x4450] =	vst.add.f32.msk $0xffff, v4  }
0xd2: {  	[tilespmem:s28+$0x4460] =	vst.add.f32.msk $0xffff, v3;
	s28 =	sor.u32 s22, s17  }
0xd3: {  	v3 =	vld [tilespmem:s28+$0x10470]  }
0xd4: {  	v6 =	vld [tilespmem:s28+$0x10400]  }
0xd5: {  	v7 =	vld [tilespmem:s28+$0x10410]  }
0xd6: {  	v8 =	vld [tilespmem:s28+$0x10420]  }
0xd7: {  	v9 =	vld [tilespmem:s28+$0x10430]  }
0xd8: {  	[tilespmem:s28+$0x4470] =	vst.add.f32.msk $0xffff, v3  }
0xd9: {  	v5 =	vld [tilespmem:s28+$0x10440]  }
0xda: {  	v4 =	vld [tilespmem:s28+$0x10450]  }
.Ltmp1:
0xdb: {  	v3 =	vld [tilespmem:s28+$0x10460];
	(pc) =	sbr.rel @p0 .LBB2_5-.Ltmp1, $4  }
0xdc: {  	[tilespmem:s28+$0x4400] =	vst.add.f32.msk $0xffff, v6  }
0xdd: {  	[tilespmem:s28+$0x4410] =	vst.add.f32.msk $0xffff, v7  }
0xde: {  	[tilespmem:s28+$0x4420] =	vst.add.f32.msk $0xffff, v8  }
0xdf: {  	s19 =	sadd.s32 $0x80, s19;
	s29 =	sadd.s32 $0x400, s29;
	s20 =	sadd.s32 $0x10, s20;
	[tilespmem:s28+$0x4430] =	vst.add.f32.msk $0xffff, v9  }
0xe0: {  	[tilespmem:s28+$0x4440] =	vst.add.f32.msk $0xffff, v5;
	s17 =	sadd.s32 s6, s26  }
0xe1: {  	[tilespmem:s28+$0x4450] =	vst.add.f32.msk $0xffff, v4;
	s18 =	simm.s32 $0x0;
	s17 =	sshll.u32 s17, $0x7  }
0xe2: {  	[tilespmem:s28+$0x4460] =	vst.add.f32.msk $0xffff, v3;
	s7 =	simm.s32 $0x4400;
	s20 =	simm.s32 $0x5;
	s17 =	sadd.s32 s2, s17  }
0xe3: {  	[hbm4b:s17+s18] =	stream.linear.scatter [tilespmem:s7], [sflag:$0x6], $0x4000, $0x38;
	[tilespmem:$0x18400] =	vst v63  }
0xe4: {  	s11 =	sshll.u32 s11, $0x4;
	_ =	swait.ge [sflag:s20], $0x4000  }
0xe5: {  	s28 =	sand.u32 $0x70, s11;
	[sflag:s20] =	ssyncset.done $0x0  }
0xe6: {  	s23 =	sadd.s32 s28, s23;
	[sflag:s20] =	ssyncadd.s32 $0xFFFFC000  }
0xe7: {  	v3 =	vld [tilespmem:s23+$0x0];
	_ =	sdelay $0x4  }
0xe8: {  	v4 =	vshll.u32 v3, $0x3  }
0xe9: {  	v3 =	vand.u32 $0x7, v3;
	v4 =	vand.u32 $0xFFFFFFC0, v4  }
0xea: {  	v3 =	vor.u32 v3, v4  }
0xeb: {  	v4 =	vperm.xlane v3, v0;
	_ =	sdelay $0x1  }
0xec: {  	v4 =	vadd.s32 v1, v4;
	_ =	sdelay $0x3  }
0xed: {  	s22 =	simm.s32 $0x400  }
0xee: {  	[tilespmem:s22], [sflag:$0x1] =	stream.indirect_vreg.gather [hbm4b:s1+s18], $0x80, v4, vm0, $0xb8;
	[tilespmem:$0x18400] =	vst v63  }
0xef: {  	s17 =	simm.s32 $0xC00;
	v3 =	vperm.xlane v3, v2  }
0xf0: {  	[tilespmem:s17], [sflag:$0x1] =	stream.indirect_vreg.gather [hbm4b:s14+s18], $0x80, v4, vm0, $0xb8;
	[tilespmem:$0x18400] =	vst v63  }
0xf1: {  	s19 =	simm.s32 $0x1400;
	v3 =	vadd.s32 v1, v3  }
0xf2: {  	[tilespmem:s19], [sflag:$0x1] =	stream.indirect_vreg.gather [hbm4b:s15+s18], $0x80, v4, vm0, $0xb8;
	[tilespmem:$0x18400] =	vst v63  }
0xf3: {  	s20 =	simm.s32 $0x1C00  }
0xf4: {  	[tilespmem:s20], [sflag:$0x1] =	stream.indirect_vreg.gather [hbm4b:s16+s18], $0x80, v4, vm0, $0xb8;
	[tilespmem:$0x18400] =	vst v63  }
0xf5: {  	s22 =	simm.s32 $0x2400  }
0xf6: {  	[tilespmem:s22], [sflag:$0x1] =	stream.indirect_vreg.gather [hbm4b:s1+s18], $0x80, v3, vm0, $0xb8;
	[tilespmem:$0x18400] =	vst v63  }
0xf7: {  	s17 =	simm.s32 $0x2C00  }
0xf8: {  	[tilespmem:s17], [sflag:$0x1] =	stream.indirect_vreg.gather [hbm4b:s14+s18], $0x80, v3, vm0, $0xb8;
	[tilespmem:$0x18400] =	vst v63  }
0xf9: {  	s19 =	simm.s32 $0x3400  }
0xfa: {  	[tilespmem:s19], [sflag:$0x1] =	stream.indirect_vreg.gather [hbm4b:s15+s18], $0x80, v3, vm0, $0xb8;
	[tilespmem:$0x18400] =	vst v63  }
0xfb: {  	s20 =	simm.s32 $0x3C00  }
0xfc: {  	[tilespmem:s20], [sflag:$0x1] =	stream.indirect_vreg.gather [hbm4b:s16+s18], $0x80, v3, vm0, $0xb8;
	[tilespmem:$0x18400] =	vst v63  }
0xfd: {  	s22 =	sand.u32 $0x2000, s18;
	s19 =	sand.u32 $0x1C00, s18;
	_ =	swait.ge [sflag:s0], $0x4000  }
0xfe: {  	s17 =	sor.u32 s19, s22;
	s18 =	sand.u32 $0x380, s18;
	[sflag:s0] =	ssyncset.done $0x0  }
0xff: {  	s18 =	sor.u32 s18, s17;
	[sflag:s0] =	ssyncadd.s32 $0xFFFFC000  }
0x100: {  	v3 =	vld [tilespmem:s18+$0x10470]  }
0x101: {  	v6 =	vld [tilespmem:s18+$0x10400]  }
0x102: {  	v7 =	vld [tilespmem:s18+$0x10410]  }
0x103: {  	v8 =	vld [tilespmem:s18+$0x10420]  }
0x104: {  	v9 =	vld [tilespmem:s18+$0x10430]  }
0x105: {  	v5 =	vld [tilespmem:s18+$0x10440]  }
0x106: {  	v4 =	vld [tilespmem:s18+$0x10450]  }
0x107: {  	[tilespmem:s18+$0x8470] =	vst.add.f32.msk $0xffff, v3  }
0x108: {  	v3 =	vld [tilespmem:s18+$0x10460]  }
0x109: {  	[tilespmem:s18+$0x8400] =	vst.add.f32.msk $0xffff, v6  }
0x10a: {  	[tilespmem:s18+$0x8410] =	vst.add.f32.msk $0xffff, v7  }
0x10b: {  	s29 =	simm.s32 $0x80;
	[tilespmem:s18+$0x8420] =	vst.add.f32.msk $0xffff, v8  }
0x10c: {  	s19 =	simm.s32 $0x10;
	s22 =	simm.s32 $0x400;
	s20 =	simm.s32 $0x0;
	[tilespmem:s18+$0x8430] =	vst.add.f32.msk $0xffff, v9  }
.LBB2_7:
0x10d: {  	s17 =	sand.u32 $0x2000, s29;
	s7 =	sand.u32 $0x1C00, s22;
	s20 =	sadd.s32 $0x8, s20;
	[tilespmem:s18+$0x8440] =	vst.add.f32.msk $0xffff, v5  }
0x10e: {  	s7 =	sor.u32 s7, s17;
	s17 =	sand.u32 $0x380, s19;
	p0 =	slt.u32 s20, $0x3F8;
	[tilespmem:s18+$0x8450] =	vst.add.f32.msk $0xffff, v4  }
0x10f: {  	[tilespmem:s18+$0x8460] =	vst.add.f32.msk $0xffff, v3;
	s18 =	sor.u32 s17, s7  }
0x110: {  	v3 =	vld [tilespmem:s18+$0x10470]  }
0x111: {  	v6 =	vld [tilespmem:s18+$0x10400]  }
0x112: {  	v7 =	vld [tilespmem:s18+$0x10410]  }
0x113: {  	v8 =	vld [tilespmem:s18+$0x10420]  }
0x114: {  	v9 =	vld [tilespmem:s18+$0x10430]  }
0x115: {  	[tilespmem:s18+$0x8470] =	vst.add.f32.msk $0xffff, v3  }
0x116: {  	v5 =	vld [tilespmem:s18+$0x10440]  }
0x117: {  	v4 =	vld [tilespmem:s18+$0x10450]  }
.Ltmp2:
0x118: {  	v3 =	vld [tilespmem:s18+$0x10460];
	(pc) =	sbr.rel @p0 .LBB2_7-.Ltmp2, $4  }
0x119: {  	[tilespmem:s18+$0x8400] =	vst.add.f32.msk $0xffff, v6  }
0x11a: {  	[tilespmem:s18+$0x8410] =	vst.add.f32.msk $0xffff, v7  }
0x11b: {  	[tilespmem:s18+$0x8420] =	vst.add.f32.msk $0xffff, v8  }
0x11c: {  	s29 =	sadd.s32 $0x80, s29;
	s22 =	sadd.s32 $0x400, s22;
	s19 =	sadd.s32 $0x10, s19;
	[tilespmem:s18+$0x8430] =	vst.add.f32.msk $0xffff, v9  }
0x11d: {  	[tilespmem:s18+$0x8440] =	vst.add.f32.msk $0xffff, v5;
	s7 =	sadd.s32 s9, s26  }
0x11e: {  	[tilespmem:s18+$0x8450] =	vst.add.f32.msk $0xffff, v4;
	s7 =	sshll.u32 s7, $0x7  }
0x11f: {  	[tilespmem:s18+$0x8460] =	vst.add.f32.msk $0xffff, v3;
	s17 =	simm.s32 $0x0;
	s19 =	simm.s32 $0x6;
	s7 =	sadd.s32 s2, s7  }
0x120: {  	[hbm4b:s7+s17] =	stream.linear.scatter [tilespmem:s24], [sflag:$0x7], $0x4000, $0x38;
	[tilespmem:$0x18400] =	vst v63  }
0x121: {  	_ =	swait.ge [sflag:s19], $0x4000  }
0x122: {  	[sflag:s19] =	ssyncset.done $0x0  }
0x123: {  	[sflag:s19] =	ssyncadd.s32 $0xFFFFC000  }
0x124: {  	v3 =	vld [tilespmem:s23+$0x80];
	_ =	sdelay $0x4  }
0x125: {  	v4 =	vshll.u32 v3, $0x3  }
0x126: {  	v3 =	vand.u32 $0x7, v3;
	v4 =	vand.u32 $0xFFFFFFC0, v4  }
0x127: {  	v3 =	vor.u32 v3, v4  }
0x128: {  	v4 =	vperm.xlane v3, v0;
	_ =	sdelay $0x1  }
0x129: {  	v4 =	vadd.s32 v1, v4;
	_ =	sdelay $0x3  }
0x12a: {  	s20 =	simm.s32 $0x4400  }
0x12b: {  	[tilespmem:s20], [sflag:$0x2] =	stream.indirect_vreg.gather [hbm4b:s1+s17], $0x80, v4, vm0, $0xb8;
	[tilespmem:$0x18400] =	vst v63  }
0x12c: {  	s22 =	simm.s32 $0x4C00;
	v3 =	vperm.xlane v3, v2  }
0x12d: {  	[tilespmem:s22], [sflag:$0x2] =	stream.indirect_vreg.gather [hbm4b:s14+s17], $0x80, v4, vm0, $0xb8;
	[tilespmem:$0x18400] =	vst v63  }
0x12e: {  	s18 =	simm.s32 $0x5400;
	v3 =	vadd.s32 v1, v3  }
0x12f: {  	[tilespmem:s18], [sflag:$0x2] =	stream.indirect_vreg.gather [hbm4b:s15+s17], $0x80, v4, vm0, $0xb8;
	[tilespmem:$0x18400] =	vst v63  }
0x130: {  	s19 =	simm.s32 $0x5C00  }
0x131: {  	[tilespmem:s19], [sflag:$0x2] =	stream.indirect_vreg.gather [hbm4b:s16+s17], $0x80, v4, vm0, $0xb8;
	[tilespmem:$0x18400] =	vst v63  }
0x132: {  	s20 =	simm.s32 $0x6400  }
0x133: {  	[tilespmem:s20], [sflag:$0x2] =	stream.indirect_vreg.gather [hbm4b:s1+s17], $0x80, v3, vm0, $0xb8;
	[tilespmem:$0x18400] =	vst v63  }
0x134: {  	s22 =	simm.s32 $0x6C00  }
0x135: {  	[tilespmem:s22], [sflag:$0x2] =	stream.indirect_vreg.gather [hbm4b:s14+s17], $0x80, v3, vm0, $0xb8;
	[tilespmem:$0x18400] =	vst v63  }
0x136: {  	s18 =	simm.s32 $0x7400  }
0x137: {  	[tilespmem:s18], [sflag:$0x2] =	stream.indirect_vreg.gather [hbm4b:s15+s17], $0x80, v3, vm0, $0xb8;
	[tilespmem:$0x18400] =	vst v63  }
0x138: {  	s19 =	simm.s32 $0x7C00  }
0x139: {  	[tilespmem:s19], [sflag:$0x2] =	stream.indirect_vreg.gather [hbm4b:s16+s17], $0x80, v3, vm0, $0xb8;
	[tilespmem:$0x18400] =	vst v63  }
0x13a: {  	s20 =	sand.u32 $0x2000, s17;
	s22 =	sand.u32 $0x1C00, s17;
	_ =	swait.ge [sflag:s3], $0x4000  }
0x13b: {  	s7 =	sor.u32 s22, s20;
	s17 =	sand.u32 $0x380, s17;
	[sflag:s3] =	ssyncset.done $0x0  }
0x13c: {  	s18 =	sor.u32 s17, s7;
	[sflag:s3] =	ssyncadd.s32 $0xFFFFC000  }
0x13d: {  	v3 =	vld [tilespmem:s18+$0x10470]  }
0x13e: {  	v6 =	vld [tilespmem:s18+$0x10400]  }
0x13f: {  	v7 =	vld [tilespmem:s18+$0x10410]  }
0x140: {  	v8 =	vld [tilespmem:s18+$0x10420]  }
0x141: {  	v9 =	vld [tilespmem:s18+$0x10430]  }
0x142: {  	v5 =	vld [tilespmem:s18+$0x10440]  }
0x143: {  	v4 =	vld [tilespmem:s18+$0x10450]  }
0x144: {  	[tilespmem:s18+$0xC470] =	vst.add.f32.msk $0xffff, v3  }
0x145: {  	v3 =	vld [tilespmem:s18+$0x10460]  }
0x146: {  	[tilespmem:s18+$0xC400] =	vst.add.f32.msk $0xffff, v6  }
0x147: {  	[tilespmem:s18+$0xC410] =	vst.add.f32.msk $0xffff, v7  }
0x148: {  	s29 =	simm.s32 $0x80;
	[tilespmem:s18+$0xC420] =	vst.add.f32.msk $0xffff, v8  }
0x149: {  	s20 =	simm.s32 $0x0;
	s22 =	simm.s32 $0x400;
	s19 =	simm.s32 $0x10;
	[tilespmem:s18+$0xC430] =	vst.add.f32.msk $0xffff, v9  }
.LBB2_9:
0x14a: {  	s7 =	sand.u32 $0x2000, s29;
	s17 =	sand.u32 $0x1C00, s22;
	s20 =	sadd.s32 $0x8, s20;
	[tilespmem:s18+$0xC440] =	vst.add.f32.msk $0xffff, v5  }
0x14b: {  	s7 =	sor.u32 s17, s7;
	s17 =	sand.u32 $0x380, s19;
	p0 =	slt.u32 s20, $0x3F8;
	[tilespmem:s18+$0xC450] =	vst.add.f32.msk $0xffff, v4  }
0x14c: {  	[tilespmem:s18+$0xC460] =	vst.add.f32.msk $0xffff, v3;
	s18 =	sor.u32 s17, s7  }
0x14d: {  	v3 =	vld [tilespmem:s18+$0x10470]  }
0x14e: {  	v6 =	vld [tilespmem:s18+$0x10400]  }
0x14f: {  	v7 =	vld [tilespmem:s18+$0x10410]  }
0x150: {  	v8 =	vld [tilespmem:s18+$0x10420]  }
0x151: {  	v9 =	vld [tilespmem:s18+$0x10430]  }
0x152: {  	[tilespmem:s18+$0xC470] =	vst.add.f32.msk $0xffff, v3  }
0x153: {  	v5 =	vld [tilespmem:s18+$0x10440]  }
0x154: {  	v4 =	vld [tilespmem:s18+$0x10450]  }
.Ltmp3:
0x155: {  	v3 =	vld [tilespmem:s18+$0x10460];
	(pc) =	sbr.rel @p0 .LBB2_9-.Ltmp3, $4  }
0x156: {  	[tilespmem:s18+$0xC400] =	vst.add.f32.msk $0xffff, v6  }
0x157: {  	[tilespmem:s18+$0xC410] =	vst.add.f32.msk $0xffff, v7  }
0x158: {  	[tilespmem:s18+$0xC420] =	vst.add.f32.msk $0xffff, v8  }
0x159: {  	s29 =	sadd.s32 $0x80, s29;
	s22 =	sadd.s32 $0x400, s22;
	s19 =	sadd.s32 $0x10, s19;
	[tilespmem:s18+$0xC430] =	vst.add.f32.msk $0xffff, v9  }
0x15a: {  	[tilespmem:s18+$0xC440] =	vst.add.f32.msk $0xffff, v5;
	s7 =	sadd.s32 s10, s26  }
0x15b: {  	[tilespmem:s18+$0xC450] =	vst.add.f32.msk $0xffff, v4;
	s7 =	sshll.u32 s7, $0x7  }
0x15c: {  	[tilespmem:s18+$0xC460] =	vst.add.f32.msk $0xffff, v3;
	s20 =	simm.s32 $0x7;
	s7 =	sadd.s32 s2, s7  }
0x15d: {  	[hbm4b:s7+s4] =	stream.linear.scatter [tilespmem:s21], [sflag:$0x8], $0x4000, $0x38;
	[tilespmem:$0x18400] =	vst v63  }
0x15e: {  	_ =	swait.ge [sflag:s20], $0x4000  }
0x15f: {  	[sflag:s20] =	ssyncset.done $0x0  }
0x160: {  	[sflag:s20] =	ssyncadd.s32 $0xFFFFC000  }
0x161: {  	v3 =	vld [tilespmem:s23+$0x100];
	_ =	sdelay $0x4  }
0x162: {  	v4 =	vshll.u32 v3, $0x3  }
0x163: {  	v3 =	vand.u32 $0x7, v3;
	v4 =	vand.u32 $0xFFFFFFC0, v4  }
0x164: {  	v3 =	vor.u32 v3, v4  }
0x165: {  	v4 =	vperm.xlane v3, v0;
	_ =	sdelay $0x1  }
0x166: {  	v4 =	vadd.s32 v1, v4;
	_ =	sdelay $0x4  }
0x167: {  	[tilespmem:s24], [sflag:$0x3] =	stream.indirect_vreg.gather [hbm4b:s1+s4], $0x80, v4, vm0, $0xb8;
	[tilespmem:$0x18400] =	vst v63  }
0x168: {  	s29 =	simm.s32 $0x8C00;
	v3 =	vperm.xlane v3, v2  }
0x169: {  	[tilespmem:s29], [sflag:$0x3] =	stream.indirect_vreg.gather [hbm4b:s14+s4], $0x80, v4, vm0, $0xb8;
	[tilespmem:$0x18400] =	vst v63  }
0x16a: {  	s22 =	simm.s32 $0x9400;
	v3 =	vadd.s32 v1, v3  }
0x16b: {  	[tilespmem:s22], [sflag:$0x3] =	stream.indirect_vreg.gather [hbm4b:s15+s4], $0x80, v4, vm0, $0xb8;
	[tilespmem:$0x18400] =	vst v63  }
0x16c: {  	s23 =	simm.s32 $0x9C00  }
0x16d: {  	[tilespmem:s23], [sflag:$0x3] =	stream.indirect_vreg.gather [hbm4b:s16+s4], $0x80, v4, vm0, $0xb8;
	[tilespmem:$0x18400] =	vst v63  }
0x16e: {  	s26 =	simm.s32 $0xA400  }
0x16f: {  	[tilespmem:s26], [sflag:$0x3] =	stream.indirect_vreg.gather [hbm4b:s1+s4], $0x80, v3, vm0, $0xb8;
	[tilespmem:$0x18400] =	vst v63  }
0x170: {  	s17 =	simm.s32 $0xAC00  }
0x171: {  	[tilespmem:s17], [sflag:$0x3] =	stream.indirect_vreg.gather [hbm4b:s14+s4], $0x80, v3, vm0, $0xb8;
	[tilespmem:$0x18400] =	vst v63  }
0x172: {  	s18 =	simm.s32 $0xB400;
	p0 =	seq.s32 s8, $0x7;
	s23 =	sadd.s32 $0x2, s25  }
0x173: {  	[tilespmem:s18], [sflag:$0x3] =	stream.indirect_vreg.gather [hbm4b:s15+s4], $0x80, v3, vm0, $0xb8;
	[tilespmem:$0x18400] =	vst v63  }
0x174: {  	s19 =	simm.s32 $0xBC00;
	s20 =	simm.s32 $0xA;
	s7 =	sshll.u32 @!p0 s23, $0xB  }
0x175: {  	[tilespmem:s19], [sflag:$0x3] =	stream.indirect_vreg.gather [hbm4b:s16+s4], $0x80, v3, vm0, $0xb8;
	[tilespmem:$0x18400] =	vst v63  }
0x176: {  	s7 =	sadd.s32 @!p0 s7, s13;
	s17 =	simm.s32 @!p0 $0x0;
	s18 =	simm.s32 @!p0 $0x10400  }
0x177: {  	[tilespmem:s18], [sflag:$0x9] =	stream.linear.gather @!p0 [hbm4b:s7+s17], $0x4000, $0x38;
	[tilespmem:$0x18400] =	vst v63  }
0x178: {  	_ =	swait.ge [sflag:s20], $0x4000  }
0x179: {  	[sflag:s20] =	ssyncset.done $0x0  }
0x17a: {  	s22 =	simm.s32 $0x0;
	[sflag:s20] =	ssyncadd.s32 $0xFFFFC000  }
0x17b: {  	s25 =	sand.u32 $0x2000, s22;
	s26 =	sand.u32 $0x1C00, s22;
	_ =	swait.ge [sflag:s30], $0x4000  }
0x17c: {  	s17 =	sor.u32 s26, s25;
	s7 =	sand.u32 $0x380, s22;
	[sflag:s30] =	ssyncset.done $0x0  }
0x17d: {  	s18 =	sor.u32 s7, s17;
	[sflag:s30] =	ssyncadd.s32 $0xFFFFC000  }
0x17e: {  	v3 =	vld [tilespmem:s18+$0x14470]  }
0x17f: {  	v6 =	vld [tilespmem:s18+$0x14400]  }
0x180: {  	v7 =	vld [tilespmem:s18+$0x14410]  }
0x181: {  	v8 =	vld [tilespmem:s18+$0x14420]  }
0x182: {  	v9 =	vld [tilespmem:s18+$0x14430]  }
0x183: {  	v5 =	vld [tilespmem:s18+$0x14440]  }
0x184: {  	v4 =	vld [tilespmem:s18+$0x14450]  }
0x185: {  	[tilespmem:s18+$0x470] =	vst.add.f32.msk $0xffff, v3  }
0x186: {  	v3 =	vld [tilespmem:s18+$0x14460]  }
0x187: {  	[tilespmem:s18+$0x400] =	vst.add.f32.msk $0xffff, v6  }
0x188: {  	[tilespmem:s18+$0x410] =	vst.add.f32.msk $0xffff, v7  }
0x189: {  	s19 =	simm.s32 $0x10;
	[tilespmem:s18+$0x420] =	vst.add.f32.msk $0xffff, v8  }
0x18a: {  	s25 =	simm.s32 $0x80;
	s22 =	simm.s32 $0x400;
	s20 =	simm.s32 $0x0;
	[tilespmem:s18+$0x430] =	vst.add.f32.msk $0xffff, v9  }
.LBB2_11:
0x18b: {  	s7 =	sand.u32 $0x2000, s25;
	s17 =	sand.u32 $0x1C00, s22;
	s20 =	sadd.s32 $0x8, s20;
	[tilespmem:s18+$0x440] =	vst.add.f32.msk $0xffff, v5  }
0x18c: {  	s7 =	sor.u32 s17, s7;
	s17 =	sand.u32 $0x380, s19;
	p1 =	slt.u32 s20, $0x3F8;
	[tilespmem:s18+$0x450] =	vst.add.f32.msk $0xffff, v4  }
0x18d: {  	[tilespmem:s18+$0x460] =	vst.add.f32.msk $0xffff, v3;
	s18 =	sor.u32 s17, s7  }
0x18e: {  	v3 =	vld [tilespmem:s18+$0x14470]  }
0x18f: {  	v6 =	vld [tilespmem:s18+$0x14400]  }
0x190: {  	v7 =	vld [tilespmem:s18+$0x14410]  }
0x191: {  	v8 =	vld [tilespmem:s18+$0x14420]  }
0x192: {  	v9 =	vld [tilespmem:s18+$0x14430]  }
0x193: {  	[tilespmem:s18+$0x470] =	vst.add.f32.msk $0xffff, v3  }
0x194: {  	v5 =	vld [tilespmem:s18+$0x14440]  }
0x195: {  	v4 =	vld [tilespmem:s18+$0x14450]  }
.Ltmp4:
0x196: {  	v3 =	vld [tilespmem:s18+$0x14460];
	(pc) =	sbr.rel @p1 .LBB2_11-.Ltmp4, $4  }
0x197: {  	[tilespmem:s18+$0x400] =	vst.add.f32.msk $0xffff, v6  }
0x198: {  	[tilespmem:s18+$0x410] =	vst.add.f32.msk $0xffff, v7  }
0x199: {  	[tilespmem:s18+$0x420] =	vst.add.f32.msk $0xffff, v8  }
0x19a: {  	s25 =	sadd.s32 $0x80, s25;
	s22 =	sadd.s32 $0x400, s22;
	s19 =	sadd.s32 $0x10, s19;
	[tilespmem:s18+$0x430] =	vst.add.f32.msk $0xffff, v9  }
0x19b: {  	[tilespmem:s18+$0x440] =	vst.add.f32.msk $0xffff, v5;
	s7 =	sadd.s32 s5, s11  }
0x19c: {  	[tilespmem:s18+$0x450] =	vst.add.f32.msk $0xffff, v4;
	s17 =	simm.s32 $0x0;
	s7 =	sshll.u32 s7, $0x7  }
0x19d: {  	[tilespmem:s18+$0x460] =	vst.add.f32.msk $0xffff, v3;
	s20 =	simm.s32 $0x400;
	s22 =	simm.s32 $0x8;
	s7 =	sadd.s32 s2, s7  }
0x19e: {  	[hbm4b:s7+s17] =	stream.linear.scatter [tilespmem:s20], [sflag:$0x5], $0x4000, $0x38;
	[tilespmem:$0x18400] =	vst v63  }
0x19f: {  	_ =	swait.ge [sflag:s22], $0x4000  }
0x1a0: {  	s25 =	sor.u32 s28, s12;
	[sflag:s22] =	ssyncset.done $0x0  }
0x1a1: {  	s7 =	sor.u32 $0x180, s25;
	[sflag:s22] =	ssyncadd.s32 $0xFFFFC000  }
0x1a2: {  	v3 =	vld [tilespmem:s7+$0x0];
	_ =	sdelay $0x4  }
0x1a3: {  	v4 =	vshll.u32 v3, $0x3  }
0x1a4: {  	v3 =	vand.u32 $0x7, v3;
	v4 =	vand.u32 $0xFFFFFFC0, v4  }
0x1a5: {  	v3 =	vor.u32 v3, v4  }
0x1a6: {  	v4 =	vperm.xlane v3, v0;
	_ =	sdelay $0x1  }
0x1a7: {  	v4 =	vadd.s32 v1, v4;
	_ =	sdelay $0x4  }
0x1a8: {  	[tilespmem:s21], [sflag:$0x4] =	stream.indirect_vreg.gather [hbm4b:s1+s17], $0x80, v4, vm0, $0xb8;
	[tilespmem:$0x18400] =	vst v63  }
0x1a9: {  	s26 =	simm.s32 $0xCC00;
	v3 =	vperm.xlane v3, v2  }
0x1aa: {  	[tilespmem:s26], [sflag:$0x4] =	stream.indirect_vreg.gather [hbm4b:s14+s17], $0x80, v4, vm0, $0xb8;
	[tilespmem:$0x18400] =	vst v63  }
0x1ab: {  	s28 =	simm.s32 $0xD400;
	v3 =	vadd.s32 v1, v3  }
0x1ac: {  	[tilespmem:s28], [sflag:$0x4] =	stream.indirect_vreg.gather [hbm4b:s15+s17], $0x80, v4, vm0, $0xb8;
	[tilespmem:$0x18400] =	vst v63  }
0x1ad: {  	s12 =	simm.s32 $0xDC00  }
0x1ae: {  	[tilespmem:s12], [sflag:$0x4] =	stream.indirect_vreg.gather [hbm4b:s16+s17], $0x80, v4, vm0, $0xb8;
	[tilespmem:$0x18400] =	vst v63  }
0x1af: {  	s18 =	simm.s32 $0xE400  }
0x1b0: {  	[tilespmem:s18], [sflag:$0x4] =	stream.indirect_vreg.gather [hbm4b:s1+s17], $0x80, v3, vm0, $0xb8;
	[tilespmem:$0x18400] =	vst v63  }
0x1b1: {  	s19 =	simm.s32 $0xEC00  }
0x1b2: {  	[tilespmem:s19], [sflag:$0x4] =	stream.indirect_vreg.gather [hbm4b:s14+s17], $0x80, v3, vm0, $0xb8;
	[tilespmem:$0x18400] =	vst v63  }
0x1b3: {  	s20 =	simm.s32 $0xF400  }
0x1b4: {  	[tilespmem:s20], [sflag:$0x4] =	stream.indirect_vreg.gather [hbm4b:s15+s17], $0x80, v3, vm0, $0xb8;
	[tilespmem:$0x18400] =	vst v63  }
0x1b5: {  	s22 =	simm.s32 $0xFC00  }
0x1b6: {  	[tilespmem:s22], [sflag:$0x4] =	stream.indirect_vreg.gather [hbm4b:s16+s17], $0x80, v3, vm0, $0xb8;
	[tilespmem:$0x18400] =	vst v63  }
0x1b7: {  	s25 =	sand.u32 $0x2000, s17;
	s26 =	sand.u32 $0x1C00, s17;
	_ =	swait.ge [sflag:s31], $0x4000  }
0x1b8: {  	s7 =	sor.u32 s26, s25;
	s28 =	sand.u32 $0x380, s17;
	[sflag:s31] =	ssyncset.done $0x0  }
0x1b9: {  	s12 =	sor.u32 s28, s7;
	[sflag:s31] =	ssyncadd.s32 $0xFFFFC000  }
0x1ba: {  	v3 =	vld [tilespmem:s12+$0x14470]  }
0x1bb: {  	v6 =	vld [tilespmem:s12+$0x14400]  }
0x1bc: {  	v7 =	vld [tilespmem:s12+$0x14410]  }
0x1bd: {  	v8 =	vld [tilespmem:s12+$0x14420]  }
0x1be: {  	v9 =	vld [tilespmem:s12+$0x14430]  }
0x1bf: {  	v5 =	vld [tilespmem:s12+$0x14440]  }
0x1c0: {  	v4 =	vld [tilespmem:s12+$0x14450]  }
0x1c1: {  	[tilespmem:s12+$0x4470] =	vst.add.f32.msk $0xffff, v3  }
0x1c2: {  	v3 =	vld [tilespmem:s12+$0x14460]  }
0x1c3: {  	[tilespmem:s12+$0x4400] =	vst.add.f32.msk $0xffff, v6  }
0x1c4: {  	[tilespmem:s12+$0x4410] =	vst.add.f32.msk $0xffff, v7  }
0x1c5: {  	s18 =	simm.s32 $0x0;
	[tilespmem:s12+$0x4420] =	vst.add.f32.msk $0xffff, v8  }
0x1c6: {  	s19 =	simm.s32 $0x10;
	s20 =	simm.s32 $0x80;
	s22 =	simm.s32 $0x400;
	[tilespmem:s12+$0x4430] =	vst.add.f32.msk $0xffff, v9  }
.LBB2_13:
0x1c7: {  	s7 =	sand.u32 $0x2000, s20;
	s17 =	sand.u32 $0x1C00, s22;
	s18 =	sadd.s32 $0x8, s18;
	[tilespmem:s12+$0x4440] =	vst.add.f32.msk $0xffff, v5  }
0x1c8: {  	s7 =	sor.u32 s17, s7;
	s17 =	sand.u32 $0x380, s19;
	p1 =	slt.u32 s18, $0x3F8;
	[tilespmem:s12+$0x4450] =	vst.add.f32.msk $0xffff, v4  }
0x1c9: {  	[tilespmem:s12+$0x4460] =	vst.add.f32.msk $0xffff, v3;
	s12 =	sor.u32 s17, s7  }
0x1ca: {  	v3 =	vld [tilespmem:s12+$0x14470]  }
0x1cb: {  	v6 =	vld [tilespmem:s12+$0x14400]  }
0x1cc: {  	v7 =	vld [tilespmem:s12+$0x14410]  }
0x1cd: {  	v8 =	vld [tilespmem:s12+$0x14420]  }
0x1ce: {  	v9 =	vld [tilespmem:s12+$0x14430]  }
0x1cf: {  	[tilespmem:s12+$0x4470] =	vst.add.f32.msk $0xffff, v3  }
0x1d0: {  	v5 =	vld [tilespmem:s12+$0x14440]  }
0x1d1: {  	v4 =	vld [tilespmem:s12+$0x14450]  }
.Ltmp5:
0x1d2: {  	v3 =	vld [tilespmem:s12+$0x14460];
	(pc) =	sbr.rel @p1 .LBB2_13-.Ltmp5, $4  }
0x1d3: {  	[tilespmem:s12+$0x4400] =	vst.add.f32.msk $0xffff, v6  }
0x1d4: {  	[tilespmem:s12+$0x4410] =	vst.add.f32.msk $0xffff, v7  }
0x1d5: {  	[tilespmem:s12+$0x4420] =	vst.add.f32.msk $0xffff, v8  }
0x1d6: {  	s20 =	sadd.s32 $0x80, s20;
	s22 =	sadd.s32 $0x400, s22;
	s19 =	sadd.s32 $0x10, s19;
	[tilespmem:s12+$0x4430] =	vst.add.f32.msk $0xffff, v9  }
0x1d7: {  	[tilespmem:s12+$0x4440] =	vst.add.f32.msk $0xffff, v5;
	s7 =	sadd.s32 s6, s11  }
0x1d8: {  	[tilespmem:s12+$0x4450] =	vst.add.f32.msk $0xffff, v4;
	s7 =	sshll.u32 s7, $0x7  }
0x1d9: {  	[tilespmem:s12+$0x4460] =	vst.add.f32.msk $0xffff, v3;
	s25 =	simm.s32 $0x4400;
	s7 =	sadd.s32 s2, s7  }
0x1da: {  	[hbm4b:s7+s4] =	stream.linear.scatter [tilespmem:s25], [sflag:$0x6], $0x4000, $0x38;
	[tilespmem:$0x18400] =	vst v63  }
0x1db: {  	s7 =	simm.s32 @!p0 $0x5  }
0x1dc: {  	s12 =	sshll.u32 @!p0 s23, $0x4;
	s17 =	sshll.u32 @!p0 s23, $0x6;
	_ =	swait.ge @!p0 [sflag:s7], $0x4000  }
0x1dd: {  	s12 =	sand.u32 @!p0 $0x60, s12;
	s17 =	sand.u32 @!p0 $0x600, s17;
	[sflag:s7] =	ssyncset.done @!p0 $0x0  }
0x1de: {  	s12 =	sor.u32 @!p0 s12, s17;
	[sflag:s7] =	ssyncadd.s32 @!p0 $0xFFFFC000  }
0x1df: {  	v3 =	vld @!p0 [tilespmem:s12+$0x0];
	_ =	sdelay $0x4  }
0x1e0: {  	v4 =	vshll.u32 @!p0 v3, $0x3  }
0x1e1: {  	v5 =	vlaneseq.u32 @!p0;
	v3 =	vand.u32 @!p0 $0x7, v3;
	v4 =	vand.u32 @!p0 $0xFFFFFFC0, v4  }
0x1e2: {  	v6 =	vshrl.u32 @!p0 v5, $0x3;
	v3 =	vor.u32 @!p0 v3, v4;
	v4 =	vand.u32 @!p0 $0x7, v5  }
0x1e3: {  	v6 =	vmul.u32 @!p0 $0x8, v6;
	v4 =	vperm.xlane @!p0 v3, v4;
	_ =	sdelay $0x1  }
0x1e4: {  	v4 =	vadd.s32 @!p0 v6, v4;
	_ =	sdelay $0x3  }
0x1e5: {  	vm1 =	vmmov @!p0 $0xffff;
	s17 =	simm.s32 @!p0 $0x400;
	s7 =	simm.s32 @!p0 $0x0  }
0x1e6: {  	v5 =	vor.u32 @!p0 $0x8, v5;
	[tilespmem:s17], [sflag:$0x1] =	stream.indirect_vreg.gather @!p0 [hbm4b:s1+s7], $0x80, v4, vm1, $0xb8;
	[tilespmem:$0x18400] =	vst v63  }
0x1e7: {  	v3 =	vperm.xlane @!p0 v3, v5;
	s17 =	simm.s32 @!p0 $0xC00  }
0x1e8: {  	[tilespmem:s17], [sflag:$0x1] =	stream.indirect_vreg.gather @!p0 [hbm4b:s14+s7], $0x80, v4, vm1, $0xb8;
	[tilespmem:$0x18400] =	vst v63  }
0x1e9: {  	v3 =	vadd.s32 @!p0 v6, v3;
	s17 =	simm.s32 @!p0 $0x1400  }
0x1ea: {  	[tilespmem:s17], [sflag:$0x1] =	stream.indirect_vreg.gather @!p0 [hbm4b:s15+s7], $0x80, v4, vm1, $0xb8;
	[tilespmem:$0x18400] =	vst v63  }
0x1eb: {  	s17 =	simm.s32 @!p0 $0x1C00  }
0x1ec: {  	[tilespmem:s17], [sflag:$0x1] =	stream.indirect_vreg.gather @!p0 [hbm4b:s16+s7], $0x80, v4, vm1, $0xb8;
	[tilespmem:$0x18400] =	vst v63  }
0x1ed: {  	s17 =	simm.s32 @!p0 $0x2400  }
0x1ee: {  	[tilespmem:s17], [sflag:$0x1] =	stream.indirect_vreg.gather @!p0 [hbm4b:s1+s7], $0x80, v3, vm1, $0xb8;
	[tilespmem:$0x18400] =	vst v63  }
0x1ef: {  	s17 =	simm.s32 @!p0 $0x2C00  }
0x1f0: {  	[tilespmem:s17], [sflag:$0x1] =	stream.indirect_vreg.gather @!p0 [hbm4b:s14+s7], $0x80, v3, vm1, $0xb8;
	[tilespmem:$0x18400] =	vst v63  }
0x1f1: {  	s17 =	simm.s32 @!p0 $0x3400  }
0x1f2: {  	[tilespmem:s17], [sflag:$0x1] =	stream.indirect_vreg.gather @!p0 [hbm4b:s15+s7], $0x80, v3, vm1, $0xb8;
	[tilespmem:$0x18400] =	vst v63  }
0x1f3: {  	s26 =	simm.s32 $0x0;
	s17 =	simm.s32 @!p0 $0x3C00  }
0x1f4: {  	[tilespmem:s17], [sflag:$0x1] =	stream.indirect_vreg.gather @!p0 [hbm4b:s16+s7], $0x80, v3, vm1, $0xb8;
	[tilespmem:$0x18400] =	vst v63  }
0x1f5: {  	s28 =	sand.u32 $0x2000, s26;
	s18 =	sand.u32 $0x1C00, s26;
	_ =	swait.ge [sflag:s0], $0x4000  }
0x1f6: {  	s17 =	sor.u32 s18, s28;
	s7 =	sand.u32 $0x380, s26;
	[sflag:s0] =	ssyncset.done $0x0  }
0x1f7: {  	s18 =	sor.u32 s7, s17;
	[sflag:s0] =	ssyncadd.s32 $0xFFFFC000  }
0x1f8: {  	v3 =	vld [tilespmem:s18+$0x14470]  }
0x1f9: {  	v6 =	vld [tilespmem:s18+$0x14400]  }
0x1fa: {  	v7 =	vld [tilespmem:s18+$0x14410]  }
0x1fb: {  	v8 =	vld [tilespmem:s18+$0x14420]  }
0x1fc: {  	v9 =	vld [tilespmem:s18+$0x14430]  }
0x1fd: {  	v5 =	vld [tilespmem:s18+$0x14440]  }
0x1fe: {  	v4 =	vld [tilespmem:s18+$0x14450]  }
0x1ff: {  	[tilespmem:s18+$0x8470] =	vst.add.f32.msk $0xffff, v3  }
0x200: {  	v3 =	vld [tilespmem:s18+$0x14460]  }
0x201: {  	[tilespmem:s18+$0x8400] =	vst.add.f32.msk $0xffff, v6  }
0x202: {  	[tilespmem:s18+$0x8410] =	vst.add.f32.msk $0xffff, v7  }
0x203: {  	s20 =	simm.s32 $0x0;
	[tilespmem:s18+$0x8420] =	vst.add.f32.msk $0xffff, v8  }
0x204: {  	s19 =	simm.s32 $0x10;
	s23 =	simm.s32 $0x80;
	s22 =	simm.s32 $0x400;
	[tilespmem:s18+$0x8430] =	vst.add.f32.msk $0xffff, v9  }
.LBB2_15:
0x205: {  	s7 =	sand.u32 $0x2000, s23;
	s17 =	sand.u32 $0x1C00, s22;
	s20 =	sadd.s32 $0x8, s20;
	[tilespmem:s18+$0x8440] =	vst.add.f32.msk $0xffff, v5  }
0x206: {  	s7 =	sor.u32 s17, s7;
	s17 =	sand.u32 $0x380, s19;
	p1 =	slt.u32 s20, $0x3F8;
	[tilespmem:s18+$0x8450] =	vst.add.f32.msk $0xffff, v4  }
0x207: {  	[tilespmem:s18+$0x8460] =	vst.add.f32.msk $0xffff, v3;
	s18 =	sor.u32 s17, s7  }
0x208: {  	v3 =	vld [tilespmem:s18+$0x14470]  }
0x209: {  	v6 =	vld [tilespmem:s18+$0x14400]  }
0x20a: {  	v7 =	vld [tilespmem:s18+$0x14410]  }
0x20b: {  	v8 =	vld [tilespmem:s18+$0x14420]  }
0x20c: {  	v9 =	vld [tilespmem:s18+$0x14430]  }
0x20d: {  	[tilespmem:s18+$0x8470] =	vst.add.f32.msk $0xffff, v3  }
0x20e: {  	v5 =	vld [tilespmem:s18+$0x14440]  }
0x20f: {  	v4 =	vld [tilespmem:s18+$0x14450]  }
.Ltmp6:
0x210: {  	v3 =	vld [tilespmem:s18+$0x14460];
	(pc) =	sbr.rel @p1 .LBB2_15-.Ltmp6, $4  }
0x211: {  	[tilespmem:s18+$0x8400] =	vst.add.f32.msk $0xffff, v6  }
0x212: {  	[tilespmem:s18+$0x8410] =	vst.add.f32.msk $0xffff, v7  }
0x213: {  	[tilespmem:s18+$0x8420] =	vst.add.f32.msk $0xffff, v8  }
0x214: {  	s23 =	sadd.s32 $0x80, s23;
	s22 =	sadd.s32 $0x400, s22;
	s19 =	sadd.s32 $0x10, s19;
	[tilespmem:s18+$0x8430] =	vst.add.f32.msk $0xffff, v9  }
0x215: {  	[tilespmem:s18+$0x8440] =	vst.add.f32.msk $0xffff, v5;
	s7 =	sadd.s32 s9, s11  }
0x216: {  	[tilespmem:s18+$0x8450] =	vst.add.f32.msk $0xffff, v4;
	s7 =	sshll.u32 s7, $0x7  }
0x217: {  	[tilespmem:s18+$0x8460] =	vst.add.f32.msk $0xffff, v3;
	s7 =	sadd.s32 s2, s7  }
0x218: {  	[hbm4b:s7+s4] =	stream.linear.scatter [tilespmem:s24], [sflag:$0x7], $0x4000, $0x38;
	[tilespmem:$0x18400] =	vst v63  }
0x219: {  	s7 =	simm.s32 @!p0 $0x6  }
0x21a: {  	_ =	swait.ge @!p0 [sflag:s7], $0x4000  }
0x21b: {  	[sflag:s7] =	ssyncset.done @!p0 $0x0  }
0x21c: {  	[sflag:s7] =	ssyncadd.s32 @!p0 $0xFFFFC000  }
0x21d: {  	v3 =	vld @!p0 [tilespmem:s12+$0x80];
	_ =	sdelay $0x4  }
0x21e: {  	v4 =	vshll.u32 @!p0 v3, $0x3  }
0x21f: {  	v5 =	vlaneseq.u32 @!p0;
	v3 =	vand.u32 @!p0 $0x7, v3;
	v4 =	vand.u32 @!p0 $0xFFFFFFC0, v4  }
0x220: {  	v6 =	vshrl.u32 @!p0 v5, $0x3;
	v3 =	vor.u32 @!p0 v3, v4;
	v4 =	vand.u32 @!p0 $0x7, v5  }
0x221: {  	v6 =	vmul.u32 @!p0 $0x8, v6;
	v4 =	vperm.xlane @!p0 v3, v4;
	_ =	sdelay $0x1  }
0x222: {  	v4 =	vadd.s32 @!p0 v6, v4;
	_ =	sdelay $0x3  }
0x223: {  	s7 =	simm.s32 @!p0 $0x0;
	s12 =	simm.s32 @!p0 $0x4400  }
0x224: {  	v5 =	vor.u32 @!p0 $0x8, v5;
	[tilespmem:s12], [sflag:$0x2] =	stream.indirect_vreg.gather @!p0 [hbm4b:s1+s7], $0x80, v4, vm1, $0xb8;
	[tilespmem:$0x18400] =	vst v63  }
0x225: {  	v3 =	vperm.xlane @!p0 v3, v5;
	s12 =	simm.s32 @!p0 $0x4C00  }
0x226: {  	[tilespmem:s12], [sflag:$0x2] =	stream.indirect_vreg.gather @!p0 [hbm4b:s14+s7], $0x80, v4, vm1, $0xb8;
	[tilespmem:$0x18400] =	vst v63  }
0x227: {  	v3 =	vadd.s32 @!p0 v6, v3;
	s12 =	simm.s32 @!p0 $0x5400  }
0x228: {  	[tilespmem:s12], [sflag:$0x2] =	stream.indirect_vreg.gather @!p0 [hbm4b:s15+s7], $0x80, v4, vm1, $0xb8;
	[tilespmem:$0x18400] =	vst v63  }
0x229: {  	s12 =	simm.s32 @!p0 $0x5C00  }
0x22a: {  	[tilespmem:s12], [sflag:$0x2] =	stream.indirect_vreg.gather @!p0 [hbm4b:s16+s7], $0x80, v4, vm1, $0xb8;
	[tilespmem:$0x18400] =	vst v63  }
0x22b: {  	s12 =	simm.s32 @!p0 $0x6400  }
0x22c: {  	[tilespmem:s12], [sflag:$0x2] =	stream.indirect_vreg.gather @!p0 [hbm4b:s1+s7], $0x80, v3, vm1, $0xb8;
	[tilespmem:$0x18400] =	vst v63  }
0x22d: {  	s12 =	simm.s32 @!p0 $0x6C00  }
0x22e: {  	[tilespmem:s12], [sflag:$0x2] =	stream.indirect_vreg.gather @!p0 [hbm4b:s14+s7], $0x80, v3, vm1, $0xb8;
	[tilespmem:$0x18400] =	vst v63  }
0x22f: {  	s12 =	simm.s32 @!p0 $0x7400  }
0x230: {  	[tilespmem:s12], [sflag:$0x2] =	stream.indirect_vreg.gather @!p0 [hbm4b:s15+s7], $0x80, v3, vm1, $0xb8;
	[tilespmem:$0x18400] =	vst v63  }
0x231: {  	s26 =	simm.s32 $0x0;
	s12 =	simm.s32 @!p0 $0x7C00  }
0x232: {  	[tilespmem:s12], [sflag:$0x2] =	stream.indirect_vreg.gather @!p0 [hbm4b:s16+s7], $0x80, v3, vm1, $0xb8;
	[tilespmem:$0x18400] =	vst v63  }
0x233: {  	s28 =	sand.u32 $0x2000, s26;
	s17 =	sand.u32 $0x1C00, s26;
	_ =	swait.ge [sflag:s3], $0x4000  }
0x234: {  	s12 =	sor.u32 s17, s28;
	s7 =	sand.u32 $0x380, s26;
	[sflag:s3] =	ssyncset.done $0x0  }
0x235: {  	s12 =	sor.u32 s7, s12;
	[sflag:s3] =	ssyncadd.s32 $0xFFFFC000  }
0x236: {  	v3 =	vld [tilespmem:s12+$0x14470]  }
0x237: {  	v6 =	vld [tilespmem:s12+$0x14400]  }
0x238: {  	v7 =	vld [tilespmem:s12+$0x14410]  }
0x239: {  	v8 =	vld [tilespmem:s12+$0x14420]  }
0x23a: {  	v9 =	vld [tilespmem:s12+$0x14430]  }
0x23b: {  	v5 =	vld [tilespmem:s12+$0x14440]  }
0x23c: {  	v4 =	vld [tilespmem:s12+$0x14450]  }
0x23d: {  	[tilespmem:s12+$0xC470] =	vst.add.f32.msk $0xffff, v3  }
0x23e: {  	v3 =	vld [tilespmem:s12+$0x14460]  }
0x23f: {  	[tilespmem:s12+$0xC400] =	vst.add.f32.msk $0xffff, v6  }
0x240: {  	[tilespmem:s12+$0xC410] =	vst.add.f32.msk $0xffff, v7  }
0x241: {  	s18 =	simm.s32 $0x0;
	[tilespmem:s12+$0xC420] =	vst.add.f32.msk $0xffff, v8  }
0x242: {  	s19 =	simm.s32 $0x10;
	s20 =	simm.s32 $0x80;
	s22 =	simm.s32 $0x400;
	[tilespmem:s12+$0xC430] =	vst.add.f32.msk $0xffff, v9  }
.LBB2_17:
0x243: {  	s7 =	sand.u32 $0x2000, s20;
	s17 =	sand.u32 $0x1C00, s22;
	s18 =	sadd.s32 $0x8, s18;
	[tilespmem:s12+$0xC440] =	vst.add.f32.msk $0xffff, v5  }
0x244: {  	s7 =	sor.u32 s17, s7;
	s17 =	sand.u32 $0x380, s19;
	p0 =	slt.u32 s18, $0x3F8;
	[tilespmem:s12+$0xC450] =	vst.add.f32.msk $0xffff, v4  }
0x245: {  	[tilespmem:s12+$0xC460] =	vst.add.f32.msk $0xffff, v3;
	s12 =	sor.u32 s17, s7  }
0x246: {  	v3 =	vld [tilespmem:s12+$0x14470]  }
0x247: {  	v6 =	vld [tilespmem:s12+$0x14400]  }
0x248: {  	v7 =	vld [tilespmem:s12+$0x14410]  }
0x249: {  	v8 =	vld [tilespmem:s12+$0x14420]  }
0x24a: {  	v9 =	vld [tilespmem:s12+$0x14430]  }
0x24b: {  	[tilespmem:s12+$0xC470] =	vst.add.f32.msk $0xffff, v3  }
0x24c: {  	v5 =	vld [tilespmem:s12+$0x14440]  }
0x24d: {  	v4 =	vld [tilespmem:s12+$0x14450]  }
.Ltmp7:
0x24e: {  	v3 =	vld [tilespmem:s12+$0x14460];
	(pc) =	sbr.rel @p0 .LBB2_17-.Ltmp7, $4  }
0x24f: {  	[tilespmem:s12+$0xC400] =	vst.add.f32.msk $0xffff, v6  }
0x250: {  	[tilespmem:s12+$0xC410] =	vst.add.f32.msk $0xffff, v7  }
0x251: {  	[tilespmem:s12+$0xC420] =	vst.add.f32.msk $0xffff, v8  }
0x252: {  	s20 =	sadd.s32 $0x80, s20;
	s22 =	sadd.s32 $0x400, s22;
	s19 =	sadd.s32 $0x10, s19;
	[tilespmem:s12+$0xC430] =	vst.add.f32.msk $0xffff, v9  }
0x253: {  	s8 =	sadd.s32 $0x1, s8  }
0x254: {  	p0 =	sne.s32 s8, $0x8  }
.Ltmp8:
0x255: {  	_ = 	snop;
	(pc) =	sbr.rel @p0 .LBB2_2-.Ltmp8, $4  }
0x256: {  	[tilespmem:s12+$0xC440] =	vst.add.f32.msk $0xffff, v5;
	s7 =	sadd.s32 s10, s11  }
0x257: {  	[tilespmem:s12+$0xC450] =	vst.add.f32.msk $0xffff, v4;
	s7 =	sshll.u32 s7, $0x7  }
0x258: {  	[tilespmem:s12+$0xC460] =	vst.add.f32.msk $0xffff, v3;
	s7 =	sadd.s32 s2, s7  }
0x259: {  	[hbm4b:s7+s4] =	stream.linear.scatter [tilespmem:s21], [sflag:$0x8], $0x4000, $0x38;
	[tilespmem:$0x18400] =	vst v63  }
0x25a: {  	s7 =	simm.s32 $0x5  }
0x25b: {  	_ =	swait.ge [sflag:s7], $0x4000  }
0x25c: {  	[sflag:s7] =	ssyncset.done $0x0  }
0x25d: {  	s25 =	simm.s32 $0x6;
	[sflag:s7] =	ssyncadd.s32 $0xFFFFC000  }
0x25e: {  	_ =	swait.ge [sflag:s25], $0x4000  }
0x25f: {  	[sflag:s25] =	ssyncset.done $0x0  }
0x260: {  	s26 =	simm.s32 $0x7;
	[sflag:s25] =	ssyncadd.s32 $0xFFFFC000  }
0x261: {  	_ =	swait.ge [sflag:s26], $0x4000  }
0x262: {  	[sflag:s26] =	ssyncset.done $0x0  }
0x263: {  	s8 =	simm.s32 $0x8;
	[sflag:s26] =	ssyncadd.s32 $0xFFFFC000  }
0x264: {  	_ =	swait.ge [sflag:s8], $0x4000  }
0x265: {  	s11 =	rddreg [dreg:$0xe]  }
0x266: {  	s28 =	rddreg [dreg:$0x9];
	s11 =	sadd.s32 $0x1, s11  }
0x267: {  	p0 =	sne.s32 s11, s28  }
.Ltmp9:
0x268: {  	_ = 	snop;
	(pc) =	sbr.rel @p0 .LBB2_1-.Ltmp9, $3  }
0x269: {  	_ =	sdelay $0x1  }
0x26a: {  	[sflag:s8] =	ssyncset.done $0x0  }
0x26b: {  	[sflag:s8] =	ssyncadd.s32 $0xFFFFC000  }
0x26c: {  	_ =	sfence.sel $0x180000  }
0x26d: {  	[bflag:$0x0] =	sbarrier.arrive $0xFFFF  }
0x26e: {  	_ =	strace $0x90000047  }
0x26f: {  	s0 =	stileid.u32;
	[bflag:$0x2] =	sbarrier.arrive $0xFFFF  }
0x270: {  	p0 =	sne.s32 s0, $0x0;
	s0 =	rddreg [dreg:$0x4]  }
0x271: {  	s0 =	sadd.s32 @!p0 $0x100000, s0  }
0x272: {  	[sflag:s0] =	ssyncadd.tile.s32 @!p0 $0x1;
	_ =	shalt  }
.Lfunc_end2:
_tile_overlayer_lowered:
.L_overlay_start_2:
0x273: {  	(tag) =	ssettag $0x2  }
0x274: {  	s0 =	rddreg [dreg:$0x0];
	s2 =	stileid.u32  }
0x275: {  	s1 =	rddreg [dreg:$0x1];
	p0 =	sne.s32 s2, $0x0  }
0x276: {  	s3 =	rddreg [dreg:$0x2];
	[bflag:$0x3] =	sbarrier.arrive $0xFFFF;
	s2 =	simm.s32 @!p0 $0x1C0B  }
0x277: {  	[timem:s3], [sflag:s2] =	dma.local @!p0 [hbm:s0], s1  }
0x278: {  	s0 =	simm.s32 @!p0 $0xB  }
0x279: {  	_ =	swait.ge @!p0 [sflag:s0], s1  }
0x27a: {  	s1 =	ssub.s32 @!p0 $0x0, s1;
	[sflag:s0] =	ssyncset.done @!p0 $0x0  }
0x27b: {  	[sflag:s0] =	ssyncadd.s32 @!p0 s1  }
0x27c: {  	[bflag:$0x3] =	sbarrier.arrive $0xFFFF  }
0x27d: {  	_ =	shalt  }

</sc_bundles>
